<compile_context>
chip_gen: v7x
topology: tpu7x:2x2x1
jax: 0.10.2.dev20260603
libtpu: 0.0.44.dev20260713+nightly
codegen_flags: <defaults>
</compile_context>

<pallas_src>
import functools

import jax
import jax.numpy as jnp
from jax import lax
from jax.experimental import pallas as pl
from jax.experimental.pallas import tpu as pltpu
from jax.experimental.pallas import tpu_sc as plsc

BATCH = 16384
CF_DIM = 64
CD = 256
ALPHA = 0.5

NC = 2
NS = 16
NW = NC * NS
BPW = BATCH // NW

CF_SUB = 128
CF_NSUB = BPW // CF_SUB
PR_SUB = 64
PR_NSUB = BPW // PR_SUB

N_ROWS = 100000
N_PAD = 100096
PREP_R = 5888


def _mesh():
    return plsc.VectorSubcoreMesh(core_axis_name="c", subcore_axis_name="s",
                                  num_cores=NC, num_subcores=NS)


@functools.cache
def _make_sc_cfgather(n):
    bpw = n // NW
    nsub = bpw // CF_SUB

    @functools.partial(
        pl.kernel,
        out_type=[
            jax.ShapeDtypeStruct((n, 2 * CF_DIM), jnp.float32),
            jax.ShapeDtypeStruct((n, 2 * CF_DIM), jnp.float32),
        ],
        mesh=_mesh(),
        scratch_types=[
            pltpu.VMEM((bpw,), jnp.int32),
            pltpu.VMEM((bpw,), jnp.int32),
            pltpu.VMEM((2, CF_SUB, 2 * CF_DIM), jnp.float32),
            pltpu.VMEM((2, CF_SUB, 2 * CF_DIM), jnp.float32),
            pltpu.SemaphoreType.DMA,
            pltpu.SemaphoreType.DMA,
            pltpu.SemaphoreType.DMA,
            pltpu.SemaphoreType.DMA,
        ],
    )
    def _sc_cfgather(uids, iids, cfcat, dep, ucf_out, icf_out,
                     uid_v, iid_v, ubuf, ibuf, su0, su1, si0, si1):
        del dep
        wid = lax.axis_index("s") * NC + lax.axis_index("c")
        base = wid * bpw
        pltpu.sync_copy(uids.at[pl.ds(base, bpw)], uid_v)
        pltpu.sync_copy(iids.at[pl.ds(base, bpw)], iid_v)
        sem_u = (su0, su1)
        sem_i = (si0, si1)

        def fire(c):
            o = c * CF_SUB
            s = c % 2
            cu = pltpu.async_copy(cfcat.at[uid_v.at[pl.ds(o, CF_SUB)]],
                                  ubuf.at[s], sem_u[s])
            ci = pltpu.async_copy(cfcat.at[iid_v.at[pl.ds(o, CF_SUB)]],
                                  ibuf.at[s], sem_i[s])
            return cu, ci

        pend = fire(0)
        for c in range(nsub):
            cu, ci = pend
            if c + 1 < nsub:
                nxt = fire(c + 1)
            cu.wait()
            ci.wait()
            o = c * CF_SUB
            s = c % 2
            pltpu.sync_copy(ubuf.at[s], ucf_out.at[pl.ds(base + o, CF_SUB)])
            pltpu.sync_copy(ibuf.at[s], icf_out.at[pl.ds(base + o, CF_SUB)])
            if c + 1 < nsub:
                pend = nxt

    return _sc_cfgather


@functools.cache
def _make_sc_gather():
    @functools.partial(
        pl.kernel,
        out_type=[
            jax.ShapeDtypeStruct((BATCH, CD), jnp.float32),
            jax.ShapeDtypeStruct((BATCH, CD), jnp.float32),
        ],
        mesh=_mesh(),
        scratch_types=[
            pltpu.VMEM((BPW,), jnp.int32),
            pltpu.VMEM((BPW,), jnp.int32),
            pltpu.VMEM((2, PR_SUB, CD), jnp.float32),
            pltpu.VMEM((2, PR_SUB, CD), jnp.float32),
            pltpu.SemaphoreType.DMA,
            pltpu.SemaphoreType.DMA,
            pltpu.SemaphoreType.DMA,
            pltpu.SemaphoreType.DMA,
        ],
    )
    def _sc_gather(uids, iids, uprof, icont,
                   uprof_out, icont_out,
                   uid_v, iid_v, ubuf, ibuf, su0, su1, si0, si1):
        wid = lax.axis_index("s") * NC + lax.axis_index("c")
        base = wid * BPW
        pltpu.sync_copy(uids.at[pl.ds(base, BPW)], uid_v)
        pltpu.sync_copy(iids.at[pl.ds(base, BPW)], iid_v)
        sem_u = (su0, su1)
        sem_i = (si0, si1)

        def fire(c):
            o = c * PR_SUB
            s = c % 2
            cu = pltpu.async_copy(uprof.at[uid_v.at[pl.ds(o, PR_SUB)]],
                                  ubuf.at[s], sem_u[s])
            ci = pltpu.async_copy(icont.at[iid_v.at[pl.ds(o, PR_SUB)]],
                                  ibuf.at[s], sem_i[s])
            return cu, ci

        pend = fire(0)
        for c in range(PR_NSUB):
            cu, ci = pend
            if c + 1 < PR_NSUB:
                nxt = fire(c + 1)
            cu.wait()
            ci.wait()
            o = c * PR_SUB
            s = c % 2
            pltpu.sync_copy(ubuf.at[s], uprof_out.at[pl.ds(base + o, PR_SUB)])
            pltpu.sync_copy(ibuf.at[s], icont_out.at[pl.ds(base + o, PR_SUB)])
            if c + 1 < PR_NSUB:
                pend = nxt

    return _sc_gather


def _tc_prep_body(ut_ref, it_ref, out_ref):
    out_ref[...] = jnp.concatenate([ut_ref[...].T, it_ref[...].T], axis=1)


_tc_prep = pl.pallas_call(
    _tc_prep_body,
    grid=(N_PAD // PREP_R,),
    in_specs=[
        pl.BlockSpec((CF_DIM, PREP_R), lambda i: (0, i)),
        pl.BlockSpec((CF_DIM, PREP_R), lambda i: (0, i)),
    ],
    out_specs=pl.BlockSpec((PREP_R, 2 * CF_DIM), lambda i: (i, 0)),
    out_shape=jax.ShapeDtypeStruct((N_PAD, 2 * CF_DIM), jnp.float32),
)


BLK = 4096


def _tc_body(ucf_ref, icf_ref, uprof_ref, icont_ref, w_ref, b_ref, g_ref,
             beta_ref, out_ref):
    u = uprof_ref[...]
    h = jnp.dot(u, w_ref[...], preferred_element_type=jnp.float32)
    h = h + b_ref[...]
    mu = jnp.mean(h, axis=1, keepdims=True)
    var = jnp.mean((h - mu) * (h - mu), axis=1, keepdims=True)
    hn = (h - mu) * lax.rsqrt(var + 1e-5) * g_ref[...] + beta_ref[...]
    hg = hn * 0.5 * (1.0 + lax.erf(hn * 0.7071067811865476))
    content = jnp.sum(hg * icont_ref[...], axis=1)
    cf = jnp.sum(ucf_ref[:, :CF_DIM] * icf_ref[:, CF_DIM:], axis=1)
    out_ref[...] = ALPHA * cf + (1.0 - ALPHA) * content


@functools.cache
def _make_tc_score(n, row_off):
    ob = row_off // BLK
    return pl.pallas_call(
        _tc_body,
        grid=(n // BLK,),
        in_specs=[
            pl.BlockSpec((BLK, 2 * CF_DIM), lambda i: (i, 0)),
            pl.BlockSpec((BLK, 2 * CF_DIM), lambda i: (i, 0)),
            pl.BlockSpec((BLK, CD), lambda i: (i + ob, 0)),
            pl.BlockSpec((BLK, CD), lambda i: (i + ob, 0)),
            pl.BlockSpec((CD, CD), lambda i: (0, 0)),
            pl.BlockSpec((1, CD), lambda i: (0, 0)),
            pl.BlockSpec((1, CD), lambda i: (0, 0)),
            pl.BlockSpec((1, CD), lambda i: (0, 0)),
        ],
        out_specs=pl.BlockSpec((BLK,), lambda i: (i,)),
        out_shape=jax.ShapeDtypeStruct((n,), jnp.float32),
    )


def kernel(user_ids, item_ids, user_cf_weight, item_cf_weight,
           raw_user_profiles, article_content_embeddings,
           proj_W, proj_b, ln_gamma, ln_beta):
    uprof_g, icont_g = _make_sc_gather()(
        user_ids, item_ids, raw_user_profiles, article_content_embeddings)
    cfcat = _tc_prep(user_cf_weight.T, item_cf_weight.T)
    small = (proj_W, proj_b.reshape(1, CD), ln_gamma.reshape(1, CD),
             ln_beta.reshape(1, CD))
    ucf_g, icf_g = _make_sc_cfgather(BATCH)(user_ids, item_ids, cfcat, uprof_g)
    return _make_tc_score(BATCH, 0)(ucf_g, icf_g, uprof_g, icont_g, *small)

# --- scband reference (transcript-rebuilt; emitter-appended) ---
"""Pipeline reference for scband-hybrid-recommender-56298431316519 (READ-ONLY COPY).

The authoritative reference and input builder live on the scoring server;
editing this copy changes nothing except your own understanding.
"""

import jax, jax.numpy as jnp
import numpy as np

N_USERS = 100000
N_ITEMS = 100000
CF_DIM = 64
CONTENT_DIM = 256
BATCH = 16384
ALPHA = 0.5

def setup_inputs(seed: int = 0) -> dict:
    key = jax.random.key(seed)
    ks = jax.random.split(key, 10)
    return {
        'user_ids': jax.random.randint(ks[0], (BATCH,), 0, N_USERS, dtype=jnp.int32),
        'item_ids': jax.random.randint(ks[1], (BATCH,), 0, N_ITEMS, dtype=jnp.int32),
        'user_cf_weight': jax.random.normal(ks[2], (N_USERS, CF_DIM), dtype=jnp.float32) * 0.05,
        'item_cf_weight': jax.random.normal(ks[3], (N_ITEMS, CF_DIM), dtype=jnp.float32) * 0.05,
        'raw_user_profiles': jax.random.normal(ks[4], (N_USERS, CONTENT_DIM), dtype=jnp.float32) * 0.05,
        'article_content_embeddings': jax.random.normal(ks[5], (N_ITEMS, CONTENT_DIM), dtype=jnp.float32) * 0.05,
        'proj_W': jax.random.normal(ks[6], (CONTENT_DIM, CONTENT_DIM), dtype=jnp.float32) * 0.05,
        'proj_b': jnp.zeros((CONTENT_DIM,), dtype=jnp.float32),
        'ln_gamma': jnp.ones((CONTENT_DIM,), dtype=jnp.float32),
        'ln_beta': jnp.zeros((CONTENT_DIM,), dtype=jnp.float32),
    }

def _layer_norm(x, gamma, beta, eps=1e-5):
    mu = jnp.mean(x, axis=-1, keepdims=True)
    var = jnp.var(x, axis=-1, keepdims=True)
    return (x - mu) / jnp.sqrt(var + eps) * gamma + beta

def reference(user_ids, item_ids, user_cf_weight, item_cf_weight,
              raw_user_profiles, article_content_embeddings,
              proj_W, proj_b, ln_gamma, ln_beta):
    # Collaborative filtering score: dot(user_emb, item_emb)
    u_cf = jnp.take(user_cf_weight, user_ids, axis=0)
    i_cf = jnp.take(item_cf_weight, item_ids, axis=0)
    cf_score = jnp.sum(u_cf * i_cf, axis=-1)
    # Content score: project user profile (Linear -> LayerNorm -> GELU), dot with item content emb
    u_prof = jnp.take(raw_user_profiles, user_ids, axis=0)
    h = u_prof @ proj_W + proj_b
    h = _layer_norm(h, ln_gamma, ln_beta)
    h = jax.nn.gelu(h, approximate=False)
    i_content = jnp.take(article_content_embeddings, item_ids, axis=0)
    content_score = jnp.sum(h * i_content, axis=-1)
    return ALPHA * cf_score + (1.0 - ALPHA) * content_score

if __name__ == "__main__":
    import jax
    _d = setup_inputs()
    print(jax.jit(kernel)(*tuple(_d.values())))

</pallas_src>

<mosaic_0001>
#map = affine_map<(d0, d1) -> (0)>
#map1 = affine_map<(d0, d1) -> (0, 0)>
module attributes {stable_mosaic.version = 14 : i64} {
  func.func @_sc_cfgather(%arg0: i32, %arg1: i32, %arg2: memref<16384xi32, #tpu.memory_space<hbm>>, %arg3: memref<16384xi32, #tpu.memory_space<hbm>>, %arg4: memref<100096x128xf32, #tpu.memory_space<hbm>>, %arg5: memref<16384x256xf32, #tpu.memory_space<hbm>>, %arg6: memref<16384x128xf32, #tpu.memory_space<hbm>>, %arg7: memref<16384x128xf32, #tpu.memory_space<hbm>>, %arg8: memref<512xi32, #tpu.memory_space<vmem>>, %arg9: memref<512xi32, #tpu.memory_space<vmem>>, %arg10: memref<2x128x128xf32, #tpu.memory_space<vmem>>, %arg11: memref<2x128x128xf32, #tpu.memory_space<vmem>>, %arg12: memref<!tpu.dma_semaphore, #tpu.memory_space<semaphore_mem>>, %arg13: memref<!tpu.dma_semaphore, #tpu.memory_space<semaphore_mem>>, %arg14: memref<!tpu.dma_semaphore, #tpu.memory_space<semaphore_mem>>, %arg15: memref<!tpu.dma_semaphore, #tpu.memory_space<semaphore_mem>>) attributes {dimension_semantics = [#tpu.dimension_semantics<core_parallel>, #tpu.dimension_semantics<subcore_parallel>], iteration_bounds = array<i64: 2, 16>, scalar_prefetch = 0 : i64, scratch_operands = 8 : i64, tpu.core_type = #tpu.core_type<sc_vector_subcore>, window_params = [{transform_indices = #map}, {transform_indices = #map}, {transform_indices = #map1}, {transform_indices = #map1}, {transform_indices = #map1}, {transform_indices = #map1}]} {
    %mul3A = arith.constant 2 : i32
    %mul3A_0 = arith.muli %arg1, %mul3A : i32
    %add3A = arith.addi %mul3A_0, %arg0 : i32
    %mul3A_1 = arith.constant 512 : i32
    %mul3A_2 = arith.muli %add3A, %mul3A_1 : i32
    "tpu.region"() ({
      %run_scoped3A_184 = tpu.sem_alloc : memref<!tpu.dma_semaphore, #tpu.memory_space<semaphore_mem>>
      %dma_start3A_185 = tpu.memref_slice %arg2[%mul3A_2] : memref<16384xi32, #tpu.memory_space<hbm>> -> memref<512xi32, #tpu.memory_space<hbm>>
      %dma_start3A_186 = tpu.memref_slice %arg2[%mul3A_2] : memref<16384xi32, #tpu.memory_space<hbm>> -> memref<512xi32, #tpu.memory_space<hbm>>
      tpu.enqueue_dma source(%dma_start3A_186 : memref<512xi32, #tpu.memory_space<hbm>>) target(%arg8 : memref<512xi32, #tpu.memory_space<vmem>>) target_semaphore(%run_scoped3A_184 : memref<!tpu.dma_semaphore, #tpu.memory_space<semaphore_mem>>)
      %dma_wait3A_187 = tpu.memref_slice %arg2[%mul3A_2] : memref<16384xi32, #tpu.memory_space<hbm>> -> memref<512xi32, #tpu.memory_space<hbm>>
      %dma_wait3A_188 = tpu.memref_slice %arg2[%mul3A_2] : memref<16384xi32, #tpu.memory_space<hbm>> -> memref<512xi32, #tpu.memory_space<hbm>>
      tpu.wait_dma2 semaphore(%run_scoped3A_184 : memref<!tpu.dma_semaphore, #tpu.memory_space<semaphore_mem>>) src(%dma_wait3A_188 : memref<512xi32, #tpu.memory_space<hbm>>) dst(%arg8 : memref<512xi32, #tpu.memory_space<vmem>>)
      tpu.yield
    }) : () -> ()
    "tpu.region"() ({
      %run_scoped3A_184 = tpu.sem_alloc : memref<!tpu.dma_semaphore, #tpu.memory_space<semaphore_mem>>
      %dma_start3A_185 = tpu.memref_slice %arg3[%mul3A_2] : memref<16384xi32, #tpu.memory_space<hbm>> -> memref<512xi32, #tpu.memory_space<hbm>>
      %dma_start3A_186 = tpu.memref_slice %arg3[%mul3A_2] : memref<16384xi32, #tpu.memory_space<hbm>> -> memref<512xi32, #tpu.memory_space<hbm>>
      tpu.enqueue_dma source(%dma_start3A_186 : memref<512xi32, #tpu.memory_space<hbm>>) target(%arg9 : memref<512xi32, #tpu.memory_space<vmem>>) target_semaphore(%run_scoped3A_184 : memref<!tpu.dma_semaphore, #tpu.memory_space<semaphore_mem>>)
      %dma_wait3A_187 = tpu.memref_slice %arg3[%mul3A_2] : memref<16384xi32, #tpu.memory_space<hbm>> -> memref<512xi32, #tpu.memory_space<hbm>>
      %dma_wait3A_188 = tpu.memref_slice %arg3[%mul3A_2] : memref<16384xi32, #tpu.memory_space<hbm>> -> memref<512xi32, #tpu.memory_space<hbm>>
      tpu.wait_dma2 semaphore(%run_scoped3A_184 : memref<!tpu.dma_semaphore, #tpu.memory_space<semaphore_mem>>) src(%dma_wait3A_188 : memref<512xi32, #tpu.memory_space<hbm>>) dst(%arg9 : memref<512xi32, #tpu.memory_space<vmem>>)
      tpu.yield
    }) : () -> ()
    %dma_start3A = arith.constant 0 : i32
    %dma_start3A_3 = arith.constant 0 : i32
    %dma_start3A_4 = arith.constant 0 : i32
    %dma_start3A_5 = tpu.memref_slice %arg10[%dma_start3A, %dma_start3A_3, %dma_start3A_4] : memref<2x128x128xf32, #tpu.memory_space<vmem>> -> memref<1x128x128xf32, #tpu.memory_space<vmem>>
    %dma_start3A_6 = tpu.memref_squeeze %dma_start3A_5 : memref<1x128x128xf32, #tpu.memory_space<vmem>> -> memref<128x128xf32, #tpu.memory_space<vmem>>
    %dma_start3A_7 = arith.constant 0 : i32
    %dma_start3A_8 = tpu.memref_slice %arg8[%dma_start3A_7] : memref<512xi32, #tpu.memory_space<vmem>> -> memref<128xi32, #tpu.memory_space<vmem>>
    %dma_start3A_9 = arith.constant 0 : i32
    %dma_start3A_10 = arith.constant 0 : i32
    %dma_start3A_11 = tpu.memref_slice %arg4[%dma_start3A_9, %dma_start3A_10] : memref<100096x128xf32, #tpu.memory_space<hbm>> -> memref<100096x128xf32, #tpu.memory_space<hbm>>
    tpu.enqueue_indirect_dma source(%dma_start3A_11 : memref<100096x128xf32, #tpu.memory_space<hbm>>) target(%dma_start3A_6 : memref<128x128xf32, #tpu.memory_space<vmem>>) offsets(%dma_start3A_8 : memref<128xi32, #tpu.memory_space<vmem>>) semaphore(%arg12 : memref<!tpu.dma_semaphore, #tpu.memory_space<semaphore_mem>>)
    %dma_start3A_12 = arith.constant 0 : i32
    %dma_start3A_13 = arith.constant 0 : i32
    %dma_start3A_14 = arith.constant 0 : i32
    %dma_start3A_15 = tpu.memref_slice %arg11[%dma_start3A_12, %dma_start3A_13, %dma_start3A_14] : memref<2x128x128xf32, #tpu.memory_space<vmem>> -> memref<1x128x128xf32, #tpu.memory_space<vmem>>
    %dma_start3A_16 = tpu.memref_squeeze %dma_start3A_15 : memref<1x128x128xf32, #tpu.memory_space<vmem>> -> memref<128x128xf32, #tpu.memory_space<vmem>>
    %dma_start3A_17 = arith.constant 0 : i32
    %dma_start3A_18 = tpu.memref_slice %arg9[%dma_start3A_17] : memref<512xi32, #tpu.memory_space<vmem>> -> memref<128xi32, #tpu.memory_space<vmem>>
    %dma_start3A_19 = arith.constant 0 : i32
    %dma_start3A_20 = arith.constant 0 : i32
    %dma_start3A_21 = tpu.memref_slice %arg4[%dma_start3A_19, %dma_start3A_20] : memref<100096x128xf32, #tpu.memory_space<hbm>> -> memref<100096x128xf32, #tpu.memory_space<hbm>>
    tpu.enqueue_indirect_dma source(%dma_start3A_21 : memref<100096x128xf32, #tpu.memory_space<hbm>>) target(%dma_start3A_16 : memref<128x128xf32, #tpu.memory_space<vmem>>) offsets(%dma_start3A_18 : memref<128xi32, #tpu.memory_space<vmem>>) semaphore(%arg14 : memref<!tpu.dma_semaphore, #tpu.memory_space<semaphore_mem>>)
    %dma_start3A_22 = arith.constant 1 : i32
    %dma_start3A_23 = arith.constant 0 : i32
    %dma_start3A_24 = arith.constant 0 : i32
    %dma_start3A_25 = tpu.memref_slice %arg10[%dma_start3A_22, %dma_start3A_23, %dma_start3A_24] : memref<2x128x128xf32, #tpu.memory_space<vmem>> -> memref<1x128x128xf32, #tpu.memory_space<vmem>>
    %dma_start3A_26 = tpu.memref_squeeze %dma_start3A_25 : memref<1x128x128xf32, #tpu.memory_space<vmem>> -> memref<128x128xf32, #tpu.memory_space<vmem>>
    %dma_start3A_27 = arith.constant 128 : i32
    %dma_start3A_28 = tpu.memref_slice %arg8[%dma_start3A_27] : memref<512xi32, #tpu.memory_space<vmem>> -> memref<128xi32, #tpu.memory_space<vmem>>
    %dma_start3A_29 = arith.constant 0 : i32
    %dma_start3A_30 = arith.constant 0 : i32
    %dma_start3A_31 = tpu.memref_slice %arg4[%dma_start3A_29, %dma_start3A_30] : memref<100096x128xf32, #tpu.memory_space<hbm>> -> memref<100096x128xf32, #tpu.memory_space<hbm>>
    tpu.enqueue_indirect_dma source(%dma_start3A_31 : memref<100096x128xf32, #tpu.memory_space<hbm>>) target(%dma_start3A_26 : memref<128x128xf32, #tpu.memory_space<vmem>>) offsets(%dma_start3A_28 : memref<128xi32, #tpu.memory_space<vmem>>) semaphore(%arg13 : memref<!tpu.dma_semaphore, #tpu.memory_space<semaphore_mem>>)
    %dma_start3A_32 = arith.constant 1 : i32
    %dma_start3A_33 = arith.constant 0 : i32
    %dma_start3A_34 = arith.constant 0 : i32
    %dma_start3A_35 = tpu.memref_slice %arg11[%dma_start3A_32, %dma_start3A_33, %dma_start3A_34] : memref<2x128x128xf32, #tpu.memory_space<vmem>> -> memref<1x128x128xf32, #tpu.memory_space<vmem>>
    %dma_start3A_36 = tpu.memref_squeeze %dma_start3A_35 : memref<1x128x128xf32, #tpu.memory_space<vmem>> -> memref<128x128xf32, #tpu.memory_space<vmem>>
    %dma_start3A_37 = arith.constant 128 : i32
    %dma_start3A_38 = tpu.memref_slice %arg9[%dma_start3A_37] : memref<512xi32, #tpu.memory_space<vmem>> -> memref<128xi32, #tpu.memory_space<vmem>>
    %dma_start3A_39 = arith.constant 0 : i32
    %dma_start3A_40 = arith.constant 0 : i32
    %dma_start3A_41 = tpu.memref_slice %arg4[%dma_start3A_39, %dma_start3A_40] : memref<100096x128xf32, #tpu.memory_space<hbm>> -> memref<100096x128xf32, #tpu.memory_space<hbm>>
    tpu.enqueue_indirect_dma source(%dma_start3A_41 : memref<100096x128xf32, #tpu.memory_space<hbm>>) target(%dma_start3A_36 : memref<128x128xf32, #tpu.memory_space<vmem>>) offsets(%dma_start3A_38 : memref<128xi32, #tpu.memory_space<vmem>>) semaphore(%arg15 : memref<!tpu.dma_semaphore, #tpu.memory_space<semaphore_mem>>)
    %dma_wait3A = arith.constant 0 : i32
    %dma_wait3A_42 = arith.constant 0 : i32
    %dma_wait3A_43 = arith.constant 0 : i32
    %dma_wait3A_44 = tpu.memref_slice %arg10[%dma_wait3A, %dma_wait3A_42, %dma_wait3A_43] : memref<2x128x128xf32, #tpu.memory_space<vmem>> -> memref<1x128x128xf32, #tpu.memory_space<vmem>>
    %dma_wait3A_45 = tpu.memref_squeeze %dma_wait3A_44 : memref<1x128x128xf32, #tpu.memory_space<vmem>> -> memref<128x128xf32, #tpu.memory_space<vmem>>
    %dma_wait3A_46 = arith.constant 0 : i32
    %dma_wait3A_47 = tpu.memref_slice %arg8[%dma_wait3A_46] : memref<512xi32, #tpu.memory_space<vmem>> -> memref<128xi32, #tpu.memory_space<vmem>>
    %dma_wait3A_48 = arith.constant 0 : i32
    %dma_wait3A_49 = arith.constant 0 : i32
    %dma_wait3A_50 = tpu.memref_slice %arg4[%dma_wait3A_48, %dma_wait3A_49] : memref<100096x128xf32, #tpu.memory_space<hbm>> -> memref<100096x128xf32, #tpu.memory_space<hbm>>
    tpu.wait_indirect_dma semaphore(%arg12 : memref<!tpu.dma_semaphore, #tpu.memory_space<semaphore_mem>>) src(%dma_wait3A_50 : memref<100096x128xf32, #tpu.memory_space<hbm>>) dst(%dma_wait3A_45 : memref<128x128xf32, #tpu.memory_space<vmem>>)
    %dma_wait3A_51 = arith.constant 0 : i32
    %dma_wait3A_52 = arith.constant 0 : i32
    %dma_wait3A_53 = arith.constant 0 : i32
    %dma_wait3A_54 = tpu.memref_slice %arg11[%dma_wait3A_51, %dma_wait3A_52, %dma_wait3A_53] : memref<2x128x128xf32, #tpu.memory_space<vmem>> -> memref<1x128x128xf32, #tpu.memory_space<vmem>>
    %dma_wait3A_55 = tpu.memref_squeeze %dma_wait3A_54 : memref<1x128x128xf32, #tpu.memory_space<vmem>> -> memref<128x128xf32, #tpu.memory_space<vmem>>
    %dma_wait3A_56 = arith.constant 0 : i32
    %dma_wait3A_57 = tpu.memref_slice %arg9[%dma_wait3A_56] : memref<512xi32, #tpu.memory_space<vmem>> -> memref<128xi32, #tpu.memory_space<vmem>>
    %dma_wait3A_58 = arith.constant 0 : i32
    %dma_wait3A_59 = arith.constant 0 : i32
    %dma_wait3A_60 = tpu.memref_slice %arg4[%dma_wait3A_58, %dma_wait3A_59] : memref<100096x128xf32, #tpu.memory_space<hbm>> -> memref<100096x128xf32, #tpu.memory_space<hbm>>
    tpu.wait_indirect_dma semaphore(%arg14 : memref<!tpu.dma_semaphore, #tpu.memory_space<semaphore_mem>>) src(%dma_wait3A_60 : memref<100096x128xf32, #tpu.memory_space<hbm>>) dst(%dma_wait3A_55 : memref<128x128xf32, #tpu.memory_space<vmem>>)
    %add3A_61 = arith.constant 0 : i32
    %add3A_62 = arith.addi %mul3A_2, %add3A_61 : i32
    %run_scoped3A = arith.constant 0 : i32
    "tpu.region"() ({
      %run_scoped3A_184 = tpu.sem_alloc : memref<!tpu.dma_semaphore, #tpu.memory_space<semaphore_mem>>
      %dma_start3A_185 = arith.constant 0 : i32
      %dma_start3A_186 = arith.constant 0 : i32
      %dma_start3A_187 = tpu.memref_slice %arg10[%run_scoped3A, %dma_start3A_185, %dma_start3A_186] : memref<2x128x128xf32, #tpu.memory_space<vmem>> -> memref<1x128x128xf32, #tpu.memory_space<vmem>>
      %dma_start3A_188 = tpu.memref_squeeze %dma_start3A_187 : memref<1x128x128xf32, #tpu.memory_space<vmem>> -> memref<128x128xf32, #tpu.memory_space<vmem>>
      %dma_start3A_189 = arith.constant 0 : i32
      %dma_start3A_190 = tpu.memref_slice %arg6[%add3A_62, %dma_start3A_189] : memref<16384x128xf32, #tpu.memory_space<hbm>> -> memref<128x128xf32, #tpu.memory_space<hbm>>
      %dma_start3A_191 = arith.constant 0 : i32
      %dma_start3A_192 = tpu.memref_slice %arg6[%add3A_62, %dma_start3A_191] : memref<16384x128xf32, #tpu.memory_space<hbm>> -> memref<128x128xf32, #tpu.memory_space<hbm>>
      %dma_start3A_193 = arith.constant 0 : i32
      %dma_start3A_194 = arith.constant 0 : i32
      %dma_start3A_195 = tpu.memref_slice %arg10[%run_scoped3A, %dma_start3A_193, %dma_start3A_194] : memref<2x128x128xf32, #tpu.memory_space<vmem>> -> memref<1x128x128xf32, #tpu.memory_space<vmem>>
      %dma_start3A_196 = tpu.memref_squeeze %dma_start3A_195 : memref<1x128x128xf32, #tpu.memory_space<vmem>> -> memref<128x128xf32, #tpu.memory_space<vmem>>
      tpu.enqueue_dma source(%dma_start3A_196 : memref<128x128xf32, #tpu.memory_space<vmem>>) target(%dma_start3A_192 : memref<128x128xf32, #tpu.memory_space<hbm>>) target_semaphore(%run_scoped3A_184 : memref<!tpu.dma_semaphore, #tpu.memory_space<semaphore_mem>>)
      %dma_wait3A_197 = arith.constant 0 : i32
      %dma_wait3A_198 = arith.constant 0 : i32
      %dma_wait3A_199 = tpu.memref_slice %arg10[%run_scoped3A, %dma_wait3A_197, %dma_wait3A_198] : memref<2x128x128xf32, #tpu.memory_space<vmem>> -> memref<1x128x128xf32, #tpu.memory_space<vmem>>
      %dma_wait3A_200 = tpu.memref_squeeze %dma_wait3A_199 : memref<1x128x128xf32, #tpu.memory_space<vmem>> -> memref<128x128xf32, #tpu.memory_space<vmem>>
      %dma_wait3A_201 = arith.constant 0 : i32
      %dma_wait3A_202 = tpu.memref_slice %arg6[%add3A_62, %dma_wait3A_201] : memref<16384x128xf32, #tpu.memory_space<hbm>> -> memref<128x128xf32, #tpu.memory_space<hbm>>
      %dma_wait3A_203 = arith.constant 0 : i32
      %dma_wait3A_204 = tpu.memref_slice %arg6[%add3A_62, %dma_wait3A_203] : memref<16384x128xf32, #tpu.memory_space<hbm>> -> memref<128x128xf32, #tpu.memory_space<hbm>>
      %dma_wait3A_205 = arith.constant 0 : i32
      %dma_wait3A_206 = arith.constant 0 : i32
      %dma_wait3A_207 = tpu.memref_slice %arg10[%run_scoped3A, %dma_wait3A_205, %dma_wait3A_206] : memref<2x128x128xf32, #tpu.memory_space<vmem>> -> memref<1x128x128xf32, #tpu.memory_space<vmem>>
      %dma_wait3A_208 = tpu.memref_squeeze %dma_wait3A_207 : memref<1x128x128xf32, #tpu.memory_space<vmem>> -> memref<128x128xf32, #tpu.memory_space<vmem>>
      tpu.wait_dma2 semaphore(%run_scoped3A_184 : memref<!tpu.dma_semaphore, #tpu.memory_space<semaphore_mem>>) src(%dma_wait3A_208 : memref<128x128xf32, #tpu.memory_space<vmem>>) dst(%dma_wait3A_204 : memref<128x128xf32, #tpu.memory_space<hbm>>)
      tpu.yield
    }) : () -> ()
    %add3A_63 = arith.constant 0 : i32
    %add3A_64 = arith.addi %mul3A_2, %add3A_63 : i32
    %run_scoped3A_65 = arith.constant 0 : i32
    "tpu.region"() ({
      %run_scoped3A_184 = tpu.sem_alloc : memref<!tpu.dma_semaphore, #tpu.memory_space<semaphore_mem>>
      %dma_start3A_185 = arith.constant 0 : i32
      %dma_start3A_186 = arith.constant 0 : i32
      %dma_start3A_187 = tpu.memref_slice %arg11[%run_scoped3A_65, %dma_start3A_185, %dma_start3A_186] : memref<2x128x128xf32, #tpu.memory_space<vmem>> -> memref<1x128x128xf32, #tpu.memory_space<vmem>>
      %dma_start3A_188 = tpu.memref_squeeze %dma_start3A_187 : memref<1x128x128xf32, #tpu.memory_space<vmem>> -> memref<128x128xf32, #tpu.memory_space<vmem>>
      %dma_start3A_189 = arith.constant 0 : i32
      %dma_start3A_190 = tpu.memref_slice %arg7[%add3A_64, %dma_start3A_189] : memref<16384x128xf32, #tpu.memory_space<hbm>> -> memref<128x128xf32, #tpu.memory_space<hbm>>
      %dma_start3A_191 = arith.constant 0 : i32
      %dma_start3A_192 = tpu.memref_slice %arg7[%add3A_64, %dma_start3A_191] : memref<16384x128xf32, #tpu.memory_space<hbm>> -> memref<128x128xf32, #tpu.memory_space<hbm>>
      %dma_start3A_193 = arith.constant 0 : i32
      %dma_start3A_194 = arith.constant 0 : i32
      %dma_start3A_195 = tpu.memref_slice %arg11[%run_scoped3A_65, %dma_start3A_193, %dma_start3A_194] : memref<2x128x128xf32, #tpu.memory_space<vmem>> -> memref<1x128x128xf32, #tpu.memory_space<vmem>>
      %dma_start3A_196 = tpu.memref_squeeze %dma_start3A_195 : memref<1x128x128xf32, #tpu.memory_space<vmem>> -> memref<128x128xf32, #tpu.memory_space<vmem>>
      tpu.enqueue_dma source(%dma_start3A_196 : memref<128x128xf32, #tpu.memory_space<vmem>>) target(%dma_start3A_192 : memref<128x128xf32, #tpu.memory_space<hbm>>) target_semaphore(%run_scoped3A_184 : memref<!tpu.dma_semaphore, #tpu.memory_space<semaphore_mem>>)
      %dma_wait3A_197 = arith.constant 0 : i32
      %dma_wait3A_198 = arith.constant 0 : i32
      %dma_wait3A_199 = tpu.memref_slice %arg11[%run_scoped3A_65, %dma_wait3A_197, %dma_wait3A_198] : memref<2x128x128xf32, #tpu.memory_space<vmem>> -> memref<1x128x128xf32, #tpu.memory_space<vmem>>
      %dma_wait3A_200 = tpu.memref_squeeze %dma_wait3A_199 : memref<1x128x128xf32, #tpu.memory_space<vmem>> -> memref<128x128xf32, #tpu.memory_space<vmem>>
      %dma_wait3A_201 = arith.constant 0 : i32
      %dma_wait3A_202 = tpu.memref_slice %arg7[%add3A_64, %dma_wait3A_201] : memref<16384x128xf32, #tpu.memory_space<hbm>> -> memref<128x128xf32, #tpu.memory_space<hbm>>
      %dma_wait3A_203 = arith.constant 0 : i32
      %dma_wait3A_204 = tpu.memref_slice %arg7[%add3A_64, %dma_wait3A_203] : memref<16384x128xf32, #tpu.memory_space<hbm>> -> memref<128x128xf32, #tpu.memory_space<hbm>>
      %dma_wait3A_205 = arith.constant 0 : i32
      %dma_wait3A_206 = arith.constant 0 : i32
      %dma_wait3A_207 = tpu.memref_slice %arg11[%run_scoped3A_65, %dma_wait3A_205, %dma_wait3A_206] : memref<2x128x128xf32, #tpu.memory_space<vmem>> -> memref<1x128x128xf32, #tpu.memory_space<vmem>>
      %dma_wait3A_208 = tpu.memref_squeeze %dma_wait3A_207 : memref<1x128x128xf32, #tpu.memory_space<vmem>> -> memref<128x128xf32, #tpu.memory_space<vmem>>
      tpu.wait_dma2 semaphore(%run_scoped3A_184 : memref<!tpu.dma_semaphore, #tpu.memory_space<semaphore_mem>>) src(%dma_wait3A_208 : memref<128x128xf32, #tpu.memory_space<vmem>>) dst(%dma_wait3A_204 : memref<128x128xf32, #tpu.memory_space<hbm>>)
      tpu.yield
    }) : () -> ()
    %dma_start3A_66 = arith.constant 0 : i32
    %dma_start3A_67 = arith.constant 0 : i32
    %dma_start3A_68 = arith.constant 0 : i32
    %dma_start3A_69 = tpu.memref_slice %arg10[%dma_start3A_66, %dma_start3A_67, %dma_start3A_68] : memref<2x128x128xf32, #tpu.memory_space<vmem>> -> memref<1x128x128xf32, #tpu.memory_space<vmem>>
    %dma_start3A_70 = tpu.memref_squeeze %dma_start3A_69 : memref<1x128x128xf32, #tpu.memory_space<vmem>> -> memref<128x128xf32, #tpu.memory_space<vmem>>
    %dma_start3A_71 = arith.constant 256 : i32
    %dma_start3A_72 = tpu.memref_slice %arg8[%dma_start3A_71] : memref<512xi32, #tpu.memory_space<vmem>> -> memref<128xi32, #tpu.memory_space<vmem>>
    %dma_start3A_73 = arith.constant 0 : i32
    %dma_start3A_74 = arith.constant 0 : i32
    %dma_start3A_75 = tpu.memref_slice %arg4[%dma_start3A_73, %dma_start3A_74] : memref<100096x128xf32, #tpu.memory_space<hbm>> -> memref<100096x128xf32, #tpu.memory_space<hbm>>
    tpu.enqueue_indirect_dma source(%dma_start3A_75 : memref<100096x128xf32, #tpu.memory_space<hbm>>) target(%dma_start3A_70 : memref<128x128xf32, #tpu.memory_space<vmem>>) offsets(%dma_start3A_72 : memref<128xi32, #tpu.memory_space<vmem>>) semaphore(%arg12 : memref<!tpu.dma_semaphore, #tpu.memory_space<semaphore_mem>>)
    %dma_start3A_76 = arith.constant 0 : i32
    %dma_start3A_77 = arith.constant 0 : i32
    %dma_start3A_78 = arith.constant 0 : i32
    %dma_start3A_79 = tpu.memref_slice %arg11[%dma_start3A_76, %dma_start3A_77, %dma_start3A_78] : memref<2x128x128xf32, #tpu.memory_space<vmem>> -> memref<1x128x128xf32, #tpu.memory_space<vmem>>
    %dma_start3A_80 = tpu.memref_squeeze %dma_start3A_79 : memref<1x128x128xf32, #tpu.memory_space<vmem>> -> memref<128x128xf32, #tpu.memory_space<vmem>>
    %dma_start3A_81 = arith.constant 256 : i32
    %dma_start3A_82 = tpu.memref_slice %arg9[%dma_start3A_81] : memref<512xi32, #tpu.memory_space<vmem>> -> memref<128xi32, #tpu.memory_space<vmem>>
    %dma_start3A_83 = arith.constant 0 : i32
    %dma_start3A_84 = arith.constant 0 : i32
    %dma_start3A_85 = tpu.memref_slice %arg4[%dma_start3A_83, %dma_start3A_84] : memref<100096x128xf32, #tpu.memory_space<hbm>> -> memref<100096x128xf32, #tpu.memory_space<hbm>>
    tpu.enqueue_indirect_dma source(%dma_start3A_85 : memref<100096x128xf32, #tpu.memory_space<hbm>>) target(%dma_start3A_80 : memref<128x128xf32, #tpu.memory_space<vmem>>) offsets(%dma_start3A_82 : memref<128xi32, #tpu.memory_space<vmem>>) semaphore(%arg14 : memref<!tpu.dma_semaphore, #tpu.memory_space<semaphore_mem>>)
    %dma_wait3A_86 = arith.constant 1 : i32
    %dma_wait3A_87 = arith.constant 0 : i32
    %dma_wait3A_88 = arith.constant 0 : i32
    %dma_wait3A_89 = tpu.memref_slice %arg10[%dma_wait3A_86, %dma_wait3A_87, %dma_wait3A_88] : memref<2x128x128xf32, #tpu.memory_space<vmem>> -> memref<1x128x128xf32, #tpu.memory_space<vmem>>
    %dma_wait3A_90 = tpu.memref_squeeze %dma_wait3A_89 : memref<1x128x128xf32, #tpu.memory_space<vmem>> -> memref<128x128xf32, #tpu.memory_space<vmem>>
    %dma_wait3A_91 = arith.constant 128 : i32
    %dma_wait3A_92 = tpu.memref_slice %arg8[%dma_wait3A_91] : memref<512xi32, #tpu.memory_space<vmem>> -> memref<128xi32, #tpu.memory_space<vmem>>
    %dma_wait3A_93 = arith.constant 0 : i32
    %dma_wait3A_94 = arith.constant 0 : i32
    %dma_wait3A_95 = tpu.memref_slice %arg4[%dma_wait3A_93, %dma_wait3A_94] : memref<100096x128xf32, #tpu.memory_space<hbm>> -> memref<100096x128xf32, #tpu.memory_space<hbm>>
    tpu.wait_indirect_dma semaphore(%arg13 : memref<!tpu.dma_semaphore, #tpu.memory_space<semaphore_mem>>) src(%dma_wait3A_95 : memref<100096x128xf32, #tpu.memory_space<hbm>>) dst(%dma_wait3A_90 : memref<128x128xf32, #tpu.memory_space<vmem>>)
    %dma_wait3A_96 = arith.constant 1 : i32
    %dma_wait3A_97 = arith.constant 0 : i32
    %dma_wait3A_98 = arith.constant 0 : i32
    %dma_wait3A_99 = tpu.memref_slice %arg11[%dma_wait3A_96, %dma_wait3A_97, %dma_wait3A_98] : memref<2x128x128xf32, #tpu.memory_space<vmem>> -> memref<1x128x128xf32, #tpu.memory_space<vmem>>
    %dma_wait3A_100 = tpu.memref_squeeze %dma_wait3A_99 : memref<1x128x128xf32, #tpu.memory_space<vmem>> -> memref<128x128xf32, #tpu.memory_space<vmem>>
    %dma_wait3A_101 = arith.constant 128 : i32
    %dma_wait3A_102 = tpu.memref_slice %arg9[%dma_wait3A_101] : memref<512xi32, #tpu.memory_space<vmem>> -> memref<128xi32, #tpu.memory_space<vmem>>
    %dma_wait3A_103 = arith.constant 0 : i32
    %dma_wait3A_104 = arith.constant 0 : i32
    %dma_wait3A_105 = tpu.memref_slice %arg4[%dma_wait3A_103, %dma_wait3A_104] : memref<100096x128xf32, #tpu.memory_space<hbm>> -> memref<100096x128xf32, #tpu.memory_space<hbm>>
    tpu.wait_indirect_dma semaphore(%arg15 : memref<!tpu.dma_semaphore, #tpu.memory_space<semaphore_mem>>) src(%dma_wait3A_105 : memref<100096x128xf32, #tpu.memory_space<hbm>>) dst(%dma_wait3A_100 : memref<128x128xf32, #tpu.memory_space<vmem>>)
    %add3A_106 = arith.constant 128 : i32
    %add3A_107 = arith.addi %mul3A_2, %add3A_106 : i32
    %run_scoped3A_108 = arith.constant 1 : i32
    "tpu.region"() ({
      %run_scoped3A_184 = tpu.sem_alloc : memref<!tpu.dma_semaphore, #tpu.memory_space<semaphore_mem>>
      %dma_start3A_185 = arith.constant 0 : i32
      %dma_start3A_186 = arith.constant 0 : i32
      %dma_start3A_187 = tpu.memref_slice %arg10[%run_scoped3A_108, %dma_start3A_185, %dma_start3A_186] : memref<2x128x128xf32, #tpu.memory_space<vmem>> -> memref<1x128x128xf32, #tpu.memory_space<vmem>>
      %dma_start3A_188 = tpu.memref_squeeze %dma_start3A_187 : memref<1x128x128xf32, #tpu.memory_space<vmem>> -> memref<128x128xf32, #tpu.memory_space<vmem>>
      %dma_start3A_189 = arith.constant 0 : i32
      %dma_start3A_190 = tpu.memref_slice %arg6[%add3A_107, %dma_start3A_189] : memref<16384x128xf32, #tpu.memory_space<hbm>> -> memref<128x128xf32, #tpu.memory_space<hbm>>
      %dma_start3A_191 = arith.constant 0 : i32
      %dma_start3A_192 = tpu.memref_slice %arg6[%add3A_107, %dma_start3A_191] : memref<16384x128xf32, #tpu.memory_space<hbm>> -> memref<128x128xf32, #tpu.memory_space<hbm>>
      %dma_start3A_193 = arith.constant 0 : i32
      %dma_start3A_194 = arith.constant 0 : i32
      %dma_start3A_195 = tpu.memref_slice %arg10[%run_scoped3A_108, %dma_start3A_193, %dma_start3A_194] : memref<2x128x128xf32, #tpu.memory_space<vmem>> -> memref<1x128x128xf32, #tpu.memory_space<vmem>>
      %dma_start3A_196 = tpu.memref_squeeze %dma_start3A_195 : memref<1x128x128xf32, #tpu.memory_space<vmem>> -> memref<128x128xf32, #tpu.memory_space<vmem>>
      tpu.enqueue_dma source(%dma_start3A_196 : memref<128x128xf32, #tpu.memory_space<vmem>>) target(%dma_start3A_192 : memref<128x128xf32, #tpu.memory_space<hbm>>) target_semaphore(%run_scoped3A_184 : memref<!tpu.dma_semaphore, #tpu.memory_space<semaphore_mem>>)
      %dma_wait3A_197 = arith.constant 0 : i32
      %dma_wait3A_198 = arith.constant 0 : i32
      %dma_wait3A_199 = tpu.memref_slice %arg10[%run_scoped3A_108, %dma_wait3A_197, %dma_wait3A_198] : memref<2x128x128xf32, #tpu.memory_space<vmem>> -> memref<1x128x128xf32, #tpu.memory_space<vmem>>
      %dma_wait3A_200 = tpu.memref_squeeze %dma_wait3A_199 : memref<1x128x128xf32, #tpu.memory_space<vmem>> -> memref<128x128xf32, #tpu.memory_space<vmem>>
      %dma_wait3A_201 = arith.constant 0 : i32
      %dma_wait3A_202 = tpu.memref_slice %arg6[%add3A_107, %dma_wait3A_201] : memref<16384x128xf32, #tpu.memory_space<hbm>> -> memref<128x128xf32, #tpu.memory_space<hbm>>
      %dma_wait3A_203 = arith.constant 0 : i32
      %dma_wait3A_204 = tpu.memref_slice %arg6[%add3A_107, %dma_wait3A_203] : memref<16384x128xf32, #tpu.memory_space<hbm>> -> memref<128x128xf32, #tpu.memory_space<hbm>>
      %dma_wait3A_205 = arith.constant 0 : i32
      %dma_wait3A_206 = arith.constant 0 : i32
      %dma_wait3A_207 = tpu.memref_slice %arg10[%run_scoped3A_108, %dma_wait3A_205, %dma_wait3A_206] : memref<2x128x128xf32, #tpu.memory_space<vmem>> -> memref<1x128x128xf32, #tpu.memory_space<vmem>>
      %dma_wait3A_208 = tpu.memref_squeeze %dma_wait3A_207 : memref<1x128x128xf32, #tpu.memory_space<vmem>> -> memref<128x128xf32, #tpu.memory_space<vmem>>
      tpu.wait_dma2 semaphore(%run_scoped3A_184 : memref<!tpu.dma_semaphore, #tpu.memory_space<semaphore_mem>>) src(%dma_wait3A_208 : memref<128x128xf32, #tpu.memory_space<vmem>>) dst(%dma_wait3A_204 : memref<128x128xf32, #tpu.memory_space<hbm>>)
      tpu.yield
    }) : () -> ()
    %add3A_109 = arith.constant 128 : i32
    %add3A_110 = arith.addi %mul3A_2, %add3A_109 : i32
    %run_scoped3A_111 = arith.constant 1 : i32
    "tpu.region"() ({
      %run_scoped3A_184 = tpu.sem_alloc : memref<!tpu.dma_semaphore, #tpu.memory_space<semaphore_mem>>
      %dma_start3A_185 = arith.constant 0 : i32
      %dma_start3A_186 = arith.constant 0 : i32
      %dma_start3A_187 = tpu.memref_slice %arg11[%run_scoped3A_111, %dma_start3A_185, %dma_start3A_186] : memref<2x128x128xf32, #tpu.memory_space<vmem>> -> memref<1x128x128xf32, #tpu.memory_space<vmem>>
      %dma_start3A_188 = tpu.memref_squeeze %dma_start3A_187 : memref<1x128x128xf32, #tpu.memory_space<vmem>> -> memref<128x128xf32, #tpu.memory_space<vmem>>
      %dma_start3A_189 = arith.constant 0 : i32
      %dma_start3A_190 = tpu.memref_slice %arg7[%add3A_110, %dma_start3A_189] : memref<16384x128xf32, #tpu.memory_space<hbm>> -> memref<128x128xf32, #tpu.memory_space<hbm>>
      %dma_start3A_191 = arith.constant 0 : i32
      %dma_start3A_192 = tpu.memref_slice %arg7[%add3A_110, %dma_start3A_191] : memref<16384x128xf32, #tpu.memory_space<hbm>> -> memref<128x128xf32, #tpu.memory_space<hbm>>
      %dma_start3A_193 = arith.constant 0 : i32
      %dma_start3A_194 = arith.constant 0 : i32
      %dma_start3A_195 = tpu.memref_slice %arg11[%run_scoped3A_111, %dma_start3A_193, %dma_start3A_194] : memref<2x128x128xf32, #tpu.memory_space<vmem>> -> memref<1x128x128xf32, #tpu.memory_space<vmem>>
      %dma_start3A_196 = tpu.memref_squeeze %dma_start3A_195 : memref<1x128x128xf32, #tpu.memory_space<vmem>> -> memref<128x128xf32, #tpu.memory_space<vmem>>
      tpu.enqueue_dma source(%dma_start3A_196 : memref<128x128xf32, #tpu.memory_space<vmem>>) target(%dma_start3A_192 : memref<128x128xf32, #tpu.memory_space<hbm>>) target_semaphore(%run_scoped3A_184 : memref<!tpu.dma_semaphore, #tpu.memory_space<semaphore_mem>>)
      %dma_wait3A_197 = arith.constant 0 : i32
      %dma_wait3A_198 = arith.constant 0 : i32
      %dma_wait3A_199 = tpu.memref_slice %arg11[%run_scoped3A_111, %dma_wait3A_197, %dma_wait3A_198] : memref<2x128x128xf32, #tpu.memory_space<vmem>> -> memref<1x128x128xf32, #tpu.memory_space<vmem>>
      %dma_wait3A_200 = tpu.memref_squeeze %dma_wait3A_199 : memref<1x128x128xf32, #tpu.memory_space<vmem>> -> memref<128x128xf32, #tpu.memory_space<vmem>>
      %dma_wait3A_201 = arith.constant 0 : i32
      %dma_wait3A_202 = tpu.memref_slice %arg7[%add3A_110, %dma_wait3A_201] : memref<16384x128xf32, #tpu.memory_space<hbm>> -> memref<128x128xf32, #tpu.memory_space<hbm>>
      %dma_wait3A_203 = arith.constant 0 : i32
      %dma_wait3A_204 = tpu.memref_slice %arg7[%add3A_110, %dma_wait3A_203] : memref<16384x128xf32, #tpu.memory_space<hbm>> -> memref<128x128xf32, #tpu.memory_space<hbm>>
      %dma_wait3A_205 = arith.constant 0 : i32
      %dma_wait3A_206 = arith.constant 0 : i32
      %dma_wait3A_207 = tpu.memref_slice %arg11[%run_scoped3A_111, %dma_wait3A_205, %dma_wait3A_206] : memref<2x128x128xf32, #tpu.memory_space<vmem>> -> memref<1x128x128xf32, #tpu.memory_space<vmem>>
      %dma_wait3A_208 = tpu.memref_squeeze %dma_wait3A_207 : memref<1x128x128xf32, #tpu.memory_space<vmem>> -> memref<128x128xf32, #tpu.memory_space<vmem>>
      tpu.wait_dma2 semaphore(%run_scoped3A_184 : memref<!tpu.dma_semaphore, #tpu.memory_space<semaphore_mem>>) src(%dma_wait3A_208 : memref<128x128xf32, #tpu.memory_space<vmem>>) dst(%dma_wait3A_204 : memref<128x128xf32, #tpu.memory_space<hbm>>)
      tpu.yield
    }) : () -> ()
    %dma_start3A_112 = arith.constant 1 : i32
    %dma_start3A_113 = arith.constant 0 : i32
    %dma_start3A_114 = arith.constant 0 : i32
    %dma_start3A_115 = tpu.memref_slice %arg10[%dma_start3A_112, %dma_start3A_113, %dma_start3A_114] : memref<2x128x128xf32, #tpu.memory_space<vmem>> -> memref<1x128x128xf32, #tpu.memory_space<vmem>>
    %dma_start3A_116 = tpu.memref_squeeze %dma_start3A_115 : memref<1x128x128xf32, #tpu.memory_space<vmem>> -> memref<128x128xf32, #tpu.memory_space<vmem>>
    %dma_start3A_117 = arith.constant 384 : i32
    %dma_start3A_118 = tpu.memref_slice %arg8[%dma_start3A_117] : memref<512xi32, #tpu.memory_space<vmem>> -> memref<128xi32, #tpu.memory_space<vmem>>
    %dma_start3A_119 = arith.constant 0 : i32
    %dma_start3A_120 = arith.constant 0 : i32
    %dma_start3A_121 = tpu.memref_slice %arg4[%dma_start3A_119, %dma_start3A_120] : memref<100096x128xf32, #tpu.memory_space<hbm>> -> memref<100096x128xf32, #tpu.memory_space<hbm>>
    tpu.enqueue_indirect_dma source(%dma_start3A_121 : memref<100096x128xf32, #tpu.memory_space<hbm>>) target(%dma_start3A_116 : memref<128x128xf32, #tpu.memory_space<vmem>>) offsets(%dma_start3A_118 : memref<128xi32, #tpu.memory_space<vmem>>) semaphore(%arg13 : memref<!tpu.dma_semaphore, #tpu.memory_space<semaphore_mem>>)
    %dma_start3A_122 = arith.constant 1 : i32
    %dma_start3A_123 = arith.constant 0 : i32
    %dma_start3A_124 = arith.constant 0 : i32
    %dma_start3A_125 = tpu.memref_slice %arg11[%dma_start3A_122, %dma_start3A_123, %dma_start3A_124] : memref<2x128x128xf32, #tpu.memory_space<vmem>> -> memref<1x128x128xf32, #tpu.memory_space<vmem>>
    %dma_start3A_126 = tpu.memref_squeeze %dma_start3A_125 : memref<1x128x128xf32, #tpu.memory_space<vmem>> -> memref<128x128xf32, #tpu.memory_space<vmem>>
    %dma_start3A_127 = arith.constant 384 : i32
    %dma_start3A_128 = tpu.memref_slice %arg9[%dma_start3A_127] : memref<512xi32, #tpu.memory_space<vmem>> -> memref<128xi32, #tpu.memory_space<vmem>>
    %dma_start3A_129 = arith.constant 0 : i32
    %dma_start3A_130 = arith.constant 0 : i32
    %dma_start3A_131 = tpu.memref_slice %arg4[%dma_start3A_129, %dma_start3A_130] : memref<100096x128xf32, #tpu.memory_space<hbm>> -> memref<100096x128xf32, #tpu.memory_space<hbm>>
    tpu.enqueue_indirect_dma source(%dma_start3A_131 : memref<100096x128xf32, #tpu.memory_space<hbm>>) target(%dma_start3A_126 : memref<128x128xf32, #tpu.memory_space<vmem>>) offsets(%dma_start3A_128 : memref<128xi32, #tpu.memory_space<vmem>>) semaphore(%arg15 : memref<!tpu.dma_semaphore, #tpu.memory_space<semaphore_mem>>)
    %dma_wait3A_132 = arith.constant 0 : i32
    %dma_wait3A_133 = arith.constant 0 : i32
    %dma_wait3A_134 = arith.constant 0 : i32
    %dma_wait3A_135 = tpu.memref_slice %arg10[%dma_wait3A_132, %dma_wait3A_133, %dma_wait3A_134] : memref<2x128x128xf32, #tpu.memory_space<vmem>> -> memref<1x128x128xf32, #tpu.memory_space<vmem>>
    %dma_wait3A_136 = tpu.memref_squeeze %dma_wait3A_135 : memref<1x128x128xf32, #tpu.memory_space<vmem>> -> memref<128x128xf32, #tpu.memory_space<vmem>>
    %dma_wait3A_137 = arith.constant 256 : i32
    %dma_wait3A_138 = tpu.memref_slice %arg8[%dma_wait3A_137] : memref<512xi32, #tpu.memory_space<vmem>> -> memref<128xi32, #tpu.memory_space<vmem>>
    %dma_wait3A_139 = arith.constant 0 : i32
    %dma_wait3A_140 = arith.constant 0 : i32
    %dma_wait3A_141 = tpu.memref_slice %arg4[%dma_wait3A_139, %dma_wait3A_140] : memref<100096x128xf32, #tpu.memory_space<hbm>> -> memref<100096x128xf32, #tpu.memory_space<hbm>>
    tpu.wait_indirect_dma semaphore(%arg12 : memref<!tpu.dma_semaphore, #tpu.memory_space<semaphore_mem>>) src(%dma_wait3A_141 : memref<100096x128xf32, #tpu.memory_space<hbm>>) dst(%dma_wait3A_136 : memref<128x128xf32, #tpu.memory_space<vmem>>)
    %dma_wait3A_142 = arith.constant 0 : i32
    %dma_wait3A_143 = arith.constant 0 : i32
    %dma_wait3A_144 = arith.constant 0 : i32
    %dma_wait3A_145 = tpu.memref_slice %arg11[%dma_wait3A_142, %dma_wait3A_143, %dma_wait3A_144] : memref<2x128x128xf32, #tpu.memory_space<vmem>> -> memref<1x128x128xf32, #tpu.memory_space<vmem>>
    %dma_wait3A_146 = tpu.memref_squeeze %dma_wait3A_145 : memref<1x128x128xf32, #tpu.memory_space<vmem>> -> memref<128x128xf32, #tpu.memory_space<vmem>>
    %dma_wait3A_147 = arith.constant 256 : i32
    %dma_wait3A_148 = tpu.memref_slice %arg9[%dma_wait3A_147] : memref<512xi32, #tpu.memory_space<vmem>> -> memref<128xi32, #tpu.memory_space<vmem>>
    %dma_wait3A_149 = arith.constant 0 : i32
    %dma_wait3A_150 = arith.constant 0 : i32
    %dma_wait3A_151 = tpu.memref_slice %arg4[%dma_wait3A_149, %dma_wait3A_150] : memref<100096x128xf32, #tpu.memory_space<hbm>> -> memref<100096x128xf32, #tpu.memory_space<hbm>>
    tpu.wait_indirect_dma semaphore(%arg14 : memref<!tpu.dma_semaphore, #tpu.memory_space<semaphore_mem>>) src(%dma_wait3A_151 : memref<100096x128xf32, #tpu.memory_space<hbm>>) dst(%dma_wait3A_146 : memref<128x128xf32, #tpu.memory_space<vmem>>)
    %add3A_152 = arith.constant 256 : i32
    %add3A_153 = arith.addi %mul3A_2, %add3A_152 : i32
    %run_scoped3A_154 = arith.constant 0 : i32
    "tpu.region"() ({
      %run_scoped3A_184 = tpu.sem_alloc : memref<!tpu.dma_semaphore, #tpu.memory_space<semaphore_mem>>
      %dma_start3A_185 = arith.constant 0 : i32
      %dma_start3A_186 = arith.constant 0 : i32
      %dma_start3A_187 = tpu.memref_slice %arg10[%run_scoped3A_154, %dma_start3A_185, %dma_start3A_186] : memref<2x128x128xf32, #tpu.memory_space<vmem>> -> memref<1x128x128xf32, #tpu.memory_space<vmem>>
      %dma_start3A_188 = tpu.memref_squeeze %dma_start3A_187 : memref<1x128x128xf32, #tpu.memory_space<vmem>> -> memref<128x128xf32, #tpu.memory_space<vmem>>
      %dma_start3A_189 = arith.constant 0 : i32
      %dma_start3A_190 = tpu.memref_slice %arg6[%add3A_153, %dma_start3A_189] : memref<16384x128xf32, #tpu.memory_space<hbm>> -> memref<128x128xf32, #tpu.memory_space<hbm>>
      %dma_start3A_191 = arith.constant 0 : i32
      %dma_start3A_192 = tpu.memref_slice %arg6[%add3A_153, %dma_start3A_191] : memref<16384x128xf32, #tpu.memory_space<hbm>> -> memref<128x128xf32, #tpu.memory_space<hbm>>
      %dma_start3A_193 = arith.constant 0 : i32
      %dma_start3A_194 = arith.constant 0 : i32
      %dma_start3A_195 = tpu.memref_slice %arg10[%run_scoped3A_154, %dma_start3A_193, %dma_start3A_194] : memref<2x128x128xf32, #tpu.memory_space<vmem>> -> memref<1x128x128xf32, #tpu.memory_space<vmem>>
      %dma_start3A_196 = tpu.memref_squeeze %dma_start3A_195 : memref<1x128x128xf32, #tpu.memory_space<vmem>> -> memref<128x128xf32, #tpu.memory_space<vmem>>
      tpu.enqueue_dma source(%dma_start3A_196 : memref<128x128xf32, #tpu.memory_space<vmem>>) target(%dma_start3A_192 : memref<128x128xf32, #tpu.memory_space<hbm>>) target_semaphore(%run_scoped3A_184 : memref<!tpu.dma_semaphore, #tpu.memory_space<semaphore_mem>>)
      %dma_wait3A_197 = arith.constant 0 : i32
      %dma_wait3A_198 = arith.constant 0 : i32
      %dma_wait3A_199 = tpu.memref_slice %arg10[%run_scoped3A_154, %dma_wait3A_197, %dma_wait3A_198] : memref<2x128x128xf32, #tpu.memory_space<vmem>> -> memref<1x128x128xf32, #tpu.memory_space<vmem>>
      %dma_wait3A_200 = tpu.memref_squeeze %dma_wait3A_199 : memref<1x128x128xf32, #tpu.memory_space<vmem>> -> memref<128x128xf32, #tpu.memory_space<vmem>>
      %dma_wait3A_201 = arith.constant 0 : i32
      %dma_wait3A_202 = tpu.memref_slice %arg6[%add3A_153, %dma_wait3A_201] : memref<16384x128xf32, #tpu.memory_space<hbm>> -> memref<128x128xf32, #tpu.memory_space<hbm>>
      %dma_wait3A_203 = arith.constant 0 : i32
      %dma_wait3A_204 = tpu.memref_slice %arg6[%add3A_153, %dma_wait3A_203] : memref<16384x128xf32, #tpu.memory_space<hbm>> -> memref<128x128xf32, #tpu.memory_space<hbm>>
      %dma_wait3A_205 = arith.constant 0 : i32
      %dma_wait3A_206 = arith.constant 0 : i32
      %dma_wait3A_207 = tpu.memref_slice %arg10[%run_scoped3A_154, %dma_wait3A_205, %dma_wait3A_206] : memref<2x128x128xf32, #tpu.memory_space<vmem>> -> memref<1x128x128xf32, #tpu.memory_space<vmem>>
      %dma_wait3A_208 = tpu.memref_squeeze %dma_wait3A_207 : memref<1x128x128xf32, #tpu.memory_space<vmem>> -> memref<128x128xf32, #tpu.memory_space<vmem>>
      tpu.wait_dma2 semaphore(%run_scoped3A_184 : memref<!tpu.dma_semaphore, #tpu.memory_space<semaphore_mem>>) src(%dma_wait3A_208 : memref<128x128xf32, #tpu.memory_space<vmem>>) dst(%dma_wait3A_204 : memref<128x128xf32, #tpu.memory_space<hbm>>)
      tpu.yield
    }) : () -> ()
    %add3A_155 = arith.constant 256 : i32
    %add3A_156 = arith.addi %mul3A_2, %add3A_155 : i32
    %run_scoped3A_157 = arith.constant 0 : i32
    "tpu.region"() ({
      %run_scoped3A_184 = tpu.sem_alloc : memref<!tpu.dma_semaphore, #tpu.memory_space<semaphore_mem>>
      %dma_start3A_185 = arith.constant 0 : i32
      %dma_start3A_186 = arith.constant 0 : i32
      %dma_start3A_187 = tpu.memref_slice %arg11[%run_scoped3A_157, %dma_start3A_185, %dma_start3A_186] : memref<2x128x128xf32, #tpu.memory_space<vmem>> -> memref<1x128x128xf32, #tpu.memory_space<vmem>>
      %dma_start3A_188 = tpu.memref_squeeze %dma_start3A_187 : memref<1x128x128xf32, #tpu.memory_space<vmem>> -> memref<128x128xf32, #tpu.memory_space<vmem>>
      %dma_start3A_189 = arith.constant 0 : i32
      %dma_start3A_190 = tpu.memref_slice %arg7[%add3A_156, %dma_start3A_189] : memref<16384x128xf32, #tpu.memory_space<hbm>> -> memref<128x128xf32, #tpu.memory_space<hbm>>
      %dma_start3A_191 = arith.constant 0 : i32
      %dma_start3A_192 = tpu.memref_slice %arg7[%add3A_156, %dma_start3A_191] : memref<16384x128xf32, #tpu.memory_space<hbm>> -> memref<128x128xf32, #tpu.memory_space<hbm>>
      %dma_start3A_193 = arith.constant 0 : i32
      %dma_start3A_194 = arith.constant 0 : i32
      %dma_start3A_195 = tpu.memref_slice %arg11[%run_scoped3A_157, %dma_start3A_193, %dma_start3A_194] : memref<2x128x128xf32, #tpu.memory_space<vmem>> -> memref<1x128x128xf32, #tpu.memory_space<vmem>>
      %dma_start3A_196 = tpu.memref_squeeze %dma_start3A_195 : memref<1x128x128xf32, #tpu.memory_space<vmem>> -> memref<128x128xf32, #tpu.memory_space<vmem>>
      tpu.enqueue_dma source(%dma_start3A_196 : memref<128x128xf32, #tpu.memory_space<vmem>>) target(%dma_start3A_192 : memref<128x128xf32, #tpu.memory_space<hbm>>) target_semaphore(%run_scoped3A_184 : memref<!tpu.dma_semaphore, #tpu.memory_space<semaphore_mem>>)
      %dma_wait3A_197 = arith.constant 0 : i32
      %dma_wait3A_198 = arith.constant 0 : i32
      %dma_wait3A_199 = tpu.memref_slice %arg11[%run_scoped3A_157, %dma_wait3A_197, %dma_wait3A_198] : memref<2x128x128xf32, #tpu.memory_space<vmem>> -> memref<1x128x128xf32, #tpu.memory_space<vmem>>
      %dma_wait3A_200 = tpu.memref_squeeze %dma_wait3A_199 : memref<1x128x128xf32, #tpu.memory_space<vmem>> -> memref<128x128xf32, #tpu.memory_space<vmem>>
      %dma_wait3A_201 = arith.constant 0 : i32
      %dma_wait3A_202 = tpu.memref_slice %arg7[%add3A_156, %dma_wait3A_201] : memref<16384x128xf32, #tpu.memory_space<hbm>> -> memref<128x128xf32, #tpu.memory_space<hbm>>
      %dma_wait3A_203 = arith.constant 0 : i32
      %dma_wait3A_204 = tpu.memref_slice %arg7[%add3A_156, %dma_wait3A_203] : memref<16384x128xf32, #tpu.memory_space<hbm>> -> memref<128x128xf32, #tpu.memory_space<hbm>>
      %dma_wait3A_205 = arith.constant 0 : i32
      %dma_wait3A_206 = arith.constant 0 : i32
      %dma_wait3A_207 = tpu.memref_slice %arg11[%run_scoped3A_157, %dma_wait3A_205, %dma_wait3A_206] : memref<2x128x128xf32, #tpu.memory_space<vmem>> -> memref<1x128x128xf32, #tpu.memory_space<vmem>>
      %dma_wait3A_208 = tpu.memref_squeeze %dma_wait3A_207 : memref<1x128x128xf32, #tpu.memory_space<vmem>> -> memref<128x128xf32, #tpu.memory_space<vmem>>
      tpu.wait_dma2 semaphore(%run_scoped3A_184 : memref<!tpu.dma_semaphore, #tpu.memory_space<semaphore_mem>>) src(%dma_wait3A_208 : memref<128x128xf32, #tpu.memory_space<vmem>>) dst(%dma_wait3A_204 : memref<128x128xf32, #tpu.memory_space<hbm>>)
      tpu.yield
    }) : () -> ()
    %dma_wait3A_158 = arith.constant 1 : i32
    %dma_wait3A_159 = arith.constant 0 : i32
    %dma_wait3A_160 = arith.constant 0 : i32
    %dma_wait3A_161 = tpu.memref_slice %arg10[%dma_wait3A_158, %dma_wait3A_159, %dma_wait3A_160] : memref<2x128x128xf32, #tpu.memory_space<vmem>> -> memref<1x128x128xf32, #tpu.memory_space<vmem>>
    %dma_wait3A_162 = tpu.memref_squeeze %dma_wait3A_161 : memref<1x128x128xf32, #tpu.memory_space<vmem>> -> memref<128x128xf32, #tpu.memory_space<vmem>>
    %dma_wait3A_163 = arith.constant 384 : i32
    %dma_wait3A_164 = tpu.memref_slice %arg8[%dma_wait3A_163] : memref<512xi32, #tpu.memory_space<vmem>> -> memref<128xi32, #tpu.memory_space<vmem>>
    %dma_wait3A_165 = arith.constant 0 : i32
    %dma_wait3A_166 = arith.constant 0 : i32
    %dma_wait3A_167 = tpu.memref_slice %arg4[%dma_wait3A_165, %dma_wait3A_166] : memref<100096x128xf32, #tpu.memory_space<hbm>> -> memref<100096x128xf32, #tpu.memory_space<hbm>>
    tpu.wait_indirect_dma semaphore(%arg13 : memref<!tpu.dma_semaphore, #tpu.memory_space<semaphore_mem>>) src(%dma_wait3A_167 : memref<100096x128xf32, #tpu.memory_space<hbm>>) dst(%dma_wait3A_162 : memref<128x128xf32, #tpu.memory_space<vmem>>)
    %dma_wait3A_168 = arith.constant 1 : i32
    %dma_wait3A_169 = arith.constant 0 : i32
    %dma_wait3A_170 = arith.constant 0 : i32
    %dma_wait3A_171 = tpu.memref_slice %arg11[%dma_wait3A_168, %dma_wait3A_169, %dma_wait3A_170] : memref<2x128x128xf32, #tpu.memory_space<vmem>> -> memref<1x128x128xf32, #tpu.memory_space<vmem>>
    %dma_wait3A_172 = tpu.memref_squeeze %dma_wait3A_171 : memref<1x128x128xf32, #tpu.memory_space<vmem>> -> memref<128x128xf32, #tpu.memory_space<vmem>>
    %dma_wait3A_173 = arith.constant 384 : i32
    %dma_wait3A_174 = tpu.memref_slice %arg9[%dma_wait3A_173] : memref<512xi32, #tpu.memory_space<vmem>> -> memref<128xi32, #tpu.memory_space<vmem>>
    %dma_wait3A_175 = arith.constant 0 : i32
    %dma_wait3A_176 = arith.constant 0 : i32
    %dma_wait3A_177 = tpu.memref_slice %arg4[%dma_wait3A_175, %dma_wait3A_176] : memref<100096x128xf32, #tpu.memory_space<hbm>> -> memref<100096x128xf32, #tpu.memory_space<hbm>>
    tpu.wait_indirect_dma semaphore(%arg15 : memref<!tpu.dma_semaphore, #tpu.memory_space<semaphore_mem>>) src(%dma_wait3A_177 : memref<100096x128xf32, #tpu.memory_space<hbm>>) dst(%dma_wait3A_172 : memref<128x128xf32, #tpu.memory_space<vmem>>)
    %add3A_178 = arith.constant 384 : i32
    %add3A_179 = arith.addi %mul3A_2, %add3A_178 : i32
    %run_scoped3A_180 = arith.constant 1 : i32
    "tpu.region"() ({
      %run_scoped3A_184 = tpu.sem_alloc : memref<!tpu.dma_semaphore, #tpu.memory_space<semaphore_mem>>
      %dma_start3A_185 = arith.constant 0 : i32
      %dma_start3A_186 = arith.constant 0 : i32
      %dma_start3A_187 = tpu.memref_slice %arg10[%run_scoped3A_180, %dma_start3A_185, %dma_start3A_186] : memref<2x128x128xf32, #tpu.memory_space<vmem>> -> memref<1x128x128xf32, #tpu.memory_space<vmem>>
      %dma_start3A_188 = tpu.memref_squeeze %dma_start3A_187 : memref<1x128x128xf32, #tpu.memory_space<vmem>> -> memref<128x128xf32, #tpu.memory_space<vmem>>
      %dma_start3A_189 = arith.constant 0 : i32
      %dma_start3A_190 = tpu.memref_slice %arg6[%add3A_179, %dma_start3A_189] : memref<16384x128xf32, #tpu.memory_space<hbm>> -> memref<128x128xf32, #tpu.memory_space<hbm>>
      %dma_start3A_191 = arith.constant 0 : i32
      %dma_start3A_192 = tpu.memref_slice %arg6[%add3A_179, %dma_start3A_191] : memref<16384x128xf32, #tpu.memory_space<hbm>> -> memref<128x128xf32, #tpu.memory_space<hbm>>
      %dma_start3A_193 = arith.constant 0 : i32
      %dma_start3A_194 = arith.constant 0 : i32
      %dma_start3A_195 = tpu.memref_slice %arg10[%run_scoped3A_180, %dma_start3A_193, %dma_start3A_194] : memref<2x128x128xf32, #tpu.memory_space<vmem>> -> memref<1x128x128xf32, #tpu.memory_space<vmem>>
      %dma_start3A_196 = tpu.memref_squeeze %dma_start3A_195 : memref<1x128x128xf32, #tpu.memory_space<vmem>> -> memref<128x128xf32, #tpu.memory_space<vmem>>
      tpu.enqueue_dma source(%dma_start3A_196 : memref<128x128xf32, #tpu.memory_space<vmem>>) target(%dma_start3A_192 : memref<128x128xf32, #tpu.memory_space<hbm>>) target_semaphore(%run_scoped3A_184 : memref<!tpu.dma_semaphore, #tpu.memory_space<semaphore_mem>>)
      %dma_wait3A_197 = arith.constant 0 : i32
      %dma_wait3A_198 = arith.constant 0 : i32
      %dma_wait3A_199 = tpu.memref_slice %arg10[%run_scoped3A_180, %dma_wait3A_197, %dma_wait3A_198] : memref<2x128x128xf32, #tpu.memory_space<vmem>> -> memref<1x128x128xf32, #tpu.memory_space<vmem>>
      %dma_wait3A_200 = tpu.memref_squeeze %dma_wait3A_199 : memref<1x128x128xf32, #tpu.memory_space<vmem>> -> memref<128x128xf32, #tpu.memory_space<vmem>>
      %dma_wait3A_201 = arith.constant 0 : i32
      %dma_wait3A_202 = tpu.memref_slice %arg6[%add3A_179, %dma_wait3A_201] : memref<16384x128xf32, #tpu.memory_space<hbm>> -> memref<128x128xf32, #tpu.memory_space<hbm>>
      %dma_wait3A_203 = arith.constant 0 : i32
      %dma_wait3A_204 = tpu.memref_slice %arg6[%add3A_179, %dma_wait3A_203] : memref<16384x128xf32, #tpu.memory_space<hbm>> -> memref<128x128xf32, #tpu.memory_space<hbm>>
      %dma_wait3A_205 = arith.constant 0 : i32
      %dma_wait3A_206 = arith.constant 0 : i32
      %dma_wait3A_207 = tpu.memref_slice %arg10[%run_scoped3A_180, %dma_wait3A_205, %dma_wait3A_206] : memref<2x128x128xf32, #tpu.memory_space<vmem>> -> memref<1x128x128xf32, #tpu.memory_space<vmem>>
      %dma_wait3A_208 = tpu.memref_squeeze %dma_wait3A_207 : memref<1x128x128xf32, #tpu.memory_space<vmem>> -> memref<128x128xf32, #tpu.memory_space<vmem>>
      tpu.wait_dma2 semaphore(%run_scoped3A_184 : memref<!tpu.dma_semaphore, #tpu.memory_space<semaphore_mem>>) src(%dma_wait3A_208 : memref<128x128xf32, #tpu.memory_space<vmem>>) dst(%dma_wait3A_204 : memref<128x128xf32, #tpu.memory_space<hbm>>)
      tpu.yield
    }) : () -> ()
    %add3A_181 = arith.constant 384 : i32
    %add3A_182 = arith.addi %mul3A_2, %add3A_181 : i32
    %run_scoped3A_183 = arith.constant 1 : i32
    "tpu.region"() ({
      %run_scoped3A_184 = tpu.sem_alloc : memref<!tpu.dma_semaphore, #tpu.memory_space<semaphore_mem>>
      %dma_start3A_185 = arith.constant 0 : i32
      %dma_start3A_186 = arith.constant 0 : i32
      %dma_start3A_187 = tpu.memref_slice %arg11[%run_scoped3A_183, %dma_start3A_185, %dma_start3A_186] : memref<2x128x128xf32, #tpu.memory_space<vmem>> -> memref<1x128x128xf32, #tpu.memory_space<vmem>>
      %dma_start3A_188 = tpu.memref_squeeze %dma_start3A_187 : memref<1x128x128xf32, #tpu.memory_space<vmem>> -> memref<128x128xf32, #tpu.memory_space<vmem>>
      %dma_start3A_189 = arith.constant 0 : i32
      %dma_start3A_190 = tpu.memref_slice %arg7[%add3A_182, %dma_start3A_189] : memref<16384x128xf32, #tpu.memory_space<hbm>> -> memref<128x128xf32, #tpu.memory_space<hbm>>
      %dma_start3A_191 = arith.constant 0 : i32
      %dma_start3A_192 = tpu.memref_slice %arg7[%add3A_182, %dma_start3A_191] : memref<16384x128xf32, #tpu.memory_space<hbm>> -> memref<128x128xf32, #tpu.memory_space<hbm>>
      %dma_start3A_193 = arith.constant 0 : i32
      %dma_start3A_194 = arith.constant 0 : i32
      %dma_start3A_195 = tpu.memref_slice %arg11[%run_scoped3A_183, %dma_start3A_193, %dma_start3A_194] : memref<2x128x128xf32, #tpu.memory_space<vmem>> -> memref<1x128x128xf32, #tpu.memory_space<vmem>>
      %dma_start3A_196 = tpu.memref_squeeze %dma_start3A_195 : memref<1x128x128xf32, #tpu.memory_space<vmem>> -> memref<128x128xf32, #tpu.memory_space<vmem>>
      tpu.enqueue_dma source(%dma_start3A_196 : memref<128x128xf32, #tpu.memory_space<vmem>>) target(%dma_start3A_192 : memref<128x128xf32, #tpu.memory_space<hbm>>) target_semaphore(%run_scoped3A_184 : memref<!tpu.dma_semaphore, #tpu.memory_space<semaphore_mem>>)
      %dma_wait3A_197 = arith.constant 0 : i32
      %dma_wait3A_198 = arith.constant 0 : i32
      %dma_wait3A_199 = tpu.memref_slice %arg11[%run_scoped3A_183, %dma_wait3A_197, %dma_wait3A_198] : memref<2x128x128xf32, #tpu.memory_space<vmem>> -> memref<1x128x128xf32, #tpu.memory_space<vmem>>
      %dma_wait3A_200 = tpu.memref_squeeze %dma_wait3A_199 : memref<1x128x128xf32, #tpu.memory_space<vmem>> -> memref<128x128xf32, #tpu.memory_space<vmem>>
      %dma_wait3A_201 = arith.constant 0 : i32
      %dma_wait3A_202 = tpu.memref_slice %arg7[%add3A_182, %dma_wait3A_201] : memref<16384x128xf32, #tpu.memory_space<hbm>> -> memref<128x128xf32, #tpu.memory_space<hbm>>
      %dma_wait3A_203 = arith.constant 0 : i32
      %dma_wait3A_204 = tpu.memref_slice %arg7[%add3A_182, %dma_wait3A_203] : memref<16384x128xf32, #tpu.memory_space<hbm>> -> memref<128x128xf32, #tpu.memory_space<hbm>>
      %dma_wait3A_205 = arith.constant 0 : i32
      %dma_wait3A_206 = arith.constant 0 : i32
      %dma_wait3A_207 = tpu.memref_slice %arg11[%run_scoped3A_183, %dma_wait3A_205, %dma_wait3A_206] : memref<2x128x128xf32, #tpu.memory_space<vmem>> -> memref<1x128x128xf32, #tpu.memory_space<vmem>>
      %dma_wait3A_208 = tpu.memref_squeeze %dma_wait3A_207 : memref<1x128x128xf32, #tpu.memory_space<vmem>> -> memref<128x128xf32, #tpu.memory_space<vmem>>
      tpu.wait_dma2 semaphore(%run_scoped3A_184 : memref<!tpu.dma_semaphore, #tpu.memory_space<semaphore_mem>>) src(%dma_wait3A_208 : memref<128x128xf32, #tpu.memory_space<vmem>>) dst(%dma_wait3A_204 : memref<128x128xf32, #tpu.memory_space<hbm>>)
      tpu.yield
    }) : () -> ()
    return
  }
}

#map = affine_map<(d0, d1) -> (0)>
#map1 = affine_map<(d0, d1) -> (0, 0)>
module attributes {stable_mosaic.version = 14 : i64} {
  func.func @_sc_gather(%arg0: i32, %arg1: i32, %arg2: memref<16384xi32, #tpu.memory_space<hbm>>, %arg3: memref<16384xi32, #tpu.memory_space<hbm>>, %arg4: memref<100000x256xf32, #tpu.memory_space<hbm>>, %arg5: memref<100000x256xf32, #tpu.memory_space<hbm>>, %arg6: memref<16384x256xf32, #tpu.memory_space<hbm>>, %arg7: memref<16384x256xf32, #tpu.memory_space<hbm>>, %arg8: memref<512xi32, #tpu.memory_space<vmem>>, %arg9: memref<512xi32, #tpu.memory_space<vmem>>, %arg10: memref<2x64x256xf32, #tpu.memory_space<vmem>>, %arg11: memref<2x64x256xf32, #tpu.memory_space<vmem>>, %arg12: memref<!tpu.dma_semaphore, #tpu.memory_space<semaphore_mem>>, %arg13: memref<!tpu.dma_semaphore, #tpu.memory_space<semaphore_mem>>, %arg14: memref<!tpu.dma_semaphore, #tpu.memory_space<semaphore_mem>>, %arg15: memref<!tpu.dma_semaphore, #tpu.memory_space<semaphore_mem>>) attributes {dimension_semantics = [#tpu.dimension_semantics<core_parallel>, #tpu.dimension_semantics<subcore_parallel>], iteration_bounds = array<i64: 2, 16>, scalar_prefetch = 0 : i64, scratch_operands = 8 : i64, tpu.core_type = #tpu.core_type<sc_vector_subcore>, window_params = [{transform_indices = #map}, {transform_indices = #map}, {transform_indices = #map1}, {transform_indices = #map1}, {transform_indices = #map1}, {transform_indices = #map1}]} {
    %mul3A = arith.constant 2 : i32
    %mul3A_0 = arith.muli %arg1, %mul3A : i32
    %add3A = arith.addi %mul3A_0, %arg0 : i32
    %mul3A_1 = arith.constant 512 : i32
    %mul3A_2 = arith.muli %add3A, %mul3A_1 : i32
    "tpu.region"() ({
      %run_scoped3A_368 = tpu.sem_alloc : memref<!tpu.dma_semaphore, #tpu.memory_space<semaphore_mem>>
      %dma_start3A_369 = tpu.memref_slice %arg2[%mul3A_2] : memref<16384xi32, #tpu.memory_space<hbm>> -> memref<512xi32, #tpu.memory_space<hbm>>
      %dma_start3A_370 = tpu.memref_slice %arg2[%mul3A_2] : memref<16384xi32, #tpu.memory_space<hbm>> -> memref<512xi32, #tpu.memory_space<hbm>>
      tpu.enqueue_dma source(%dma_start3A_370 : memref<512xi32, #tpu.memory_space<hbm>>) target(%arg8 : memref<512xi32, #tpu.memory_space<vmem>>) target_semaphore(%run_scoped3A_368 : memref<!tpu.dma_semaphore, #tpu.memory_space<semaphore_mem>>)
      %dma_wait3A_371 = tpu.memref_slice %arg2[%mul3A_2] : memref<16384xi32, #tpu.memory_space<hbm>> -> memref<512xi32, #tpu.memory_space<hbm>>
      %dma_wait3A_372 = tpu.memref_slice %arg2[%mul3A_2] : memref<16384xi32, #tpu.memory_space<hbm>> -> memref<512xi32, #tpu.memory_space<hbm>>
      tpu.wait_dma2 semaphore(%run_scoped3A_368 : memref<!tpu.dma_semaphore, #tpu.memory_space<semaphore_mem>>) src(%dma_wait3A_372 : memref<512xi32, #tpu.memory_space<hbm>>) dst(%arg8 : memref<512xi32, #tpu.memory_space<vmem>>)
      tpu.yield
    }) : () -> ()
    "tpu.region"() ({
      %run_scoped3A_368 = tpu.sem_alloc : memref<!tpu.dma_semaphore, #tpu.memory_space<semaphore_mem>>
      %dma_start3A_369 = tpu.memref_slice %arg3[%mul3A_2] : memref<16384xi32, #tpu.memory_space<hbm>> -> memref<512xi32, #tpu.memory_space<hbm>>
      %dma_start3A_370 = tpu.memref_slice %arg3[%mul3A_2] : memref<16384xi32, #tpu.memory_space<hbm>> -> memref<512xi32, #tpu.memory_space<hbm>>
      tpu.enqueue_dma source(%dma_start3A_370 : memref<512xi32, #tpu.memory_space<hbm>>) target(%arg9 : memref<512xi32, #tpu.memory_space<vmem>>) target_semaphore(%run_scoped3A_368 : memref<!tpu.dma_semaphore, #tpu.memory_space<semaphore_mem>>)
      %dma_wait3A_371 = tpu.memref_slice %arg3[%mul3A_2] : memref<16384xi32, #tpu.memory_space<hbm>> -> memref<512xi32, #tpu.memory_space<hbm>>
      %dma_wait3A_372 = tpu.memref_slice %arg3[%mul3A_2] : memref<16384xi32, #tpu.memory_space<hbm>> -> memref<512xi32, #tpu.memory_space<hbm>>
      tpu.wait_dma2 semaphore(%run_scoped3A_368 : memref<!tpu.dma_semaphore, #tpu.memory_space<semaphore_mem>>) src(%dma_wait3A_372 : memref<512xi32, #tpu.memory_space<hbm>>) dst(%arg9 : memref<512xi32, #tpu.memory_space<vmem>>)
      tpu.yield
    }) : () -> ()
    %dma_start3A = arith.constant 0 : i32
    %dma_start3A_3 = arith.constant 0 : i32
    %dma_start3A_4 = arith.constant 0 : i32
    %dma_start3A_5 = tpu.memref_slice %arg10[%dma_start3A, %dma_start3A_3, %dma_start3A_4] : memref<2x64x256xf32, #tpu.memory_space<vmem>> -> memref<1x64x256xf32, #tpu.memory_space<vmem>>
    %dma_start3A_6 = tpu.memref_squeeze %dma_start3A_5 : memref<1x64x256xf32, #tpu.memory_space<vmem>> -> memref<64x256xf32, #tpu.memory_space<vmem>>
    %dma_start3A_7 = arith.constant 0 : i32
    %dma_start3A_8 = tpu.memref_slice %arg8[%dma_start3A_7] : memref<512xi32, #tpu.memory_space<vmem>> -> memref<64xi32, #tpu.memory_space<vmem>>
    %dma_start3A_9 = arith.constant 0 : i32
    %dma_start3A_10 = arith.constant 0 : i32
    %dma_start3A_11 = tpu.memref_slice %arg4[%dma_start3A_9, %dma_start3A_10] : memref<100000x256xf32, #tpu.memory_space<hbm>> -> memref<100000x256xf32, #tpu.memory_space<hbm>>
    tpu.enqueue_indirect_dma source(%dma_start3A_11 : memref<100000x256xf32, #tpu.memory_space<hbm>>) target(%dma_start3A_6 : memref<64x256xf32, #tpu.memory_space<vmem>>) offsets(%dma_start3A_8 : memref<64xi32, #tpu.memory_space<vmem>>) semaphore(%arg12 : memref<!tpu.dma_semaphore, #tpu.memory_space<semaphore_mem>>)
    %dma_start3A_12 = arith.constant 0 : i32
    %dma_start3A_13 = arith.constant 0 : i32
    %dma_start3A_14 = arith.constant 0 : i32
    %dma_start3A_15 = tpu.memref_slice %arg11[%dma_start3A_12, %dma_start3A_13, %dma_start3A_14] : memref<2x64x256xf32, #tpu.memory_space<vmem>> -> memref<1x64x256xf32, #tpu.memory_space<vmem>>
    %dma_start3A_16 = tpu.memref_squeeze %dma_start3A_15 : memref<1x64x256xf32, #tpu.memory_space<vmem>> -> memref<64x256xf32, #tpu.memory_space<vmem>>
    %dma_start3A_17 = arith.constant 0 : i32
    %dma_start3A_18 = tpu.memref_slice %arg9[%dma_start3A_17] : memref<512xi32, #tpu.memory_space<vmem>> -> memref<64xi32, #tpu.memory_space<vmem>>
    %dma_start3A_19 = arith.constant 0 : i32
    %dma_start3A_20 = arith.constant 0 : i32
    %dma_start3A_21 = tpu.memref_slice %arg5[%dma_start3A_19, %dma_start3A_20] : memref<100000x256xf32, #tpu.memory_space<hbm>> -> memref<100000x256xf32, #tpu.memory_space<hbm>>
    tpu.enqueue_indirect_dma source(%dma_start3A_21 : memref<100000x256xf32, #tpu.memory_space<hbm>>) target(%dma_start3A_16 : memref<64x256xf32, #tpu.memory_space<vmem>>) offsets(%dma_start3A_18 : memref<64xi32, #tpu.memory_space<vmem>>) semaphore(%arg14 : memref<!tpu.dma_semaphore, #tpu.memory_space<semaphore_mem>>)
    %dma_start3A_22 = arith.constant 1 : i32
    %dma_start3A_23 = arith.constant 0 : i32
    %dma_start3A_24 = arith.constant 0 : i32
    %dma_start3A_25 = tpu.memref_slice %arg10[%dma_start3A_22, %dma_start3A_23, %dma_start3A_24] : memref<2x64x256xf32, #tpu.memory_space<vmem>> -> memref<1x64x256xf32, #tpu.memory_space<vmem>>
    %dma_start3A_26 = tpu.memref_squeeze %dma_start3A_25 : memref<1x64x256xf32, #tpu.memory_space<vmem>> -> memref<64x256xf32, #tpu.memory_space<vmem>>
    %dma_start3A_27 = arith.constant 64 : i32
    %dma_start3A_28 = tpu.memref_slice %arg8[%dma_start3A_27] : memref<512xi32, #tpu.memory_space<vmem>> -> memref<64xi32, #tpu.memory_space<vmem>>
    %dma_start3A_29 = arith.constant 0 : i32
    %dma_start3A_30 = arith.constant 0 : i32
    %dma_start3A_31 = tpu.memref_slice %arg4[%dma_start3A_29, %dma_start3A_30] : memref<100000x256xf32, #tpu.memory_space<hbm>> -> memref<100000x256xf32, #tpu.memory_space<hbm>>
    tpu.enqueue_indirect_dma source(%dma_start3A_31 : memref<100000x256xf32, #tpu.memory_space<hbm>>) target(%dma_start3A_26 : memref<64x256xf32, #tpu.memory_space<vmem>>) offsets(%dma_start3A_28 : memref<64xi32, #tpu.memory_space<vmem>>) semaphore(%arg13 : memref<!tpu.dma_semaphore, #tpu.memory_space<semaphore_mem>>)
    %dma_start3A_32 = arith.constant 1 : i32
    %dma_start3A_33 = arith.constant 0 : i32
    %dma_start3A_34 = arith.constant 0 : i32
    %dma_start3A_35 = tpu.memref_slice %arg11[%dma_start3A_32, %dma_start3A_33, %dma_start3A_34] : memref<2x64x256xf32, #tpu.memory_space<vmem>> -> memref<1x64x256xf32, #tpu.memory_space<vmem>>
    %dma_start3A_36 = tpu.memref_squeeze %dma_start3A_35 : memref<1x64x256xf32, #tpu.memory_space<vmem>> -> memref<64x256xf32, #tpu.memory_space<vmem>>
    %dma_start3A_37 = arith.constant 64 : i32
    %dma_start3A_38 = tpu.memref_slice %arg9[%dma_start3A_37] : memref<512xi32, #tpu.memory_space<vmem>> -> memref<64xi32, #tpu.memory_space<vmem>>
    %dma_start3A_39 = arith.constant 0 : i32
    %dma_start3A_40 = arith.constant 0 : i32
    %dma_start3A_41 = tpu.memref_slice %arg5[%dma_start3A_39, %dma_start3A_40] : memref<100000x256xf32, #tpu.memory_space<hbm>> -> memref<100000x256xf32, #tpu.memory_space<hbm>>
    tpu.enqueue_indirect_dma source(%dma_start3A_41 : memref<100000x256xf32, #tpu.memory_space<hbm>>) target(%dma_start3A_36 : memref<64x256xf32, #tpu.memory_space<vmem>>) offsets(%dma_start3A_38 : memref<64xi32, #tpu.memory_space<vmem>>) semaphore(%arg15 : memref<!tpu.dma_semaphore, #tpu.memory_space<semaphore_mem>>)
    %dma_wait3A = arith.constant 0 : i32
    %dma_wait3A_42 = arith.constant 0 : i32
    %dma_wait3A_43 = arith.constant 0 : i32
    %dma_wait3A_44 = tpu.memref_slice %arg10[%dma_wait3A, %dma_wait3A_42, %dma_wait3A_43] : memref<2x64x256xf32, #tpu.memory_space<vmem>> -> memref<1x64x256xf32, #tpu.memory_space<vmem>>
    %dma_wait3A_45 = tpu.memref_squeeze %dma_wait3A_44 : memref<1x64x256xf32, #tpu.memory_space<vmem>> -> memref<64x256xf32, #tpu.memory_space<vmem>>
    %dma_wait3A_46 = arith.constant 0 : i32
    %dma_wait3A_47 = tpu.memref_slice %arg8[%dma_wait3A_46] : memref<512xi32, #tpu.memory_space<vmem>> -> memref<64xi32, #tpu.memory_space<vmem>>
    %dma_wait3A_48 = arith.constant 0 : i32
    %dma_wait3A_49 = arith.constant 0 : i32
    %dma_wait3A_50 = tpu.memref_slice %arg4[%dma_wait3A_48, %dma_wait3A_49] : memref<100000x256xf32, #tpu.memory_space<hbm>> -> memref<100000x256xf32, #tpu.memory_space<hbm>>
    tpu.wait_indirect_dma semaphore(%arg12 : memref<!tpu.dma_semaphore, #tpu.memory_space<semaphore_mem>>) src(%dma_wait3A_50 : memref<100000x256xf32, #tpu.memory_space<hbm>>) dst(%dma_wait3A_45 : memref<64x256xf32, #tpu.memory_space<vmem>>)
    %dma_wait3A_51 = arith.constant 0 : i32
    %dma_wait3A_52 = arith.constant 0 : i32
    %dma_wait3A_53 = arith.constant 0 : i32
    %dma_wait3A_54 = tpu.memref_slice %arg11[%dma_wait3A_51, %dma_wait3A_52, %dma_wait3A_53] : memref<2x64x256xf32, #tpu.memory_space<vmem>> -> memref<1x64x256xf32, #tpu.memory_space<vmem>>
    %dma_wait3A_55 = tpu.memref_squeeze %dma_wait3A_54 : memref<1x64x256xf32, #tpu.memory_space<vmem>> -> memref<64x256xf32, #tpu.memory_space<vmem>>
    %dma_wait3A_56 = arith.constant 0 : i32
    %dma_wait3A_57 = tpu.memref_slice %arg9[%dma_wait3A_56] : memref<512xi32, #tpu.memory_space<vmem>> -> memref<64xi32, #tpu.memory_space<vmem>>
    %dma_wait3A_58 = arith.constant 0 : i32
    %dma_wait3A_59 = arith.constant 0 : i32
    %dma_wait3A_60 = tpu.memref_slice %arg5[%dma_wait3A_58, %dma_wait3A_59] : memref<100000x256xf32, #tpu.memory_space<hbm>> -> memref<100000x256xf32, #tpu.memory_space<hbm>>
    tpu.wait_indirect_dma semaphore(%arg14 : memref<!tpu.dma_semaphore, #tpu.memory_space<semaphore_mem>>) src(%dma_wait3A_60 : memref<100000x256xf32, #tpu.memory_space<hbm>>) dst(%dma_wait3A_55 : memref<64x256xf32, #tpu.memory_space<vmem>>)
    %add3A_61 = arith.constant 0 : i32
    %add3A_62 = arith.addi %mul3A_2, %add3A_61 : i32
    %run_scoped3A = arith.constant 0 : i32
    "tpu.region"() ({
      %run_scoped3A_368 = tpu.sem_alloc : memref<!tpu.dma_semaphore, #tpu.memory_space<semaphore_mem>>
      %dma_start3A_369 = arith.constant 0 : i32
      %dma_start3A_370 = arith.constant 0 : i32
      %dma_start3A_371 = tpu.memref_slice %arg10[%run_scoped3A, %dma_start3A_369, %dma_start3A_370] : memref<2x64x256xf32, #tpu.memory_space<vmem>> -> memref<1x64x256xf32, #tpu.memory_space<vmem>>
      %dma_start3A_372 = tpu.memref_squeeze %dma_start3A_371 : memref<1x64x256xf32, #tpu.memory_space<vmem>> -> memref<64x256xf32, #tpu.memory_space<vmem>>
      %dma_start3A_373 = arith.constant 0 : i32
      %dma_start3A_374 = tpu.memref_slice %arg6[%add3A_62, %dma_start3A_373] : memref<16384x256xf32, #tpu.memory_space<hbm>> -> memref<64x256xf32, #tpu.memory_space<hbm>>
      %dma_start3A_375 = arith.constant 0 : i32
      %dma_start3A_376 = tpu.memref_slice %arg6[%add3A_62, %dma_start3A_375] : memref<16384x256xf32, #tpu.memory_space<hbm>> -> memref<64x256xf32, #tpu.memory_space<hbm>>
      %dma_start3A_377 = arith.constant 0 : i32
      %dma_start3A_378 = arith.constant 0 : i32
      %dma_start3A_379 = tpu.memref_slice %arg10[%run_scoped3A, %dma_start3A_377, %dma_start3A_378] : memref<2x64x256xf32, #tpu.memory_space<vmem>> -> memref<1x64x256xf32, #tpu.memory_space<vmem>>
      %dma_start3A_380 = tpu.memref_squeeze %dma_start3A_379 : memref<1x64x256xf32, #tpu.memory_space<vmem>> -> memref<64x256xf32, #tpu.memory_space<vmem>>
      tpu.enqueue_dma source(%dma_start3A_380 : memref<64x256xf32, #tpu.memory_space<vmem>>) target(%dma_start3A_376 : memref<64x256xf32, #tpu.memory_space<hbm>>) target_semaphore(%run_scoped3A_368 : memref<!tpu.dma_semaphore, #tpu.memory_space<semaphore_mem>>)
      %dma_wait3A_381 = arith.constant 0 : i32
      %dma_wait3A_382 = arith.constant 0 : i32
      %dma_wait3A_383 = tpu.memref_slice %arg10[%run_scoped3A, %dma_wait3A_381, %dma_wait3A_382] : memref<2x64x256xf32, #tpu.memory_space<vmem>> -> memref<1x64x256xf32, #tpu.memory_space<vmem>>
      %dma_wait3A_384 = tpu.memref_squeeze %dma_wait3A_383 : memref<1x64x256xf32, #tpu.memory_space<vmem>> -> memref<64x256xf32, #tpu.memory_space<vmem>>
      %dma_wait3A_385 = arith.constant 0 : i32
      %dma_wait3A_386 = tpu.memref_slice %arg6[%add3A_62, %dma_wait3A_385] : memref<16384x256xf32, #tpu.memory_space<hbm>> -> memref<64x256xf32, #tpu.memory_space<hbm>>
      %dma_wait3A_387 = arith.constant 0 : i32
      %dma_wait3A_388 = tpu.memref_slice %arg6[%add3A_62, %dma_wait3A_387] : memref<16384x256xf32, #tpu.memory_space<hbm>> -> memref<64x256xf32, #tpu.memory_space<hbm>>
      %dma_wait3A_389 = arith.constant 0 : i32
      %dma_wait3A_390 = arith.constant 0 : i32
      %dma_wait3A_391 = tpu.memref_slice %arg10[%run_scoped3A, %dma_wait3A_389, %dma_wait3A_390] : memref<2x64x256xf32, #tpu.memory_space<vmem>> -> memref<1x64x256xf32, #tpu.memory_space<vmem>>
      %dma_wait3A_392 = tpu.memref_squeeze %dma_wait3A_391 : memref<1x64x256xf32, #tpu.memory_space<vmem>> -> memref<64x256xf32, #tpu.memory_space<vmem>>
      tpu.wait_dma2 semaphore(%run_scoped3A_368 : memref<!tpu.dma_semaphore, #tpu.memory_space<semaphore_mem>>) src(%dma_wait3A_392 : memref<64x256xf32, #tpu.memory_space<vmem>>) dst(%dma_wait3A_388 : memref<64x256xf32, #tpu.memory_space<hbm>>)
      tpu.yield
    }) : () -> ()
    %add3A_63 = arith.constant 0 : i32
    %add3A_64 = arith.addi %mul3A_2, %add3A_63 : i32
    %run_scoped3A_65 = arith.constant 0 : i32
    "tpu.region"() ({
      %run_scoped3A_368 = tpu.sem_alloc : memref<!tpu.dma_semaphore, #tpu.memory_space<semaphore_mem>>
      %dma_start3A_369 = arith.constant 0 : i32
      %dma_start3A_370 = arith.constant 0 : i32
      %dma_start3A_371 = tpu.memref_slice %arg11[%run_scoped3A_65, %dma_start3A_369, %dma_start3A_370] : memref<2x64x256xf32, #tpu.memory_space<vmem>> -> memref<1x64x256xf32, #tpu.memory_space<vmem>>
      %dma_start3A_372 = tpu.memref_squeeze %dma_start3A_371 : memref<1x64x256xf32, #tpu.memory_space<vmem>> -> memref<64x256xf32, #tpu.memory_space<vmem>>
      %dma_start3A_373 = arith.constant 0 : i32
      %dma_start3A_374 = tpu.memref_slice %arg7[%add3A_64, %dma_start3A_373] : memref<16384x256xf32, #tpu.memory_space<hbm>> -> memref<64x256xf32, #tpu.memory_space<hbm>>
      %dma_start3A_375 = arith.constant 0 : i32
      %dma_start3A_376 = tpu.memref_slice %arg7[%add3A_64, %dma_start3A_375] : memref<16384x256xf32, #tpu.memory_space<hbm>> -> memref<64x256xf32, #tpu.memory_space<hbm>>
      %dma_start3A_377 = arith.constant 0 : i32
      %dma_start3A_378 = arith.constant 0 : i32
      %dma_start3A_379 = tpu.memref_slice %arg11[%run_scoped3A_65, %dma_start3A_377, %dma_start3A_378] : memref<2x64x256xf32, #tpu.memory_space<vmem>> -> memref<1x64x256xf32, #tpu.memory_space<vmem>>
      %dma_start3A_380 = tpu.memref_squeeze %dma_start3A_379 : memref<1x64x256xf32, #tpu.memory_space<vmem>> -> memref<64x256xf32, #tpu.memory_space<vmem>>
      tpu.enqueue_dma source(%dma_start3A_380 : memref<64x256xf32, #tpu.memory_space<vmem>>) target(%dma_start3A_376 : memref<64x256xf32, #tpu.memory_space<hbm>>) target_semaphore(%run_scoped3A_368 : memref<!tpu.dma_semaphore, #tpu.memory_space<semaphore_mem>>)
      %dma_wait3A_381 = arith.constant 0 : i32
      %dma_wait3A_382 = arith.constant 0 : i32
      %dma_wait3A_383 = tpu.memref_slice %arg11[%run_scoped3A_65, %dma_wait3A_381, %dma_wait3A_382] : memref<2x64x256xf32, #tpu.memory_space<vmem>> -> memref<1x64x256xf32, #tpu.memory_space<vmem>>
      %dma_wait3A_384 = tpu.memref_squeeze %dma_wait3A_383 : memref<1x64x256xf32, #tpu.memory_space<vmem>> -> memref<64x256xf32, #tpu.memory_space<vmem>>
      %dma_wait3A_385 = arith.constant 0 : i32
      %dma_wait3A_386 = tpu.memref_slice %arg7[%add3A_64, %dma_wait3A_385] : memref<16384x256xf32, #tpu.memory_space<hbm>> -> memref<64x256xf32, #tpu.memory_space<hbm>>
      %dma_wait3A_387 = arith.constant 0 : i32
      %dma_wait3A_388 = tpu.memref_slice %arg7[%add3A_64, %dma_wait3A_387] : memref<16384x256xf32, #tpu.memory_space<hbm>> -> memref<64x256xf32, #tpu.memory_space<hbm>>
      %dma_wait3A_389 = arith.constant 0 : i32
      %dma_wait3A_390 = arith.constant 0 : i32
      %dma_wait3A_391 = tpu.memref_slice %arg11[%run_scoped3A_65, %dma_wait3A_389, %dma_wait3A_390] : memref<2x64x256xf32, #tpu.memory_space<vmem>> -> memref<1x64x256xf32, #tpu.memory_space<vmem>>
      %dma_wait3A_392 = tpu.memref_squeeze %dma_wait3A_391 : memref<1x64x256xf32, #tpu.memory_space<vmem>> -> memref<64x256xf32, #tpu.memory_space<vmem>>
      tpu.wait_dma2 semaphore(%run_scoped3A_368 : memref<!tpu.dma_semaphore, #tpu.memory_space<semaphore_mem>>) src(%dma_wait3A_392 : memref<64x256xf32, #tpu.memory_space<vmem>>) dst(%dma_wait3A_388 : memref<64x256xf32, #tpu.memory_space<hbm>>)
      tpu.yield
    }) : () -> ()
    %dma_start3A_66 = arith.constant 0 : i32
    %dma_start3A_67 = arith.constant 0 : i32
    %dma_start3A_68 = arith.constant 0 : i32
    %dma_start3A_69 = tpu.memref_slice %arg10[%dma_start3A_66, %dma_start3A_67, %dma_start3A_68] : memref<2x64x256xf32, #tpu.memory_space<vmem>> -> memref<1x64x256xf32, #tpu.memory_space<vmem>>
    %dma_start3A_70 = tpu.memref_squeeze %dma_start3A_69 : memref<1x64x256xf32, #tpu.memory_space<vmem>> -> memref<64x256xf32, #tpu.memory_space<vmem>>
    %dma_start3A_71 = arith.constant 128 : i32
    %dma_start3A_72 = tpu.memref_slice %arg8[%dma_start3A_71] : memref<512xi32, #tpu.memory_space<vmem>> -> memref<64xi32, #tpu.memory_space<vmem>>
    %dma_start3A_73 = arith.constant 0 : i32
    %dma_start3A_74 = arith.constant 0 : i32
    %dma_start3A_75 = tpu.memref_slice %arg4[%dma_start3A_73, %dma_start3A_74] : memref<100000x256xf32, #tpu.memory_space<hbm>> -> memref<100000x256xf32, #tpu.memory_space<hbm>>
    tpu.enqueue_indirect_dma source(%dma_start3A_75 : memref<100000x256xf32, #tpu.memory_space<hbm>>) target(%dma_start3A_70 : memref<64x256xf32, #tpu.memory_space<vmem>>) offsets(%dma_start3A_72 : memref<64xi32, #tpu.memory_space<vmem>>) semaphore(%arg12 : memref<!tpu.dma_semaphore, #tpu.memory_space<semaphore_mem>>)
    %dma_start3A_76 = arith.constant 0 : i32
    %dma_start3A_77 = arith.constant 0 : i32
    %dma_start3A_78 = arith.constant 0 : i32
    %dma_start3A_79 = tpu.memref_slice %arg11[%dma_start3A_76, %dma_start3A_77, %dma_start3A_78] : memref<2x64x256xf32, #tpu.memory_space<vmem>> -> memref<1x64x256xf32, #tpu.memory_space<vmem>>
    %dma_start3A_80 = tpu.memref_squeeze %dma_start3A_79 : memref<1x64x256xf32, #tpu.memory_space<vmem>> -> memref<64x256xf32, #tpu.memory_space<vmem>>
    %dma_start3A_81 = arith.constant 128 : i32
    %dma_start3A_82 = tpu.memref_slice %arg9[%dma_start3A_81] : memref<512xi32, #tpu.memory_space<vmem>> -> memref<64xi32, #tpu.memory_space<vmem>>
    %dma_start3A_83 = arith.constant 0 : i32
    %dma_start3A_84 = arith.constant 0 : i32
    %dma_start3A_85 = tpu.memref_slice %arg5[%dma_start3A_83, %dma_start3A_84] : memref<100000x256xf32, #tpu.memory_space<hbm>> -> memref<100000x256xf32, #tpu.memory_space<hbm>>
    tpu.enqueue_indirect_dma source(%dma_start3A_85 : memref<100000x256xf32, #tpu.memory_space<hbm>>) target(%dma_start3A_80 : memref<64x256xf32, #tpu.memory_space<vmem>>) offsets(%dma_start3A_82 : memref<64xi32, #tpu.memory_space<vmem>>) semaphore(%arg14 : memref<!tpu.dma_semaphore, #tpu.memory_space<semaphore_mem>>)
    %dma_wait3A_86 = arith.constant 1 : i32
    %dma_wait3A_87 = arith.constant 0 : i32
    %dma_wait3A_88 = arith.constant 0 : i32
    %dma_wait3A_89 = tpu.memref_slice %arg10[%dma_wait3A_86, %dma_wait3A_87, %dma_wait3A_88] : memref<2x64x256xf32, #tpu.memory_space<vmem>> -> memref<1x64x256xf32, #tpu.memory_space<vmem>>
    %dma_wait3A_90 = tpu.memref_squeeze %dma_wait3A_89 : memref<1x64x256xf32, #tpu.memory_space<vmem>> -> memref<64x256xf32, #tpu.memory_space<vmem>>
    %dma_wait3A_91 = arith.constant 64 : i32
    %dma_wait3A_92 = tpu.memref_slice %arg8[%dma_wait3A_91] : memref<512xi32, #tpu.memory_space<vmem>> -> memref<64xi32, #tpu.memory_space<vmem>>
    %dma_wait3A_93 = arith.constant 0 : i32
    %dma_wait3A_94 = arith.constant 0 : i32
    %dma_wait3A_95 = tpu.memref_slice %arg4[%dma_wait3A_93, %dma_wait3A_94] : memref<100000x256xf32, #tpu.memory_space<hbm>> -> memref<100000x256xf32, #tpu.memory_space<hbm>>
    tpu.wait_indirect_dma semaphore(%arg13 : memref<!tpu.dma_semaphore, #tpu.memory_space<semaphore_mem>>) src(%dma_wait3A_95 : memref<100000x256xf32, #tpu.memory_space<hbm>>) dst(%dma_wait3A_90 : memref<64x256xf32, #tpu.memory_space<vmem>>)
    %dma_wait3A_96 = arith.constant 1 : i32
    %dma_wait3A_97 = arith.constant 0 : i32
    %dma_wait3A_98 = arith.constant 0 : i32
    %dma_wait3A_99 = tpu.memref_slice %arg11[%dma_wait3A_96, %dma_wait3A_97, %dma_wait3A_98] : memref<2x64x256xf32, #tpu.memory_space<vmem>> -> memref<1x64x256xf32, #tpu.memory_space<vmem>>
    %dma_wait3A_100 = tpu.memref_squeeze %dma_wait3A_99 : memref<1x64x256xf32, #tpu.memory_space<vmem>> -> memref<64x256xf32, #tpu.memory_space<vmem>>
    %dma_wait3A_101 = arith.constant 64 : i32
    %dma_wait3A_102 = tpu.memref_slice %arg9[%dma_wait3A_101] : memref<512xi32, #tpu.memory_space<vmem>> -> memref<64xi32, #tpu.memory_space<vmem>>
    %dma_wait3A_103 = arith.constant 0 : i32
    %dma_wait3A_104 = arith.constant 0 : i32
    %dma_wait3A_105 = tpu.memref_slice %arg5[%dma_wait3A_103, %dma_wait3A_104] : memref<100000x256xf32, #tpu.memory_space<hbm>> -> memref<100000x256xf32, #tpu.memory_space<hbm>>
    tpu.wait_indirect_dma semaphore(%arg15 : memref<!tpu.dma_semaphore, #tpu.memory_space<semaphore_mem>>) src(%dma_wait3A_105 : memref<100000x256xf32, #tpu.memory_space<hbm>>) dst(%dma_wait3A_100 : memref<64x256xf32, #tpu.memory_space<vmem>>)
    %add3A_106 = arith.constant 64 : i32
    %add3A_107 = arith.addi %mul3A_2, %add3A_106 : i32
    %run_scoped3A_108 = arith.constant 1 : i32
    "tpu.region"() ({
      %run_scoped3A_368 = tpu.sem_alloc : memref<!tpu.dma_semaphore, #tpu.memory_space<semaphore_mem>>
      %dma_start3A_369 = arith.constant 0 : i32
      %dma_start3A_370 = arith.constant 0 : i32
      %dma_start3A_371 = tpu.memref_slice %arg10[%run_scoped3A_108, %dma_start3A_369, %dma_start3A_370] : memref<2x64x256xf32, #tpu.memory_space<vmem>> -> memref<1x64x256xf32, #tpu.memory_space<vmem>>
      %dma_start3A_372 = tpu.memref_squeeze %dma_start3A_371 : memref<1x64x256xf32, #tpu.memory_space<vmem>> -> memref<64x256xf32, #tpu.memory_space<vmem>>
      %dma_start3A_373 = arith.constant 0 : i32
      %dma_start3A_374 = tpu.memref_slice %arg6[%add3A_107, %dma_start3A_373] : memref<16384x256xf32, #tpu.memory_space<hbm>> -> memref<64x256xf32, #tpu.memory_space<hbm>>
      %dma_start3A_375 = arith.constant 0 : i32
      %dma_start3A_376 = tpu.memref_slice %arg6[%add3A_107, %dma_start3A_375] : memref<16384x256xf32, #tpu.memory_space<hbm>> -> memref<64x256xf32, #tpu.memory_space<hbm>>
      %dma_start3A_377 = arith.constant 0 : i32
      %dma_start3A_378 = arith.constant 0 : i32
      %dma_start3A_379 = tpu.memref_slice %arg10[%run_scoped3A_108, %dma_start3A_377, %dma_start3A_378] : memref<2x64x256xf32, #tpu.memory_space<vmem>> -> memref<1x64x256xf32, #tpu.memory_space<vmem>>
      %dma_start3A_380 = tpu.memref_squeeze %dma_start3A_379 : memref<1x64x256xf32, #tpu.memory_space<vmem>> -> memref<64x256xf32, #tpu.memory_space<vmem>>
      tpu.enqueue_dma source(%dma_start3A_380 : memref<64x256xf32, #tpu.memory_space<vmem>>) target(%dma_start3A_376 : memref<64x256xf32, #tpu.memory_space<hbm>>) target_semaphore(%run_scoped3A_368 : memref<!tpu.dma_semaphore, #tpu.memory_space<semaphore_mem>>)
      %dma_wait3A_381 = arith.constant 0 : i32
      %dma_wait3A_382 = arith.constant 0 : i32
      %dma_wait3A_383 = tpu.memref_slice %arg10[%run_scoped3A_108, %dma_wait3A_381, %dma_wait3A_382] : memref<2x64x256xf32, #tpu.memory_space<vmem>> -> memref<1x64x256xf32, #tpu.memory_space<vmem>>
      %dma_wait3A_384 = tpu.memref_squeeze %dma_wait3A_383 : memref<1x64x256xf32, #tpu.memory_space<vmem>> -> memref<64x256xf32, #tpu.memory_space<vmem>>
      %dma_wait3A_385 = arith.constant 0 : i32
      %dma_wait3A_386 = tpu.memref_slice %arg6[%add3A_107, %dma_wait3A_385] : memref<16384x256xf32, #tpu.memory_space<hbm>> -> memref<64x256xf32, #tpu.memory_space<hbm>>
      %dma_wait3A_387 = arith.constant 0 : i32
      %dma_wait3A_388 = tpu.memref_slice %arg6[%add3A_107, %dma_wait3A_387] : memref<16384x256xf32, #tpu.memory_space<hbm>> -> memref<64x256xf32, #tpu.memory_space<hbm>>
      %dma_wait3A_389 = arith.constant 0 : i32
      %dma_wait3A_390 = arith.constant 0 : i32
      %dma_wait3A_391 = tpu.memref_slice %arg10[%run_scoped3A_108, %dma_wait3A_389, %dma_wait3A_390] : memref<2x64x256xf32, #tpu.memory_space<vmem>> -> memref<1x64x256xf32, #tpu.memory_space<vmem>>
      %dma_wait3A_392 = tpu.memref_squeeze %dma_wait3A_391 : memref<1x64x256xf32, #tpu.memory_space<vmem>> -> memref<64x256xf32, #tpu.memory_space<vmem>>
      tpu.wait_dma2 semaphore(%run_scoped3A_368 : memref<!tpu.dma_semaphore, #tpu.memory_space<semaphore_mem>>) src(%dma_wait3A_392 : memref<64x256xf32, #tpu.memory_space<vmem>>) dst(%dma_wait3A_388 : memref<64x256xf32, #tpu.memory_space<hbm>>)
      tpu.yield
    }) : () -> ()
    %add3A_109 = arith.constant 64 : i32
    %add3A_110 = arith.addi %mul3A_2, %add3A_109 : i32
    %run_scoped3A_111 = arith.constant 1 : i32
    "tpu.region"() ({
      %run_scoped3A_368 = tpu.sem_alloc : memref<!tpu.dma_semaphore, #tpu.memory_space<semaphore_mem>>
      %dma_start3A_369 = arith.constant 0 : i32
      %dma_start3A_370 = arith.constant 0 : i32
      %dma_start3A_371 = tpu.memref_slice %arg11[%run_scoped3A_111, %dma_start3A_369, %dma_start3A_370] : memref<2x64x256xf32, #tpu.memory_space<vmem>> -> memref<1x64x256xf32, #tpu.memory_space<vmem>>
      %dma_start3A_372 = tpu.memref_squeeze %dma_start3A_371 : memref<1x64x256xf32, #tpu.memory_space<vmem>> -> memref<64x256xf32, #tpu.memory_space<vmem>>
      %dma_start3A_373 = arith.constant 0 : i32
      %dma_start3A_374 = tpu.memref_slice %arg7[%add3A_110, %dma_start3A_373] : memref<16384x256xf32, #tpu.memory_space<hbm>> -> memref<64x256xf32, #tpu.memory_space<hbm>>
      %dma_start3A_375 = arith.constant 0 : i32
      %dma_start3A_376 = tpu.memref_slice %arg7[%add3A_110, %dma_start3A_375] : memref<16384x256xf32, #tpu.memory_space<hbm>> -> memref<64x256xf32, #tpu.memory_space<hbm>>
      %dma_start3A_377 = arith.constant 0 : i32
      %dma_start3A_378 = arith.constant 0 : i32
      %dma_start3A_379 = tpu.memref_slice %arg11[%run_scoped3A_111, %dma_start3A_377, %dma_start3A_378] : memref<2x64x256xf32, #tpu.memory_space<vmem>> -> memref<1x64x256xf32, #tpu.memory_space<vmem>>
      %dma_start3A_380 = tpu.memref_squeeze %dma_start3A_379 : memref<1x64x256xf32, #tpu.memory_space<vmem>> -> memref<64x256xf32, #tpu.memory_space<vmem>>
      tpu.enqueue_dma source(%dma_start3A_380 : memref<64x256xf32, #tpu.memory_space<vmem>>) target(%dma_start3A_376 : memref<64x256xf32, #tpu.memory_space<hbm>>) target_semaphore(%run_scoped3A_368 : memref<!tpu.dma_semaphore, #tpu.memory_space<semaphore_mem>>)
      %dma_wait3A_381 = arith.constant 0 : i32
      %dma_wait3A_382 = arith.constant 0 : i32
      %dma_wait3A_383 = tpu.memref_slice %arg11[%run_scoped3A_111, %dma_wait3A_381, %dma_wait3A_382] : memref<2x64x256xf32, #tpu.memory_space<vmem>> -> memref<1x64x256xf32, #tpu.memory_space<vmem>>
      %dma_wait3A_384 = tpu.memref_squeeze %dma_wait3A_383 : memref<1x64x256xf32, #tpu.memory_space<vmem>> -> memref<64x256xf32, #tpu.memory_space<vmem>>
      %dma_wait3A_385 = arith.constant 0 : i32
      %dma_wait3A_386 = tpu.memref_slice %arg7[%add3A_110, %dma_wait3A_385] : memref<16384x256xf32, #tpu.memory_space<hbm>> -> memref<64x256xf32, #tpu.memory_space<hbm>>
      %dma_wait3A_387 = arith.constant 0 : i32
      %dma_wait3A_388 = tpu.memref_slice %arg7[%add3A_110, %dma_wait3A_387] : memref<16384x256xf32, #tpu.memory_space<hbm>> -> memref<64x256xf32, #tpu.memory_space<hbm>>
      %dma_wait3A_389 = arith.constant 0 : i32
      %dma_wait3A_390 = arith.constant 0 : i32
      %dma_wait3A_391 = tpu.memref_slice %arg11[%run_scoped3A_111, %dma_wait3A_389, %dma_wait3A_390] : memref<2x64x256xf32, #tpu.memory_space<vmem>> -> memref<1x64x256xf32, #tpu.memory_space<vmem>>
      %dma_wait3A_392 = tpu.memref_squeeze %dma_wait3A_391 : memref<1x64x256xf32, #tpu.memory_space<vmem>> -> memref<64x256xf32, #tpu.memory_space<vmem>>
      tpu.wait_dma2 semaphore(%run_scoped3A_368 : memref<!tpu.dma_semaphore, #tpu.memory_space<semaphore_mem>>) src(%dma_wait3A_392 : memref<64x256xf32, #tpu.memory_space<vmem>>) dst(%dma_wait3A_388 : memref<64x256xf32, #tpu.memory_space<hbm>>)
      tpu.yield
    }) : () -> ()
    %dma_start3A_112 = arith.constant 1 : i32
    %dma_start3A_113 = arith.constant 0 : i32
    %dma_start3A_114 = arith.constant 0 : i32
    %dma_start3A_115 = tpu.memref_slice %arg10[%dma_start3A_112, %dma_start3A_113, %dma_start3A_114] : memref<2x64x256xf32, #tpu.memory_space<vmem>> -> memref<1x64x256xf32, #tpu.memory_space<vmem>>
    %dma_start3A_116 = tpu.memref_squeeze %dma_start3A_115 : memref<1x64x256xf32, #tpu.memory_space<vmem>> -> memref<64x256xf32, #tpu.memory_space<vmem>>
    %dma_start3A_117 = arith.constant 192 : i32
    %dma_start3A_118 = tpu.memref_slice %arg8[%dma_start3A_117] : memref<512xi32, #tpu.memory_space<vmem>> -> memref<64xi32, #tpu.memory_space<vmem>>
    %dma_start3A_119 = arith.constant 0 : i32
    %dma_start3A_120 = arith.constant 0 : i32
    %dma_start3A_121 = tpu.memref_slice %arg4[%dma_start3A_119, %dma_start3A_120] : memref<100000x256xf32, #tpu.memory_space<hbm>> -> memref<100000x256xf32, #tpu.memory_space<hbm>>
    tpu.enqueue_indirect_dma source(%dma_start3A_121 : memref<100000x256xf32, #tpu.memory_space<hbm>>) target(%dma_start3A_116 : memref<64x256xf32, #tpu.memory_space<vmem>>) offsets(%dma_start3A_118 : memref<64xi32, #tpu.memory_space<vmem>>) semaphore(%arg13 : memref<!tpu.dma_semaphore, #tpu.memory_space<semaphore_mem>>)
    %dma_start3A_122 = arith.constant 1 : i32
    %dma_start3A_123 = arith.constant 0 : i32
    %dma_start3A_124 = arith.constant 0 : i32
    %dma_start3A_125 = tpu.memref_slice %arg11[%dma_start3A_122, %dma_start3A_123, %dma_start3A_124] : memref<2x64x256xf32, #tpu.memory_space<vmem>> -> memref<1x64x256xf32, #tpu.memory_space<vmem>>
    %dma_start3A_126 = tpu.memref_squeeze %dma_start3A_125 : memref<1x64x256xf32, #tpu.memory_space<vmem>> -> memref<64x256xf32, #tpu.memory_space<vmem>>
    %dma_start3A_127 = arith.constant 192 : i32
    %dma_start3A_128 = tpu.memref_slice %arg9[%dma_start3A_127] : memref<512xi32, #tpu.memory_space<vmem>> -> memref<64xi32, #tpu.memory_space<vmem>>
    %dma_start3A_129 = arith.constant 0 : i32
    %dma_start3A_130 = arith.constant 0 : i32
    %dma_start3A_131 = tpu.memref_slice %arg5[%dma_start3A_129, %dma_start3A_130] : memref<100000x256xf32, #tpu.memory_space<hbm>> -> memref<100000x256xf32, #tpu.memory_space<hbm>>
    tpu.enqueue_indirect_dma source(%dma_start3A_131 : memref<100000x256xf32, #tpu.memory_space<hbm>>) target(%dma_start3A_126 : memref<64x256xf32, #tpu.memory_space<vmem>>) offsets(%dma_start3A_128 : memref<64xi32, #tpu.memory_space<vmem>>) semaphore(%arg15 : memref<!tpu.dma_semaphore, #tpu.memory_space<semaphore_mem>>)
    %dma_wait3A_132 = arith.constant 0 : i32
    %dma_wait3A_133 = arith.constant 0 : i32
    %dma_wait3A_134 = arith.constant 0 : i32
    %dma_wait3A_135 = tpu.memref_slice %arg10[%dma_wait3A_132, %dma_wait3A_133, %dma_wait3A_134] : memref<2x64x256xf32, #tpu.memory_space<vmem>> -> memref<1x64x256xf32, #tpu.memory_space<vmem>>
    %dma_wait3A_136 = tpu.memref_squeeze %dma_wait3A_135 : memref<1x64x256xf32, #tpu.memory_space<vmem>> -> memref<64x256xf32, #tpu.memory_space<vmem>>
    %dma_wait3A_137 = arith.constant 128 : i32
    %dma_wait3A_138 = tpu.memref_slice %arg8[%dma_wait3A_137] : memref<512xi32, #tpu.memory_space<vmem>> -> memref<64xi32, #tpu.memory_space<vmem>>
    %dma_wait3A_139 = arith.constant 0 : i32
    %dma_wait3A_140 = arith.constant 0 : i32
    %dma_wait3A_141 = tpu.memref_slice %arg4[%dma_wait3A_139, %dma_wait3A_140] : memref<100000x256xf32, #tpu.memory_space<hbm>> -> memref<100000x256xf32, #tpu.memory_space<hbm>>
    tpu.wait_indirect_dma semaphore(%arg12 : memref<!tpu.dma_semaphore, #tpu.memory_space<semaphore_mem>>) src(%dma_wait3A_141 : memref<100000x256xf32, #tpu.memory_space<hbm>>) dst(%dma_wait3A_136 : memref<64x256xf32, #tpu.memory_space<vmem>>)
    %dma_wait3A_142 = arith.constant 0 : i32
    %dma_wait3A_143 = arith.constant 0 : i32
    %dma_wait3A_144 = arith.constant 0 : i32
    %dma_wait3A_145 = tpu.memref_slice %arg11[%dma_wait3A_142, %dma_wait3A_143, %dma_wait3A_144] : memref<2x64x256xf32, #tpu.memory_space<vmem>> -> memref<1x64x256xf32, #tpu.memory_space<vmem>>
    %dma_wait3A_146 = tpu.memref_squeeze %dma_wait3A_145 : memref<1x64x256xf32, #tpu.memory_space<vmem>> -> memref<64x256xf32, #tpu.memory_space<vmem>>
    %dma_wait3A_147 = arith.constant 128 : i32
    %dma_wait3A_148 = tpu.memref_slice %arg9[%dma_wait3A_147] : memref<512xi32, #tpu.memory_space<vmem>> -> memref<64xi32, #tpu.memory_space<vmem>>
    %dma_wait3A_149 = arith.constant 0 : i32
    %dma_wait3A_150 = arith.constant 0 : i32
    %dma_wait3A_151 = tpu.memref_slice %arg5[%dma_wait3A_149, %dma_wait3A_150] : memref<100000x256xf32, #tpu.memory_space<hbm>> -> memref<100000x256xf32, #tpu.memory_space<hbm>>
    tpu.wait_indirect_dma semaphore(%arg14 : memref<!tpu.dma_semaphore, #tpu.memory_space<semaphore_mem>>) src(%dma_wait3A_151 : memref<100000x256xf32, #tpu.memory_space<hbm>>) dst(%dma_wait3A_146 : memref<64x256xf32, #tpu.memory_space<vmem>>)
    %add3A_152 = arith.constant 128 : i32
    %add3A_153 = arith.addi %mul3A_2, %add3A_152 : i32
    %run_scoped3A_154 = arith.constant 0 : i32
    "tpu.region"() ({
      %run_scoped3A_368 = tpu.sem_alloc : memref<!tpu.dma_semaphore, #tpu.memory_space<semaphore_mem>>
      %dma_start3A_369 = arith.constant 0 : i32
      %dma_start3A_370 = arith.constant 0 : i32
      %dma_start3A_371 = tpu.memref_slice %arg10[%run_scoped3A_154, %dma_start3A_369, %dma_start3A_370] : memref<2x64x256xf32, #tpu.memory_space<vmem>> -> memref<1x64x256xf32, #tpu.memory_space<vmem>>
      %dma_start3A_372 = tpu.memref_squeeze %dma_start3A_371 : memref<1x64x256xf32, #tpu.memory_space<vmem>> -> memref<64x256xf32, #tpu.memory_space<vmem>>
      %dma_start3A_373 = arith.constant 0 : i32
      %dma_start3A_374 = tpu.memref_slice %arg6[%add3A_153, %dma_start3A_373] : memref<16384x256xf32, #tpu.memory_space<hbm>> -> memref<64x256xf32, #tpu.memory_space<hbm>>
      %dma_start3A_375 = arith.constant 0 : i32
      %dma_start3A_376 = tpu.memref_slice %arg6[%add3A_153, %dma_start3A_375] : memref<16384x256xf32, #tpu.memory_space<hbm>> -> memref<64x256xf32, #tpu.memory_space<hbm>>
      %dma_start3A_377 = arith.constant 0 : i32
      %dma_start3A_378 = arith.constant 0 : i32
      %dma_start3A_379 = tpu.memref_slice %arg10[%run_scoped3A_154, %dma_start3A_377, %dma_start3A_378] : memref<2x64x256xf32, #tpu.memory_space<vmem>> -> memref<1x64x256xf32, #tpu.memory_space<vmem>>
      %dma_start3A_380 = tpu.memref_squeeze %dma_start3A_379 : memref<1x64x256xf32, #tpu.memory_space<vmem>> -> memref<64x256xf32, #tpu.memory_space<vmem>>
      tpu.enqueue_dma source(%dma_start3A_380 : memref<64x256xf32, #tpu.memory_space<vmem>>) target(%dma_start3A_376 : memref<64x256xf32, #tpu.memory_space<hbm>>) target_semaphore(%run_scoped3A_368 : memref<!tpu.dma_semaphore, #tpu.memory_space<semaphore_mem>>)
      %dma_wait3A_381 = arith.constant 0 : i32
      %dma_wait3A_382 = arith.constant 0 : i32
      %dma_wait3A_383 = tpu.memref_slice %arg10[%run_scoped3A_154, %dma_wait3A_381, %dma_wait3A_382] : memref<2x64x256xf32, #tpu.memory_space<vmem>> -> memref<1x64x256xf32, #tpu.memory_space<vmem>>
      %dma_wait3A_384 = tpu.memref_squeeze %dma_wait3A_383 : memref<1x64x256xf32, #tpu.memory_space<vmem>> -> memref<64x256xf32, #tpu.memory_space<vmem>>
      %dma_wait3A_385 = arith.constant 0 : i32
      %dma_wait3A_386 = tpu.memref_slice %arg6[%add3A_153, %dma_wait3A_385] : memref<16384x256xf32, #tpu.memory_space<hbm>> -> memref<64x256xf32, #tpu.memory_space<hbm>>
      %dma_wait3A_387 = arith.constant 0 : i32
      %dma_wait3A_388 = tpu.memref_slice %arg6[%add3A_153, %dma_wait3A_387] : memref<16384x256xf32, #tpu.memory_space<hbm>> -> memref<64x256xf32, #tpu.memory_space<hbm>>
      %dma_wait3A_389 = arith.constant 0 : i32
      %dma_wait3A_390 = arith.constant 0 : i32
      %dma_wait3A_391 = tpu.memref_slice %arg10[%run_scoped3A_154, %dma_wait3A_389, %dma_wait3A_390] : memref<2x64x256xf32, #tpu.memory_space<vmem>> -> memref<1x64x256xf32, #tpu.memory_space<vmem>>
      %dma_wait3A_392 = tpu.memref_squeeze %dma_wait3A_391 : memref<1x64x256xf32, #tpu.memory_space<vmem>> -> memref<64x256xf32, #tpu.memory_space<vmem>>
      tpu.wait_dma2 semaphore(%run_scoped3A_368 : memref<!tpu.dma_semaphore, #tpu.memory_space<semaphore_mem>>) src(%dma_wait3A_392 : memref<64x256xf32, #tpu.memory_space<vmem>>) dst(%dma_wait3A_388 : memref<64x256xf32, #tpu.memory_space<hbm>>)
      tpu.yield
    }) : () -> ()
    %add3A_155 = arith.constant 128 : i32
    %add3A_156 = arith.addi %mul3A_2, %add3A_155 : i32
    %run_scoped3A_157 = arith.constant 0 : i32
    "tpu.region"() ({
      %run_scoped3A_368 = tpu.sem_alloc : memref<!tpu.dma_semaphore, #tpu.memory_space<semaphore_mem>>
      %dma_start3A_369 = arith.constant 0 : i32
      %dma_start3A_370 = arith.constant 0 : i32
      %dma_start3A_371 = tpu.memref_slice %arg11[%run_scoped3A_157, %dma_start3A_369, %dma_start3A_370] : memref<2x64x256xf32, #tpu.memory_space<vmem>> -> memref<1x64x256xf32, #tpu.memory_space<vmem>>
      %dma_start3A_372 = tpu.memref_squeeze %dma_start3A_371 : memref<1x64x256xf32, #tpu.memory_space<vmem>> -> memref<64x256xf32, #tpu.memory_space<vmem>>
      %dma_start3A_373 = arith.constant 0 : i32
      %dma_start3A_374 = tpu.memref_slice %arg7[%add3A_156, %dma_start3A_373] : memref<16384x256xf32, #tpu.memory_space<hbm>> -> memref<64x256xf32, #tpu.memory_space<hbm>>
      %dma_start3A_375 = arith.constant 0 : i32
      %dma_start3A_376 = tpu.memref_slice %arg7[%add3A_156, %dma_start3A_375] : memref<16384x256xf32, #tpu.memory_space<hbm>> -> memref<64x256xf32, #tpu.memory_space<hbm>>
      %dma_start3A_377 = arith.constant 0 : i32
      %dma_start3A_378 = arith.constant 0 : i32
      %dma_start3A_379 = tpu.memref_slice %arg11[%run_scoped3A_157, %dma_start3A_377, %dma_start3A_378] : memref<2x64x256xf32, #tpu.memory_space<vmem>> -> memref<1x64x256xf32, #tpu.memory_space<vmem>>
      %dma_start3A_380 = tpu.memref_squeeze %dma_start3A_379 : memref<1x64x256xf32, #tpu.memory_space<vmem>> -> memref<64x256xf32, #tpu.memory_space<vmem>>
      tpu.enqueue_dma source(%dma_start3A_380 : memref<64x256xf32, #tpu.memory_space<vmem>>) target(%dma_start3A_376 : memref<64x256xf32, #tpu.memory_space<hbm>>) target_semaphore(%run_scoped3A_368 : memref<!tpu.dma_semaphore, #tpu.memory_space<semaphore_mem>>)
      %dma_wait3A_381 = arith.constant 0 : i32
      %dma_wait3A_382 = arith.constant 0 : i32
      %dma_wait3A_383 = tpu.memref_slice %arg11[%run_scoped3A_157, %dma_wait3A_381, %dma_wait3A_382] : memref<2x64x256xf32, #tpu.memory_space<vmem>> -> memref<1x64x256xf32, #tpu.memory_space<vmem>>
      %dma_wait3A_384 = tpu.memref_squeeze %dma_wait3A_383 : memref<1x64x256xf32, #tpu.memory_space<vmem>> -> memref<64x256xf32, #tpu.memory_space<vmem>>
      %dma_wait3A_385 = arith.constant 0 : i32
      %dma_wait3A_386 = tpu.memref_slice %arg7[%add3A_156, %dma_wait3A_385] : memref<16384x256xf32, #tpu.memory_space<hbm>> -> memref<64x256xf32, #tpu.memory_space<hbm>>
      %dma_wait3A_387 = arith.constant 0 : i32
      %dma_wait3A_388 = tpu.memref_slice %arg7[%add3A_156, %dma_wait3A_387] : memref<16384x256xf32, #tpu.memory_space<hbm>> -> memref<64x256xf32, #tpu.memory_space<hbm>>
      %dma_wait3A_389 = arith.constant 0 : i32
      %dma_wait3A_390 = arith.constant 0 : i32
      %dma_wait3A_391 = tpu.memref_slice %arg11[%run_scoped3A_157, %dma_wait3A_389, %dma_wait3A_390] : memref<2x64x256xf32, #tpu.memory_space<vmem>> -> memref<1x64x256xf32, #tpu.memory_space<vmem>>
      %dma_wait3A_392 = tpu.memref_squeeze %dma_wait3A_391 : memref<1x64x256xf32, #tpu.memory_space<vmem>> -> memref<64x256xf32, #tpu.memory_space<vmem>>
      tpu.wait_dma2 semaphore(%run_scoped3A_368 : memref<!tpu.dma_semaphore, #tpu.memory_space<semaphore_mem>>) src(%dma_wait3A_392 : memref<64x256xf32, #tpu.memory_space<vmem>>) dst(%dma_wait3A_388 : memref<64x256xf32, #tpu.memory_space<hbm>>)
      tpu.yield
    }) : () -> ()
    %dma_start3A_158 = arith.constant 0 : i32
    %dma_start3A_159 = arith.constant 0 : i32
    %dma_start3A_160 = arith.constant 0 : i32
    %dma_start3A_161 = tpu.memref_slice %arg10[%dma_start3A_158, %dma_start3A_159, %dma_start3A_160] : memref<2x64x256xf32, #tpu.memory_space<vmem>> -> memref<1x64x256xf32, #tpu.memory_space<vmem>>
    %dma_start3A_162 = tpu.memref_squeeze %dma_start3A_161 : memref<1x64x256xf32, #tpu.memory_space<vmem>> -> memref<64x256xf32, #tpu.memory_space<vmem>>
    %dma_start3A_163 = arith.constant 256 : i32
    %dma_start3A_164 = tpu.memref_slice %arg8[%dma_start3A_163] : memref<512xi32, #tpu.memory_space<vmem>> -> memref<64xi32, #tpu.memory_space<vmem>>
    %dma_start3A_165 = arith.constant 0 : i32
    %dma_start3A_166 = arith.constant 0 : i32
    %dma_start3A_167 = tpu.memref_slice %arg4[%dma_start3A_165, %dma_start3A_166] : memref<100000x256xf32, #tpu.memory_space<hbm>> -> memref<100000x256xf32, #tpu.memory_space<hbm>>
    tpu.enqueue_indirect_dma source(%dma_start3A_167 : memref<100000x256xf32, #tpu.memory_space<hbm>>) target(%dma_start3A_162 : memref<64x256xf32, #tpu.memory_space<vmem>>) offsets(%dma_start3A_164 : memref<64xi32, #tpu.memory_space<vmem>>) semaphore(%arg12 : memref<!tpu.dma_semaphore, #tpu.memory_space<semaphore_mem>>)
    %dma_start3A_168 = arith.constant 0 : i32
    %dma_start3A_169 = arith.constant 0 : i32
    %dma_start3A_170 = arith.constant 0 : i32
    %dma_start3A_171 = tpu.memref_slice %arg11[%dma_start3A_168, %dma_start3A_169, %dma_start3A_170] : memref<2x64x256xf32, #tpu.memory_space<vmem>> -> memref<1x64x256xf32, #tpu.memory_space<vmem>>
    %dma_start3A_172 = tpu.memref_squeeze %dma_start3A_171 : memref<1x64x256xf32, #tpu.memory_space<vmem>> -> memref<64x256xf32, #tpu.memory_space<vmem>>
    %dma_start3A_173 = arith.constant 256 : i32
    %dma_start3A_174 = tpu.memref_slice %arg9[%dma_start3A_173] : memref<512xi32, #tpu.memory_space<vmem>> -> memref<64xi32, #tpu.memory_space<vmem>>
    %dma_start3A_175 = arith.constant 0 : i32
    %dma_start3A_176 = arith.constant 0 : i32
    %dma_start3A_177 = tpu.memref_slice %arg5[%dma_start3A_175, %dma_start3A_176] : memref<100000x256xf32, #tpu.memory_space<hbm>> -> memref<100000x256xf32, #tpu.memory_space<hbm>>
    tpu.enqueue_indirect_dma source(%dma_start3A_177 : memref<100000x256xf32, #tpu.memory_space<hbm>>) target(%dma_start3A_172 : memref<64x256xf32, #tpu.memory_space<vmem>>) offsets(%dma_start3A_174 : memref<64xi32, #tpu.memory_space<vmem>>) semaphore(%arg14 : memref<!tpu.dma_semaphore, #tpu.memory_space<semaphore_mem>>)
    %dma_wait3A_178 = arith.constant 1 : i32
    %dma_wait3A_179 = arith.constant 0 : i32
    %dma_wait3A_180 = arith.constant 0 : i32
    %dma_wait3A_181 = tpu.memref_slice %arg10[%dma_wait3A_178, %dma_wait3A_179, %dma_wait3A_180] : memref<2x64x256xf32, #tpu.memory_space<vmem>> -> memref<1x64x256xf32, #tpu.memory_space<vmem>>
    %dma_wait3A_182 = tpu.memref_squeeze %dma_wait3A_181 : memref<1x64x256xf32, #tpu.memory_space<vmem>> -> memref<64x256xf32, #tpu.memory_space<vmem>>
    %dma_wait3A_183 = arith.constant 192 : i32
    %dma_wait3A_184 = tpu.memref_slice %arg8[%dma_wait3A_183] : memref<512xi32, #tpu.memory_space<vmem>> -> memref<64xi32, #tpu.memory_space<vmem>>
    %dma_wait3A_185 = arith.constant 0 : i32
    %dma_wait3A_186 = arith.constant 0 : i32
    %dma_wait3A_187 = tpu.memref_slice %arg4[%dma_wait3A_185, %dma_wait3A_186] : memref<100000x256xf32, #tpu.memory_space<hbm>> -> memref<100000x256xf32, #tpu.memory_space<hbm>>
    tpu.wait_indirect_dma semaphore(%arg13 : memref<!tpu.dma_semaphore, #tpu.memory_space<semaphore_mem>>) src(%dma_wait3A_187 : memref<100000x256xf32, #tpu.memory_space<hbm>>) dst(%dma_wait3A_182 : memref<64x256xf32, #tpu.memory_space<vmem>>)
    %dma_wait3A_188 = arith.constant 1 : i32
    %dma_wait3A_189 = arith.constant 0 : i32
    %dma_wait3A_190 = arith.constant 0 : i32
    %dma_wait3A_191 = tpu.memref_slice %arg11[%dma_wait3A_188, %dma_wait3A_189, %dma_wait3A_190] : memref<2x64x256xf32, #tpu.memory_space<vmem>> -> memref<1x64x256xf32, #tpu.memory_space<vmem>>
    %dma_wait3A_192 = tpu.memref_squeeze %dma_wait3A_191 : memref<1x64x256xf32, #tpu.memory_space<vmem>> -> memref<64x256xf32, #tpu.memory_space<vmem>>
    %dma_wait3A_193 = arith.constant 192 : i32
    %dma_wait3A_194 = tpu.memref_slice %arg9[%dma_wait3A_193] : memref<512xi32, #tpu.memory_space<vmem>> -> memref<64xi32, #tpu.memory_space<vmem>>
    %dma_wait3A_195 = arith.constant 0 : i32
    %dma_wait3A_196 = arith.constant 0 : i32
    %dma_wait3A_197 = tpu.memref_slice %arg5[%dma_wait3A_195, %dma_wait3A_196] : memref<100000x256xf32, #tpu.memory_space<hbm>> -> memref<100000x256xf32, #tpu.memory_space<hbm>>
    tpu.wait_indirect_dma semaphore(%arg15 : memref<!tpu.dma_semaphore, #tpu.memory_space<semaphore_mem>>) src(%dma_wait3A_197 : memref<100000x256xf32, #tpu.memory_space<hbm>>) dst(%dma_wait3A_192 : memref<64x256xf32, #tpu.memory_space<vmem>>)
    %add3A_198 = arith.constant 192 : i32
    %add3A_199 = arith.addi %mul3A_2, %add3A_198 : i32
    %run_scoped3A_200 = arith.constant 1 : i32
    "tpu.region"() ({
      %run_scoped3A_368 = tpu.sem_alloc : memref<!tpu.dma_semaphore, #tpu.memory_space<semaphore_mem>>
      %dma_start3A_369 = arith.constant 0 : i32
      %dma_start3A_370 = arith.constant 0 : i32
      %dma_start3A_371 = tpu.memref_slice %arg10[%run_scoped3A_200, %dma_start3A_369, %dma_start3A_370] : memref<2x64x256xf32, #tpu.memory_space<vmem>> -> memref<1x64x256xf32, #tpu.memory_space<vmem>>
      %dma_start3A_372 = tpu.memref_squeeze %dma_start3A_371 : memref<1x64x256xf32, #tpu.memory_space<vmem>> -> memref<64x256xf32, #tpu.memory_space<vmem>>
      %dma_start3A_373 = arith.constant 0 : i32
      %dma_start3A_374 = tpu.memref_slice %arg6[%add3A_199, %dma_start3A_373] : memref<16384x256xf32, #tpu.memory_space<hbm>> -> memref<64x256xf32, #tpu.memory_space<hbm>>
      %dma_start3A_375 = arith.constant 0 : i32
      %dma_start3A_376 = tpu.memref_slice %arg6[%add3A_199, %dma_start3A_375] : memref<16384x256xf32, #tpu.memory_space<hbm>> -> memref<64x256xf32, #tpu.memory_space<hbm>>
      %dma_start3A_377 = arith.constant 0 : i32
      %dma_start3A_378 = arith.constant 0 : i32
      %dma_start3A_379 = tpu.memref_slice %arg10[%run_scoped3A_200, %dma_start3A_377, %dma_start3A_378] : memref<2x64x256xf32, #tpu.memory_space<vmem>> -> memref<1x64x256xf32, #tpu.memory_space<vmem>>
      %dma_start3A_380 = tpu.memref_squeeze %dma_start3A_379 : memref<1x64x256xf32, #tpu.memory_space<vmem>> -> memref<64x256xf32, #tpu.memory_space<vmem>>
      tpu.enqueue_dma source(%dma_start3A_380 : memref<64x256xf32, #tpu.memory_space<vmem>>) target(%dma_start3A_376 : memref<64x256xf32, #tpu.memory_space<hbm>>) target_semaphore(%run_scoped3A_368 : memref<!tpu.dma_semaphore, #tpu.memory_space<semaphore_mem>>)
      %dma_wait3A_381 = arith.constant 0 : i32
      %dma_wait3A_382 = arith.constant 0 : i32
      %dma_wait3A_383 = tpu.memref_slice %arg10[%run_scoped3A_200, %dma_wait3A_381, %dma_wait3A_382] : memref<2x64x256xf32, #tpu.memory_space<vmem>> -> memref<1x64x256xf32, #tpu.memory_space<vmem>>
      %dma_wait3A_384 = tpu.memref_squeeze %dma_wait3A_383 : memref<1x64x256xf32, #tpu.memory_space<vmem>> -> memref<64x256xf32, #tpu.memory_space<vmem>>
      %dma_wait3A_385 = arith.constant 0 : i32
      %dma_wait3A_386 = tpu.memref_slice %arg6[%add3A_199, %dma_wait3A_385] : memref<16384x256xf32, #tpu.memory_space<hbm>> -> memref<64x256xf32, #tpu.memory_space<hbm>>
      %dma_wait3A_387 = arith.constant 0 : i32
      %dma_wait3A_388 = tpu.memref_slice %arg6[%add3A_199, %dma_wait3A_387] : memref<16384x256xf32, #tpu.memory_space<hbm>> -> memref<64x256xf32, #tpu.memory_space<hbm>>
      %dma_wait3A_389 = arith.constant 0 : i32
      %dma_wait3A_390 = arith.constant 0 : i32
      %dma_wait3A_391 = tpu.memref_slice %arg10[%run_scoped3A_200, %dma_wait3A_389, %dma_wait3A_390] : memref<2x64x256xf32, #tpu.memory_space<vmem>> -> memref<1x64x256xf32, #tpu.memory_space<vmem>>
      %dma_wait3A_392 = tpu.memref_squeeze %dma_wait3A_391 : memref<1x64x256xf32, #tpu.memory_space<vmem>> -> memref<64x256xf32, #tpu.memory_space<vmem>>
      tpu.wait_dma2 semaphore(%run_scoped3A_368 : memref<!tpu.dma_semaphore, #tpu.memory_space<semaphore_mem>>) src(%dma_wait3A_392 : memref<64x256xf32, #tpu.memory_space<vmem>>) dst(%dma_wait3A_388 : memref<64x256xf32, #tpu.memory_space<hbm>>)
      tpu.yield
    }) : () -> ()
    %add3A_201 = arith.constant 192 : i32
    %add3A_202 = arith.addi %mul3A_2, %add3A_201 : i32
    %run_scoped3A_203 = arith.constant 1 : i32
    "tpu.region"() ({
      %run_scoped3A_368 = tpu.sem_alloc : memref<!tpu.dma_semaphore, #tpu.memory_space<semaphore_mem>>
      %dma_start3A_369 = arith.constant 0 : i32
      %dma_start3A_370 = arith.constant 0 : i32
      %dma_start3A_371 = tpu.memref_slice %arg11[%run_scoped3A_203, %dma_start3A_369, %dma_start3A_370] : memref<2x64x256xf32, #tpu.memory_space<vmem>> -> memref<1x64x256xf32, #tpu.memory_space<vmem>>
      %dma_start3A_372 = tpu.memref_squeeze %dma_start3A_371 : memref<1x64x256xf32, #tpu.memory_space<vmem>> -> memref<64x256xf32, #tpu.memory_space<vmem>>
      %dma_start3A_373 = arith.constant 0 : i32
      %dma_start3A_374 = tpu.memref_slice %arg7[%add3A_202, %dma_start3A_373] : memref<16384x256xf32, #tpu.memory_space<hbm>> -> memref<64x256xf32, #tpu.memory_space<hbm>>
      %dma_start3A_375 = arith.constant 0 : i32
      %dma_start3A_376 = tpu.memref_slice %arg7[%add3A_202, %dma_start3A_375] : memref<16384x256xf32, #tpu.memory_space<hbm>> -> memref<64x256xf32, #tpu.memory_space<hbm>>
      %dma_start3A_377 = arith.constant 0 : i32
      %dma_start3A_378 = arith.constant 0 : i32
      %dma_start3A_379 = tpu.memref_slice %arg11[%run_scoped3A_203, %dma_start3A_377, %dma_start3A_378] : memref<2x64x256xf32, #tpu.memory_space<vmem>> -> memref<1x64x256xf32, #tpu.memory_space<vmem>>
      %dma_start3A_380 = tpu.memref_squeeze %dma_start3A_379 : memref<1x64x256xf32, #tpu.memory_space<vmem>> -> memref<64x256xf32, #tpu.memory_space<vmem>>
      tpu.enqueue_dma source(%dma_start3A_380 : memref<64x256xf32, #tpu.memory_space<vmem>>) target(%dma_start3A_376 : memref<64x256xf32, #tpu.memory_space<hbm>>) target_semaphore(%run_scoped3A_368 : memref<!tpu.dma_semaphore, #tpu.memory_space<semaphore_mem>>)
      %dma_wait3A_381 = arith.constant 0 : i32
      %dma_wait3A_382 = arith.constant 0 : i32
      %dma_wait3A_383 = tpu.memref_slice %arg11[%run_scoped3A_203, %dma_wait3A_381, %dma_wait3A_382] : memref<2x64x256xf32, #tpu.memory_space<vmem>> -> memref<1x64x256xf32, #tpu.memory_space<vmem>>
      %dma_wait3A_384 = tpu.memref_squeeze %dma_wait3A_383 : memref<1x64x256xf32, #tpu.memory_space<vmem>> -> memref<64x256xf32, #tpu.memory_space<vmem>>
      %dma_wait3A_385 = arith.constant 0 : i32
      %dma_wait3A_386 = tpu.memref_slice %arg7[%add3A_202, %dma_wait3A_385] : memref<16384x256xf32, #tpu.memory_space<hbm>> -> memref<64x256xf32, #tpu.memory_space<hbm>>
      %dma_wait3A_387 = arith.constant 0 : i32
      %dma_wait3A_388 = tpu.memref_slice %arg7[%add3A_202, %dma_wait3A_387] : memref<16384x256xf32, #tpu.memory_space<hbm>> -> memref<64x256xf32, #tpu.memory_space<hbm>>
      %dma_wait3A_389 = arith.constant 0 : i32
      %dma_wait3A_390 = arith.constant 0 : i32
      %dma_wait3A_391 = tpu.memref_slice %arg11[%run_scoped3A_203, %dma_wait3A_389, %dma_wait3A_390] : memref<2x64x256xf32, #tpu.memory_space<vmem>> -> memref<1x64x256xf32, #tpu.memory_space<vmem>>
      %dma_wait3A_392 = tpu.memref_squeeze %dma_wait3A_391 : memref<1x64x256xf32, #tpu.memory_space<vmem>> -> memref<64x256xf32, #tpu.memory_space<vmem>>
      tpu.wait_dma2 semaphore(%run_scoped3A_368 : memref<!tpu.dma_semaphore, #tpu.memory_space<semaphore_mem>>) src(%dma_wait3A_392 : memref<64x256xf32, #tpu.memory_space<vmem>>) dst(%dma_wait3A_388 : memref<64x256xf32, #tpu.memory_space<hbm>>)
      tpu.yield
    }) : () -> ()
    %dma_start3A_204 = arith.constant 1 : i32
    %dma_start3A_205 = arith.constant 0 : i32
    %dma_start3A_206 = arith.constant 0 : i32
    %dma_start3A_207 = tpu.memref_slice %arg10[%dma_start3A_204, %dma_start3A_205, %dma_start3A_206] : memref<2x64x256xf32, #tpu.memory_space<vmem>> -> memref<1x64x256xf32, #tpu.memory_space<vmem>>
    %dma_start3A_208 = tpu.memref_squeeze %dma_start3A_207 : memref<1x64x256xf32, #tpu.memory_space<vmem>> -> memref<64x256xf32, #tpu.memory_space<vmem>>
    %dma_start3A_209 = arith.constant 320 : i32
    %dma_start3A_210 = tpu.memref_slice %arg8[%dma_start3A_209] : memref<512xi32, #tpu.memory_space<vmem>> -> memref<64xi32, #tpu.memory_space<vmem>>
    %dma_start3A_211 = arith.constant 0 : i32
    %dma_start3A_212 = arith.constant 0 : i32
    %dma_start3A_213 = tpu.memref_slice %arg4[%dma_start3A_211, %dma_start3A_212] : memref<100000x256xf32, #tpu.memory_space<hbm>> -> memref<100000x256xf32, #tpu.memory_space<hbm>>
    tpu.enqueue_indirect_dma source(%dma_start3A_213 : memref<100000x256xf32, #tpu.memory_space<hbm>>) target(%dma_start3A_208 : memref<64x256xf32, #tpu.memory_space<vmem>>) offsets(%dma_start3A_210 : memref<64xi32, #tpu.memory_space<vmem>>) semaphore(%arg13 : memref<!tpu.dma_semaphore, #tpu.memory_space<semaphore_mem>>)
    %dma_start3A_214 = arith.constant 1 : i32
    %dma_start3A_215 = arith.constant 0 : i32
    %dma_start3A_216 = arith.constant 0 : i32
    %dma_start3A_217 = tpu.memref_slice %arg11[%dma_start3A_214, %dma_start3A_215, %dma_start3A_216] : memref<2x64x256xf32, #tpu.memory_space<vmem>> -> memref<1x64x256xf32, #tpu.memory_space<vmem>>
    %dma_start3A_218 = tpu.memref_squeeze %dma_start3A_217 : memref<1x64x256xf32, #tpu.memory_space<vmem>> -> memref<64x256xf32, #tpu.memory_space<vmem>>
    %dma_start3A_219 = arith.constant 320 : i32
    %dma_start3A_220 = tpu.memref_slice %arg9[%dma_start3A_219] : memref<512xi32, #tpu.memory_space<vmem>> -> memref<64xi32, #tpu.memory_space<vmem>>
    %dma_start3A_221 = arith.constant 0 : i32
    %dma_start3A_222 = arith.constant 0 : i32
    %dma_start3A_223 = tpu.memref_slice %arg5[%dma_start3A_221, %dma_start3A_222] : memref<100000x256xf32, #tpu.memory_space<hbm>> -> memref<100000x256xf32, #tpu.memory_space<hbm>>
    tpu.enqueue_indirect_dma source(%dma_start3A_223 : memref<100000x256xf32, #tpu.memory_space<hbm>>) target(%dma_start3A_218 : memref<64x256xf32, #tpu.memory_space<vmem>>) offsets(%dma_start3A_220 : memref<64xi32, #tpu.memory_space<vmem>>) semaphore(%arg15 : memref<!tpu.dma_semaphore, #tpu.memory_space<semaphore_mem>>)
    %dma_wait3A_224 = arith.constant 0 : i32
    %dma_wait3A_225 = arith.constant 0 : i32
    %dma_wait3A_226 = arith.constant 0 : i32
    %dma_wait3A_227 = tpu.memref_slice %arg10[%dma_wait3A_224, %dma_wait3A_225, %dma_wait3A_226] : memref<2x64x256xf32, #tpu.memory_space<vmem>> -> memref<1x64x256xf32, #tpu.memory_space<vmem>>
    %dma_wait3A_228 = tpu.memref_squeeze %dma_wait3A_227 : memref<1x64x256xf32, #tpu.memory_space<vmem>> -> memref<64x256xf32, #tpu.memory_space<vmem>>
    %dma_wait3A_229 = arith.constant 256 : i32
    %dma_wait3A_230 = tpu.memref_slice %arg8[%dma_wait3A_229] : memref<512xi32, #tpu.memory_space<vmem>> -> memref<64xi32, #tpu.memory_space<vmem>>
    %dma_wait3A_231 = arith.constant 0 : i32
    %dma_wait3A_232 = arith.constant 0 : i32
    %dma_wait3A_233 = tpu.memref_slice %arg4[%dma_wait3A_231, %dma_wait3A_232] : memref<100000x256xf32, #tpu.memory_space<hbm>> -> memref<100000x256xf32, #tpu.memory_space<hbm>>
    tpu.wait_indirect_dma semaphore(%arg12 : memref<!tpu.dma_semaphore, #tpu.memory_space<semaphore_mem>>) src(%dma_wait3A_233 : memref<100000x256xf32, #tpu.memory_space<hbm>>) dst(%dma_wait3A_228 : memref<64x256xf32, #tpu.memory_space<vmem>>)
    %dma_wait3A_234 = arith.constant 0 : i32
    %dma_wait3A_235 = arith.constant 0 : i32
    %dma_wait3A_236 = arith.constant 0 : i32
    %dma_wait3A_237 = tpu.memref_slice %arg11[%dma_wait3A_234, %dma_wait3A_235, %dma_wait3A_236] : memref<2x64x256xf32, #tpu.memory_space<vmem>> -> memref<1x64x256xf32, #tpu.memory_space<vmem>>
    %dma_wait3A_238 = tpu.memref_squeeze %dma_wait3A_237 : memref<1x64x256xf32, #tpu.memory_space<vmem>> -> memref<64x256xf32, #tpu.memory_space<vmem>>
    %dma_wait3A_239 = arith.constant 256 : i32
    %dma_wait3A_240 = tpu.memref_slice %arg9[%dma_wait3A_239] : memref<512xi32, #tpu.memory_space<vmem>> -> memref<64xi32, #tpu.memory_space<vmem>>
    %dma_wait3A_241 = arith.constant 0 : i32
    %dma_wait3A_242 = arith.constant 0 : i32
    %dma_wait3A_243 = tpu.memref_slice %arg5[%dma_wait3A_241, %dma_wait3A_242] : memref<100000x256xf32, #tpu.memory_space<hbm>> -> memref<100000x256xf32, #tpu.memory_space<hbm>>
    tpu.wait_indirect_dma semaphore(%arg14 : memref<!tpu.dma_semaphore, #tpu.memory_space<semaphore_mem>>) src(%dma_wait3A_243 : memref<100000x256xf32, #tpu.memory_space<hbm>>) dst(%dma_wait3A_238 : memref<64x256xf32, #tpu.memory_space<vmem>>)
    %add3A_244 = arith.constant 256 : i32
    %add3A_245 = arith.addi %mul3A_2, %add3A_244 : i32
    %run_scoped3A_246 = arith.constant 0 : i32
    "tpu.region"() ({
      %run_scoped3A_368 = tpu.sem_alloc : memref<!tpu.dma_semaphore, #tpu.memory_space<semaphore_mem>>
      %dma_start3A_369 = arith.constant 0 : i32
      %dma_start3A_370 = arith.constant 0 : i32
      %dma_start3A_371 = tpu.memref_slice %arg10[%run_scoped3A_246, %dma_start3A_369, %dma_start3A_370] : memref<2x64x256xf32, #tpu.memory_space<vmem>> -> memref<1x64x256xf32, #tpu.memory_space<vmem>>
      %dma_start3A_372 = tpu.memref_squeeze %dma_start3A_371 : memref<1x64x256xf32, #tpu.memory_space<vmem>> -> memref<64x256xf32, #tpu.memory_space<vmem>>
      %dma_start3A_373 = arith.constant 0 : i32
      %dma_start3A_374 = tpu.memref_slice %arg6[%add3A_245, %dma_start3A_373] : memref<16384x256xf32, #tpu.memory_space<hbm>> -> memref<64x256xf32, #tpu.memory_space<hbm>>
      %dma_start3A_375 = arith.constant 0 : i32
      %dma_start3A_376 = tpu.memref_slice %arg6[%add3A_245, %dma_start3A_375] : memref<16384x256xf32, #tpu.memory_space<hbm>> -> memref<64x256xf32, #tpu.memory_space<hbm>>
      %dma_start3A_377 = arith.constant 0 : i32
      %dma_start3A_378 = arith.constant 0 : i32
      %dma_start3A_379 = tpu.memref_slice %arg10[%run_scoped3A_246, %dma_start3A_377, %dma_start3A_378] : memref<2x64x256xf32, #tpu.memory_space<vmem>> -> memref<1x64x256xf32, #tpu.memory_space<vmem>>
      %dma_start3A_380 = tpu.memref_squeeze %dma_start3A_379 : memref<1x64x256xf32, #tpu.memory_space<vmem>> -> memref<64x256xf32, #tpu.memory_space<vmem>>
      tpu.enqueue_dma source(%dma_start3A_380 : memref<64x256xf32, #tpu.memory_space<vmem>>) target(%dma_start3A_376 : memref<64x256xf32, #tpu.memory_space<hbm>>) target_semaphore(%run_scoped3A_368 : memref<!tpu.dma_semaphore, #tpu.memory_space<semaphore_mem>>)
      %dma_wait3A_381 = arith.constant 0 : i32
      %dma_wait3A_382 = arith.constant 0 : i32
      %dma_wait3A_383 = tpu.memref_slice %arg10[%run_scoped3A_246, %dma_wait3A_381, %dma_wait3A_382] : memref<2x64x256xf32, #tpu.memory_space<vmem>> -> memref<1x64x256xf32, #tpu.memory_space<vmem>>
      %dma_wait3A_384 = tpu.memref_squeeze %dma_wait3A_383 : memref<1x64x256xf32, #tpu.memory_space<vmem>> -> memref<64x256xf32, #tpu.memory_space<vmem>>
      %dma_wait3A_385 = arith.constant 0 : i32
      %dma_wait3A_386 = tpu.memref_slice %arg6[%add3A_245, %dma_wait3A_385] : memref<16384x256xf32, #tpu.memory_space<hbm>> -> memref<64x256xf32, #tpu.memory_space<hbm>>
      %dma_wait3A_387 = arith.constant 0 : i32
      %dma_wait3A_388 = tpu.memref_slice %arg6[%add3A_245, %dma_wait3A_387] : memref<16384x256xf32, #tpu.memory_space<hbm>> -> memref<64x256xf32, #tpu.memory_space<hbm>>
      %dma_wait3A_389 = arith.constant 0 : i32
      %dma_wait3A_390 = arith.constant 0 : i32
      %dma_wait3A_391 = tpu.memref_slice %arg10[%run_scoped3A_246, %dma_wait3A_389, %dma_wait3A_390] : memref<2x64x256xf32, #tpu.memory_space<vmem>> -> memref<1x64x256xf32, #tpu.memory_space<vmem>>
      %dma_wait3A_392 = tpu.memref_squeeze %dma_wait3A_391 : memref<1x64x256xf32, #tpu.memory_space<vmem>> -> memref<64x256xf32, #tpu.memory_space<vmem>>
      tpu.wait_dma2 semaphore(%run_scoped3A_368 : memref<!tpu.dma_semaphore, #tpu.memory_space<semaphore_mem>>) src(%dma_wait3A_392 : memref<64x256xf32, #tpu.memory_space<vmem>>) dst(%dma_wait3A_388 : memref<64x256xf32, #tpu.memory_space<hbm>>)
      tpu.yield
    }) : () -> ()
    %add3A_247 = arith.constant 256 : i32
    %add3A_248 = arith.addi %mul3A_2, %add3A_247 : i32
    %run_scoped3A_249 = arith.constant 0 : i32
    "tpu.region"() ({
      %run_scoped3A_368 = tpu.sem_alloc : memref<!tpu.dma_semaphore, #tpu.memory_space<semaphore_mem>>
      %dma_start3A_369 = arith.constant 0 : i32
      %dma_start3A_370 = arith.constant 0 : i32
      %dma_start3A_371 = tpu.memref_slice %arg11[%run_scoped3A_249, %dma_start3A_369, %dma_start3A_370] : memref<2x64x256xf32, #tpu.memory_space<vmem>> -> memref<1x64x256xf32, #tpu.memory_space<vmem>>
      %dma_start3A_372 = tpu.memref_squeeze %dma_start3A_371 : memref<1x64x256xf32, #tpu.memory_space<vmem>> -> memref<64x256xf32, #tpu.memory_space<vmem>>
      %dma_start3A_373 = arith.constant 0 : i32
      %dma_start3A_374 = tpu.memref_slice %arg7[%add3A_248, %dma_start3A_373] : memref<16384x256xf32, #tpu.memory_space<hbm>> -> memref<64x256xf32, #tpu.memory_space<hbm>>
      %dma_start3A_375 = arith.constant 0 : i32
      %dma_start3A_376 = tpu.memref_slice %arg7[%add3A_248, %dma_start3A_375] : memref<16384x256xf32, #tpu.memory_space<hbm>> -> memref<64x256xf32, #tpu.memory_space<hbm>>
      %dma_start3A_377 = arith.constant 0 : i32
      %dma_start3A_378 = arith.constant 0 : i32
      %dma_start3A_379 = tpu.memref_slice %arg11[%run_scoped3A_249, %dma_start3A_377, %dma_start3A_378] : memref<2x64x256xf32, #tpu.memory_space<vmem>> -> memref<1x64x256xf32, #tpu.memory_space<vmem>>
      %dma_start3A_380 = tpu.memref_squeeze %dma_start3A_379 : memref<1x64x256xf32, #tpu.memory_space<vmem>> -> memref<64x256xf32, #tpu.memory_space<vmem>>
      tpu.enqueue_dma source(%dma_start3A_380 : memref<64x256xf32, #tpu.memory_space<vmem>>) target(%dma_start3A_376 : memref<64x256xf32, #tpu.memory_space<hbm>>) target_semaphore(%run_scoped3A_368 : memref<!tpu.dma_semaphore, #tpu.memory_space<semaphore_mem>>)
      %dma_wait3A_381 = arith.constant 0 : i32
      %dma_wait3A_382 = arith.constant 0 : i32
      %dma_wait3A_383 = tpu.memref_slice %arg11[%run_scoped3A_249, %dma_wait3A_381, %dma_wait3A_382] : memref<2x64x256xf32, #tpu.memory_space<vmem>> -> memref<1x64x256xf32, #tpu.memory_space<vmem>>
      %dma_wait3A_384 = tpu.memref_squeeze %dma_wait3A_383 : memref<1x64x256xf32, #tpu.memory_space<vmem>> -> memref<64x256xf32, #tpu.memory_space<vmem>>
      %dma_wait3A_385 = arith.constant 0 : i32
      %dma_wait3A_386 = tpu.memref_slice %arg7[%add3A_248, %dma_wait3A_385] : memref<16384x256xf32, #tpu.memory_space<hbm>> -> memref<64x256xf32, #tpu.memory_space<hbm>>
      %dma_wait3A_387 = arith.constant 0 : i32
      %dma_wait3A_388 = tpu.memref_slice %arg7[%add3A_248, %dma_wait3A_387] : memref<16384x256xf32, #tpu.memory_space<hbm>> -> memref<64x256xf32, #tpu.memory_space<hbm>>
      %dma_wait3A_389 = arith.constant 0 : i32
      %dma_wait3A_390 = arith.constant 0 : i32
      %dma_wait3A_391 = tpu.memref_slice %arg11[%run_scoped3A_249, %dma_wait3A_389, %dma_wait3A_390] : memref<2x64x256xf32, #tpu.memory_space<vmem>> -> memref<1x64x256xf32, #tpu.memory_space<vmem>>
      %dma_wait3A_392 = tpu.memref_squeeze %dma_wait3A_391 : memref<1x64x256xf32, #tpu.memory_space<vmem>> -> memref<64x256xf32, #tpu.memory_space<vmem>>
      tpu.wait_dma2 semaphore(%run_scoped3A_368 : memref<!tpu.dma_semaphore, #tpu.memory_space<semaphore_mem>>) src(%dma_wait3A_392 : memref<64x256xf32, #tpu.memory_space<vmem>>) dst(%dma_wait3A_388 : memref<64x256xf32, #tpu.memory_space<hbm>>)
      tpu.yield
    }) : () -> ()
    %dma_start3A_250 = arith.constant 0 : i32
    %dma_start3A_251 = arith.constant 0 : i32
    %dma_start3A_252 = arith.constant 0 : i32
    %dma_start3A_253 = tpu.memref_slice %arg10[%dma_start3A_250, %dma_start3A_251, %dma_start3A_252] : memref<2x64x256xf32, #tpu.memory_space<vmem>> -> memref<1x64x256xf32, #tpu.memory_space<vmem>>
    %dma_start3A_254 = tpu.memref_squeeze %dma_start3A_253 : memref<1x64x256xf32, #tpu.memory_space<vmem>> -> memref<64x256xf32, #tpu.memory_space<vmem>>
    %dma_start3A_255 = arith.constant 384 : i32
    %dma_start3A_256 = tpu.memref_slice %arg8[%dma_start3A_255] : memref<512xi32, #tpu.memory_space<vmem>> -> memref<64xi32, #tpu.memory_space<vmem>>
    %dma_start3A_257 = arith.constant 0 : i32
    %dma_start3A_258 = arith.constant 0 : i32
    %dma_start3A_259 = tpu.memref_slice %arg4[%dma_start3A_257, %dma_start3A_258] : memref<100000x256xf32, #tpu.memory_space<hbm>> -> memref<100000x256xf32, #tpu.memory_space<hbm>>
    tpu.enqueue_indirect_dma source(%dma_start3A_259 : memref<100000x256xf32, #tpu.memory_space<hbm>>) target(%dma_start3A_254 : memref<64x256xf32, #tpu.memory_space<vmem>>) offsets(%dma_start3A_256 : memref<64xi32, #tpu.memory_space<vmem>>) semaphore(%arg12 : memref<!tpu.dma_semaphore, #tpu.memory_space<semaphore_mem>>)
    %dma_start3A_260 = arith.constant 0 : i32
    %dma_start3A_261 = arith.constant 0 : i32
    %dma_start3A_262 = arith.constant 0 : i32
    %dma_start3A_263 = tpu.memref_slice %arg11[%dma_start3A_260, %dma_start3A_261, %dma_start3A_262] : memref<2x64x256xf32, #tpu.memory_space<vmem>> -> memref<1x64x256xf32, #tpu.memory_space<vmem>>
    %dma_start3A_264 = tpu.memref_squeeze %dma_start3A_263 : memref<1x64x256xf32, #tpu.memory_space<vmem>> -> memref<64x256xf32, #tpu.memory_space<vmem>>
    %dma_start3A_265 = arith.constant 384 : i32
    %dma_start3A_266 = tpu.memref_slice %arg9[%dma_start3A_265] : memref<512xi32, #tpu.memory_space<vmem>> -> memref<64xi32, #tpu.memory_space<vmem>>
    %dma_start3A_267 = arith.constant 0 : i32
    %dma_start3A_268 = arith.constant 0 : i32
    %dma_start3A_269 = tpu.memref_slice %arg5[%dma_start3A_267, %dma_start3A_268] : memref<100000x256xf32, #tpu.memory_space<hbm>> -> memref<100000x256xf32, #tpu.memory_space<hbm>>
    tpu.enqueue_indirect_dma source(%dma_start3A_269 : memref<100000x256xf32, #tpu.memory_space<hbm>>) target(%dma_start3A_264 : memref<64x256xf32, #tpu.memory_space<vmem>>) offsets(%dma_start3A_266 : memref<64xi32, #tpu.memory_space<vmem>>) semaphore(%arg14 : memref<!tpu.dma_semaphore, #tpu.memory_space<semaphore_mem>>)
    %dma_wait3A_270 = arith.constant 1 : i32
    %dma_wait3A_271 = arith.constant 0 : i32
    %dma_wait3A_272 = arith.constant 0 : i32
    %dma_wait3A_273 = tpu.memref_slice %arg10[%dma_wait3A_270, %dma_wait3A_271, %dma_wait3A_272] : memref<2x64x256xf32, #tpu.memory_space<vmem>> -> memref<1x64x256xf32, #tpu.memory_space<vmem>>
    %dma_wait3A_274 = tpu.memref_squeeze %dma_wait3A_273 : memref<1x64x256xf32, #tpu.memory_space<vmem>> -> memref<64x256xf32, #tpu.memory_space<vmem>>
    %dma_wait3A_275 = arith.constant 320 : i32
    %dma_wait3A_276 = tpu.memref_slice %arg8[%dma_wait3A_275] : memref<512xi32, #tpu.memory_space<vmem>> -> memref<64xi32, #tpu.memory_space<vmem>>
    %dma_wait3A_277 = arith.constant 0 : i32
    %dma_wait3A_278 = arith.constant 0 : i32
    %dma_wait3A_279 = tpu.memref_slice %arg4[%dma_wait3A_277, %dma_wait3A_278] : memref<100000x256xf32, #tpu.memory_space<hbm>> -> memref<100000x256xf32, #tpu.memory_space<hbm>>
    tpu.wait_indirect_dma semaphore(%arg13 : memref<!tpu.dma_semaphore, #tpu.memory_space<semaphore_mem>>) src(%dma_wait3A_279 : memref<100000x256xf32, #tpu.memory_space<hbm>>) dst(%dma_wait3A_274 : memref<64x256xf32, #tpu.memory_space<vmem>>)
    %dma_wait3A_280 = arith.constant 1 : i32
    %dma_wait3A_281 = arith.constant 0 : i32
    %dma_wait3A_282 = arith.constant 0 : i32
    %dma_wait3A_283 = tpu.memref_slice %arg11[%dma_wait3A_280, %dma_wait3A_281, %dma_wait3A_282] : memref<2x64x256xf32, #tpu.memory_space<vmem>> -> memref<1x64x256xf32, #tpu.memory_space<vmem>>
    %dma_wait3A_284 = tpu.memref_squeeze %dma_wait3A_283 : memref<1x64x256xf32, #tpu.memory_space<vmem>> -> memref<64x256xf32, #tpu.memory_space<vmem>>
    %dma_wait3A_285 = arith.constant 320 : i32
    %dma_wait3A_286 = tpu.memref_slice %arg9[%dma_wait3A_285] : memref<512xi32, #tpu.memory_space<vmem>> -> memref<64xi32, #tpu.memory_space<vmem>>
    %dma_wait3A_287 = arith.constant 0 : i32
    %dma_wait3A_288 = arith.constant 0 : i32
    %dma_wait3A_289 = tpu.memref_slice %arg5[%dma_wait3A_287, %dma_wait3A_288] : memref<100000x256xf32, #tpu.memory_space<hbm>> -> memref<100000x256xf32, #tpu.memory_space<hbm>>
    tpu.wait_indirect_dma semaphore(%arg15 : memref<!tpu.dma_semaphore, #tpu.memory_space<semaphore_mem>>) src(%dma_wait3A_289 : memref<100000x256xf32, #tpu.memory_space<hbm>>) dst(%dma_wait3A_284 : memref<64x256xf32, #tpu.memory_space<vmem>>)
    %add3A_290 = arith.constant 320 : i32
    %add3A_291 = arith.addi %mul3A_2, %add3A_290 : i32
    %run_scoped3A_292 = arith.constant 1 : i32
    "tpu.region"() ({
      %run_scoped3A_368 = tpu.sem_alloc : memref<!tpu.dma_semaphore, #tpu.memory_space<semaphore_mem>>
      %dma_start3A_369 = arith.constant 0 : i32
      %dma_start3A_370 = arith.constant 0 : i32
      %dma_start3A_371 = tpu.memref_slice %arg10[%run_scoped3A_292, %dma_start3A_369, %dma_start3A_370] : memref<2x64x256xf32, #tpu.memory_space<vmem>> -> memref<1x64x256xf32, #tpu.memory_space<vmem>>
      %dma_start3A_372 = tpu.memref_squeeze %dma_start3A_371 : memref<1x64x256xf32, #tpu.memory_space<vmem>> -> memref<64x256xf32, #tpu.memory_space<vmem>>
      %dma_start3A_373 = arith.constant 0 : i32
      %dma_start3A_374 = tpu.memref_slice %arg6[%add3A_291, %dma_start3A_373] : memref<16384x256xf32, #tpu.memory_space<hbm>> -> memref<64x256xf32, #tpu.memory_space<hbm>>
      %dma_start3A_375 = arith.constant 0 : i32
      %dma_start3A_376 = tpu.memref_slice %arg6[%add3A_291, %dma_start3A_375] : memref<16384x256xf32, #tpu.memory_space<hbm>> -> memref<64x256xf32, #tpu.memory_space<hbm>>
      %dma_start3A_377 = arith.constant 0 : i32
      %dma_start3A_378 = arith.constant 0 : i32
      %dma_start3A_379 = tpu.memref_slice %arg10[%run_scoped3A_292, %dma_start3A_377, %dma_start3A_378] : memref<2x64x256xf32, #tpu.memory_space<vmem>> -> memref<1x64x256xf32, #tpu.memory_space<vmem>>
      %dma_start3A_380 = tpu.memref_squeeze %dma_start3A_379 : memref<1x64x256xf32, #tpu.memory_space<vmem>> -> memref<64x256xf32, #tpu.memory_space<vmem>>
      tpu.enqueue_dma source(%dma_start3A_380 : memref<64x256xf32, #tpu.memory_space<vmem>>) target(%dma_start3A_376 : memref<64x256xf32, #tpu.memory_space<hbm>>) target_semaphore(%run_scoped3A_368 : memref<!tpu.dma_semaphore, #tpu.memory_space<semaphore_mem>>)
      %dma_wait3A_381 = arith.constant 0 : i32
      %dma_wait3A_382 = arith.constant 0 : i32
      %dma_wait3A_383 = tpu.memref_slice %arg10[%run_scoped3A_292, %dma_wait3A_381, %dma_wait3A_382] : memref<2x64x256xf32, #tpu.memory_space<vmem>> -> memref<1x64x256xf32, #tpu.memory_space<vmem>>
      %dma_wait3A_384 = tpu.memref_squeeze %dma_wait3A_383 : memref<1x64x256xf32, #tpu.memory_space<vmem>> -> memref<64x256xf32, #tpu.memory_space<vmem>>
      %dma_wait3A_385 = arith.constant 0 : i32
      %dma_wait3A_386 = tpu.memref_slice %arg6[%add3A_291, %dma_wait3A_385] : memref<16384x256xf32, #tpu.memory_space<hbm>> -> memref<64x256xf32, #tpu.memory_space<hbm>>
      %dma_wait3A_387 = arith.constant 0 : i32
      %dma_wait3A_388 = tpu.memref_slice %arg6[%add3A_291, %dma_wait3A_387] : memref<16384x256xf32, #tpu.memory_space<hbm>> -> memref<64x256xf32, #tpu.memory_space<hbm>>
      %dma_wait3A_389 = arith.constant 0 : i32
      %dma_wait3A_390 = arith.constant 0 : i32
      %dma_wait3A_391 = tpu.memref_slice %arg10[%run_scoped3A_292, %dma_wait3A_389, %dma_wait3A_390] : memref<2x64x256xf32, #tpu.memory_space<vmem>> -> memref<1x64x256xf32, #tpu.memory_space<vmem>>
      %dma_wait3A_392 = tpu.memref_squeeze %dma_wait3A_391 : memref<1x64x256xf32, #tpu.memory_space<vmem>> -> memref<64x256xf32, #tpu.memory_space<vmem>>
      tpu.wait_dma2 semaphore(%run_scoped3A_368 : memref<!tpu.dma_semaphore, #tpu.memory_space<semaphore_mem>>) src(%dma_wait3A_392 : memref<64x256xf32, #tpu.memory_space<vmem>>) dst(%dma_wait3A_388 : memref<64x256xf32, #tpu.memory_space<hbm>>)
      tpu.yield
    }) : () -> ()
    %add3A_293 = arith.constant 320 : i32
    %add3A_294 = arith.addi %mul3A_2, %add3A_293 : i32
    %run_scoped3A_295 = arith.constant 1 : i32
    "tpu.region"() ({
      %run_scoped3A_368 = tpu.sem_alloc : memref<!tpu.dma_semaphore, #tpu.memory_space<semaphore_mem>>
      %dma_start3A_369 = arith.constant 0 : i32
      %dma_start3A_370 = arith.constant 0 : i32
      %dma_start3A_371 = tpu.memref_slice %arg11[%run_scoped3A_295, %dma_start3A_369, %dma_start3A_370] : memref<2x64x256xf32, #tpu.memory_space<vmem>> -> memref<1x64x256xf32, #tpu.memory_space<vmem>>
      %dma_start3A_372 = tpu.memref_squeeze %dma_start3A_371 : memref<1x64x256xf32, #tpu.memory_space<vmem>> -> memref<64x256xf32, #tpu.memory_space<vmem>>
      %dma_start3A_373 = arith.constant 0 : i32
      %dma_start3A_374 = tpu.memref_slice %arg7[%add3A_294, %dma_start3A_373] : memref<16384x256xf32, #tpu.memory_space<hbm>> -> memref<64x256xf32, #tpu.memory_space<hbm>>
      %dma_start3A_375 = arith.constant 0 : i32
      %dma_start3A_376 = tpu.memref_slice %arg7[%add3A_294, %dma_start3A_375] : memref<16384x256xf32, #tpu.memory_space<hbm>> -> memref<64x256xf32, #tpu.memory_space<hbm>>
      %dma_start3A_377 = arith.constant 0 : i32
      %dma_start3A_378 = arith.constant 0 : i32
      %dma_start3A_379 = tpu.memref_slice %arg11[%run_scoped3A_295, %dma_start3A_377, %dma_start3A_378] : memref<2x64x256xf32, #tpu.memory_space<vmem>> -> memref<1x64x256xf32, #tpu.memory_space<vmem>>
      %dma_start3A_380 = tpu.memref_squeeze %dma_start3A_379 : memref<1x64x256xf32, #tpu.memory_space<vmem>> -> memref<64x256xf32, #tpu.memory_space<vmem>>
      tpu.enqueue_dma source(%dma_start3A_380 : memref<64x256xf32, #tpu.memory_space<vmem>>) target(%dma_start3A_376 : memref<64x256xf32, #tpu.memory_space<hbm>>) target_semaphore(%run_scoped3A_368 : memref<!tpu.dma_semaphore, #tpu.memory_space<semaphore_mem>>)
      %dma_wait3A_381 = arith.constant 0 : i32
      %dma_wait3A_382 = arith.constant 0 : i32
      %dma_wait3A_383 = tpu.memref_slice %arg11[%run_scoped3A_295, %dma_wait3A_381, %dma_wait3A_382] : memref<2x64x256xf32, #tpu.memory_space<vmem>> -> memref<1x64x256xf32, #tpu.memory_space<vmem>>
      %dma_wait3A_384 = tpu.memref_squeeze %dma_wait3A_383 : memref<1x64x256xf32, #tpu.memory_space<vmem>> -> memref<64x256xf32, #tpu.memory_space<vmem>>
      %dma_wait3A_385 = arith.constant 0 : i32
      %dma_wait3A_386 = tpu.memref_slice %arg7[%add3A_294, %dma_wait3A_385] : memref<16384x256xf32, #tpu.memory_space<hbm>> -> memref<64x256xf32, #tpu.memory_space<hbm>>
      %dma_wait3A_387 = arith.constant 0 : i32
      %dma_wait3A_388 = tpu.memref_slice %arg7[%add3A_294, %dma_wait3A_387] : memref<16384x256xf32, #tpu.memory_space<hbm>> -> memref<64x256xf32, #tpu.memory_space<hbm>>
      %dma_wait3A_389 = arith.constant 0 : i32
      %dma_wait3A_390 = arith.constant 0 : i32
      %dma_wait3A_391 = tpu.memref_slice %arg11[%run_scoped3A_295, %dma_wait3A_389, %dma_wait3A_390] : memref<2x64x256xf32, #tpu.memory_space<vmem>> -> memref<1x64x256xf32, #tpu.memory_space<vmem>>
      %dma_wait3A_392 = tpu.memref_squeeze %dma_wait3A_391 : memref<1x64x256xf32, #tpu.memory_space<vmem>> -> memref<64x256xf32, #tpu.memory_space<vmem>>
      tpu.wait_dma2 semaphore(%run_scoped3A_368 : memref<!tpu.dma_semaphore, #tpu.memory_space<semaphore_mem>>) src(%dma_wait3A_392 : memref<64x256xf32, #tpu.memory_space<vmem>>) dst(%dma_wait3A_388 : memref<64x256xf32, #tpu.memory_space<hbm>>)
      tpu.yield
    }) : () -> ()
    %dma_start3A_296 = arith.constant 1 : i32
    %dma_start3A_297 = arith.constant 0 : i32
    %dma_start3A_298 = arith.constant 0 : i32
    %dma_start3A_299 = tpu.memref_slice %arg10[%dma_start3A_296, %dma_start3A_297, %dma_start3A_298] : memref<2x64x256xf32, #tpu.memory_space<vmem>> -> memref<1x64x256xf32, #tpu.memory_space<vmem>>
    %dma_start3A_300 = tpu.memref_squeeze %dma_start3A_299 : memref<1x64x256xf32, #tpu.memory_space<vmem>> -> memref<64x256xf32, #tpu.memory_space<vmem>>
    %dma_start3A_301 = arith.constant 448 : i32
    %dma_start3A_302 = tpu.memref_slice %arg8[%dma_start3A_301] : memref<512xi32, #tpu.memory_space<vmem>> -> memref<64xi32, #tpu.memory_space<vmem>>
    %dma_start3A_303 = arith.constant 0 : i32
    %dma_start3A_304 = arith.constant 0 : i32
    %dma_start3A_305 = tpu.memref_slice %arg4[%dma_start3A_303, %dma_start3A_304] : memref<100000x256xf32, #tpu.memory_space<hbm>> -> memref<100000x256xf32, #tpu.memory_space<hbm>>
    tpu.enqueue_indirect_dma source(%dma_start3A_305 : memref<100000x256xf32, #tpu.memory_space<hbm>>) target(%dma_start3A_300 : memref<64x256xf32, #tpu.memory_space<vmem>>) offsets(%dma_start3A_302 : memref<64xi32, #tpu.memory_space<vmem>>) semaphore(%arg13 : memref<!tpu.dma_semaphore, #tpu.memory_space<semaphore_mem>>)
    %dma_start3A_306 = arith.constant 1 : i32
    %dma_start3A_307 = arith.constant 0 : i32
    %dma_start3A_308 = arith.constant 0 : i32
    %dma_start3A_309 = tpu.memref_slice %arg11[%dma_start3A_306, %dma_start3A_307, %dma_start3A_308] : memref<2x64x256xf32, #tpu.memory_space<vmem>> -> memref<1x64x256xf32, #tpu.memory_space<vmem>>
    %dma_start3A_310 = tpu.memref_squeeze %dma_start3A_309 : memref<1x64x256xf32, #tpu.memory_space<vmem>> -> memref<64x256xf32, #tpu.memory_space<vmem>>
    %dma_start3A_311 = arith.constant 448 : i32
    %dma_start3A_312 = tpu.memref_slice %arg9[%dma_start3A_311] : memref<512xi32, #tpu.memory_space<vmem>> -> memref<64xi32, #tpu.memory_space<vmem>>
    %dma_start3A_313 = arith.constant 0 : i32
    %dma_start3A_314 = arith.constant 0 : i32
    %dma_start3A_315 = tpu.memref_slice %arg5[%dma_start3A_313, %dma_start3A_314] : memref<100000x256xf32, #tpu.memory_space<hbm>> -> memref<100000x256xf32, #tpu.memory_space<hbm>>
    tpu.enqueue_indirect_dma source(%dma_start3A_315 : memref<100000x256xf32, #tpu.memory_space<hbm>>) target(%dma_start3A_310 : memref<64x256xf32, #tpu.memory_space<vmem>>) offsets(%dma_start3A_312 : memref<64xi32, #tpu.memory_space<vmem>>) semaphore(%arg15 : memref<!tpu.dma_semaphore, #tpu.memory_space<semaphore_mem>>)
    %dma_wait3A_316 = arith.constant 0 : i32
    %dma_wait3A_317 = arith.constant 0 : i32
    %dma_wait3A_318 = arith.constant 0 : i32
    %dma_wait3A_319 = tpu.memref_slice %arg10[%dma_wait3A_316, %dma_wait3A_317, %dma_wait3A_318] : memref<2x64x256xf32, #tpu.memory_space<vmem>> -> memref<1x64x256xf32, #tpu.memory_space<vmem>>
    %dma_wait3A_320 = tpu.memref_squeeze %dma_wait3A_319 : memref<1x64x256xf32, #tpu.memory_space<vmem>> -> memref<64x256xf32, #tpu.memory_space<vmem>>
    %dma_wait3A_321 = arith.constant 384 : i32
    %dma_wait3A_322 = tpu.memref_slice %arg8[%dma_wait3A_321] : memref<512xi32, #tpu.memory_space<vmem>> -> memref<64xi32, #tpu.memory_space<vmem>>
    %dma_wait3A_323 = arith.constant 0 : i32
    %dma_wait3A_324 = arith.constant 0 : i32
    %dma_wait3A_325 = tpu.memref_slice %arg4[%dma_wait3A_323, %dma_wait3A_324] : memref<100000x256xf32, #tpu.memory_space<hbm>> -> memref<100000x256xf32, #tpu.memory_space<hbm>>
    tpu.wait_indirect_dma semaphore(%arg12 : memref<!tpu.dma_semaphore, #tpu.memory_space<semaphore_mem>>) src(%dma_wait3A_325 : memref<100000x256xf32, #tpu.memory_space<hbm>>) dst(%dma_wait3A_320 : memref<64x256xf32, #tpu.memory_space<vmem>>)
    %dma_wait3A_326 = arith.constant 0 : i32
    %dma_wait3A_327 = arith.constant 0 : i32
    %dma_wait3A_328 = arith.constant 0 : i32
    %dma_wait3A_329 = tpu.memref_slice %arg11[%dma_wait3A_326, %dma_wait3A_327, %dma_wait3A_328] : memref<2x64x256xf32, #tpu.memory_space<vmem>> -> memref<1x64x256xf32, #tpu.memory_space<vmem>>
    %dma_wait3A_330 = tpu.memref_squeeze %dma_wait3A_329 : memref<1x64x256xf32, #tpu.memory_space<vmem>> -> memref<64x256xf32, #tpu.memory_space<vmem>>
    %dma_wait3A_331 = arith.constant 384 : i32
    %dma_wait3A_332 = tpu.memref_slice %arg9[%dma_wait3A_331] : memref<512xi32, #tpu.memory_space<vmem>> -> memref<64xi32, #tpu.memory_space<vmem>>
    %dma_wait3A_333 = arith.constant 0 : i32
    %dma_wait3A_334 = arith.constant 0 : i32
    %dma_wait3A_335 = tpu.memref_slice %arg5[%dma_wait3A_333, %dma_wait3A_334] : memref<100000x256xf32, #tpu.memory_space<hbm>> -> memref<100000x256xf32, #tpu.memory_space<hbm>>
    tpu.wait_indirect_dma semaphore(%arg14 : memref<!tpu.dma_semaphore, #tpu.memory_space<semaphore_mem>>) src(%dma_wait3A_335 : memref<100000x256xf32, #tpu.memory_space<hbm>>) dst(%dma_wait3A_330 : memref<64x256xf32, #tpu.memory_space<vmem>>)
    %add3A_336 = arith.constant 384 : i32
    %add3A_337 = arith.addi %mul3A_2, %add3A_336 : i32
    %run_scoped3A_338 = arith.constant 0 : i32
    "tpu.region"() ({
      %run_scoped3A_368 = tpu.sem_alloc : memref<!tpu.dma_semaphore, #tpu.memory_space<semaphore_mem>>
      %dma_start3A_369 = arith.constant 0 : i32
      %dma_start3A_370 = arith.constant 0 : i32
      %dma_start3A_371 = tpu.memref_slice %arg10[%run_scoped3A_338, %dma_start3A_369, %dma_start3A_370] : memref<2x64x256xf32, #tpu.memory_space<vmem>> -> memref<1x64x256xf32, #tpu.memory_space<vmem>>
      %dma_start3A_372 = tpu.memref_squeeze %dma_start3A_371 : memref<1x64x256xf32, #tpu.memory_space<vmem>> -> memref<64x256xf32, #tpu.memory_space<vmem>>
      %dma_start3A_373 = arith.constant 0 : i32
      %dma_start3A_374 = tpu.memref_slice %arg6[%add3A_337, %dma_start3A_373] : memref<16384x256xf32, #tpu.memory_space<hbm>> -> memref<64x256xf32, #tpu.memory_space<hbm>>
      %dma_start3A_375 = arith.constant 0 : i32
      %dma_start3A_376 = tpu.memref_slice %arg6[%add3A_337, %dma_start3A_375] : memref<16384x256xf32, #tpu.memory_space<hbm>> -> memref<64x256xf32, #tpu.memory_space<hbm>>
      %dma_start3A_377 = arith.constant 0 : i32
      %dma_start3A_378 = arith.constant 0 : i32
      %dma_start3A_379 = tpu.memref_slice %arg10[%run_scoped3A_338, %dma_start3A_377, %dma_start3A_378] : memref<2x64x256xf32, #tpu.memory_space<vmem>> -> memref<1x64x256xf32, #tpu.memory_space<vmem>>
      %dma_start3A_380 = tpu.memref_squeeze %dma_start3A_379 : memref<1x64x256xf32, #tpu.memory_space<vmem>> -> memref<64x256xf32, #tpu.memory_space<vmem>>
      tpu.enqueue_dma source(%dma_start3A_380 : memref<64x256xf32, #tpu.memory_space<vmem>>) target(%dma_start3A_376 : memref<64x256xf32, #tpu.memory_space<hbm>>) target_semaphore(%run_scoped3A_368 : memref<!tpu.dma_semaphore, #tpu.memory_space<semaphore_mem>>)
      %dma_wait3A_381 = arith.constant 0 : i32
      %dma_wait3A_382 = arith.constant 0 : i32
      %dma_wait3A_383 = tpu.memref_slice %arg10[%run_scoped3A_338, %dma_wait3A_381, %dma_wait3A_382] : memref<2x64x256xf32, #tpu.memory_space<vmem>> -> memref<1x64x256xf32, #tpu.memory_space<vmem>>
      %dma_wait3A_384 = tpu.memref_squeeze %dma_wait3A_383 : memref<1x64x256xf32, #tpu.memory_space<vmem>> -> memref<64x256xf32, #tpu.memory_space<vmem>>
      %dma_wait3A_385 = arith.constant 0 : i32
      %dma_wait3A_386 = tpu.memref_slice %arg6[%add3A_337, %dma_wait3A_385] : memref<16384x256xf32, #tpu.memory_space<hbm>> -> memref<64x256xf32, #tpu.memory_space<hbm>>
      %dma_wait3A_387 = arith.constant 0 : i32
      %dma_wait3A_388 = tpu.memref_slice %arg6[%add3A_337, %dma_wait3A_387] : memref<16384x256xf32, #tpu.memory_space<hbm>> -> memref<64x256xf32, #tpu.memory_space<hbm>>
      %dma_wait3A_389 = arith.constant 0 : i32
      %dma_wait3A_390 = arith.constant 0 : i32
      %dma_wait3A_391 = tpu.memref_slice %arg10[%run_scoped3A_338, %dma_wait3A_389, %dma_wait3A_390] : memref<2x64x256xf32, #tpu.memory_space<vmem>> -> memref<1x64x256xf32, #tpu.memory_space<vmem>>
      %dma_wait3A_392 = tpu.memref_squeeze %dma_wait3A_391 : memref<1x64x256xf32, #tpu.memory_space<vmem>> -> memref<64x256xf32, #tpu.memory_space<vmem>>
      tpu.wait_dma2 semaphore(%run_scoped3A_368 : memref<!tpu.dma_semaphore, #tpu.memory_space<semaphore_mem>>) src(%dma_wait3A_392 : memref<64x256xf32, #tpu.memory_space<vmem>>) dst(%dma_wait3A_388 : memref<64x256xf32, #tpu.memory_space<hbm>>)
      tpu.yield
    }) : () -> ()
    %add3A_339 = arith.constant 384 : i32
    %add3A_340 = arith.addi %mul3A_2, %add3A_339 : i32
    %run_scoped3A_341 = arith.constant 0 : i32
    "tpu.region"() ({
      %run_scoped3A_368 = tpu.sem_alloc : memref<!tpu.dma_semaphore, #tpu.memory_space<semaphore_mem>>
      %dma_start3A_369 = arith.constant 0 : i32
      %dma_start3A_370 = arith.constant 0 : i32
      %dma_start3A_371 = tpu.memref_slice %arg11[%run_scoped3A_341, %dma_start3A_369, %dma_start3A_370] : memref<2x64x256xf32, #tpu.memory_space<vmem>> -> memref<1x64x256xf32, #tpu.memory_space<vmem>>
      %dma_start3A_372 = tpu.memref_squeeze %dma_start3A_371 : memref<1x64x256xf32, #tpu.memory_space<vmem>> -> memref<64x256xf32, #tpu.memory_space<vmem>>
      %dma_start3A_373 = arith.constant 0 : i32
      %dma_start3A_374 = tpu.memref_slice %arg7[%add3A_340, %dma_start3A_373] : memref<16384x256xf32, #tpu.memory_space<hbm>> -> memref<64x256xf32, #tpu.memory_space<hbm>>
      %dma_start3A_375 = arith.constant 0 : i32
      %dma_start3A_376 = tpu.memref_slice %arg7[%add3A_340, %dma_start3A_375] : memref<16384x256xf32, #tpu.memory_space<hbm>> -> memref<64x256xf32, #tpu.memory_space<hbm>>
      %dma_start3A_377 = arith.constant 0 : i32
      %dma_start3A_378 = arith.constant 0 : i32
      %dma_start3A_379 = tpu.memref_slice %arg11[%run_scoped3A_341, %dma_start3A_377, %dma_start3A_378] : memref<2x64x256xf32, #tpu.memory_space<vmem>> -> memref<1x64x256xf32, #tpu.memory_space<vmem>>
      %dma_start3A_380 = tpu.memref_squeeze %dma_start3A_379 : memref<1x64x256xf32, #tpu.memory_space<vmem>> -> memref<64x256xf32, #tpu.memory_space<vmem>>
      tpu.enqueue_dma source(%dma_start3A_380 : memref<64x256xf32, #tpu.memory_space<vmem>>) target(%dma_start3A_376 : memref<64x256xf32, #tpu.memory_space<hbm>>) target_semaphore(%run_scoped3A_368 : memref<!tpu.dma_semaphore, #tpu.memory_space<semaphore_mem>>)
      %dma_wait3A_381 = arith.constant 0 : i32
      %dma_wait3A_382 = arith.constant 0 : i32
      %dma_wait3A_383 = tpu.memref_slice %arg11[%run_scoped3A_341, %dma_wait3A_381, %dma_wait3A_382] : memref<2x64x256xf32, #tpu.memory_space<vmem>> -> memref<1x64x256xf32, #tpu.memory_space<vmem>>
      %dma_wait3A_384 = tpu.memref_squeeze %dma_wait3A_383 : memref<1x64x256xf32, #tpu.memory_space<vmem>> -> memref<64x256xf32, #tpu.memory_space<vmem>>
      %dma_wait3A_385 = arith.constant 0 : i32
      %dma_wait3A_386 = tpu.memref_slice %arg7[%add3A_340, %dma_wait3A_385] : memref<16384x256xf32, #tpu.memory_space<hbm>> -> memref<64x256xf32, #tpu.memory_space<hbm>>
      %dma_wait3A_387 = arith.constant 0 : i32
      %dma_wait3A_388 = tpu.memref_slice %arg7[%add3A_340, %dma_wait3A_387] : memref<16384x256xf32, #tpu.memory_space<hbm>> -> memref<64x256xf32, #tpu.memory_space<hbm>>
      %dma_wait3A_389 = arith.constant 0 : i32
      %dma_wait3A_390 = arith.constant 0 : i32
      %dma_wait3A_391 = tpu.memref_slice %arg11[%run_scoped3A_341, %dma_wait3A_389, %dma_wait3A_390] : memref<2x64x256xf32, #tpu.memory_space<vmem>> -> memref<1x64x256xf32, #tpu.memory_space<vmem>>
      %dma_wait3A_392 = tpu.memref_squeeze %dma_wait3A_391 : memref<1x64x256xf32, #tpu.memory_space<vmem>> -> memref<64x256xf32, #tpu.memory_space<vmem>>
      tpu.wait_dma2 semaphore(%run_scoped3A_368 : memref<!tpu.dma_semaphore, #tpu.memory_space<semaphore_mem>>) src(%dma_wait3A_392 : memref<64x256xf32, #tpu.memory_space<vmem>>) dst(%dma_wait3A_388 : memref<64x256xf32, #tpu.memory_space<hbm>>)
      tpu.yield
    }) : () -> ()
    %dma_wait3A_342 = arith.constant 1 : i32
    %dma_wait3A_343 = arith.constant 0 : i32
    %dma_wait3A_344 = arith.constant 0 : i32
    %dma_wait3A_345 = tpu.memref_slice %arg10[%dma_wait3A_342, %dma_wait3A_343, %dma_wait3A_344] : memref<2x64x256xf32, #tpu.memory_space<vmem>> -> memref<1x64x256xf32, #tpu.memory_space<vmem>>
    %dma_wait3A_346 = tpu.memref_squeeze %dma_wait3A_345 : memref<1x64x256xf32, #tpu.memory_space<vmem>> -> memref<64x256xf32, #tpu.memory_space<vmem>>
    %dma_wait3A_347 = arith.constant 448 : i32
    %dma_wait3A_348 = tpu.memref_slice %arg8[%dma_wait3A_347] : memref<512xi32, #tpu.memory_space<vmem>> -> memref<64xi32, #tpu.memory_space<vmem>>
    %dma_wait3A_349 = arith.constant 0 : i32
    %dma_wait3A_350 = arith.constant 0 : i32
    %dma_wait3A_351 = tpu.memref_slice %arg4[%dma_wait3A_349, %dma_wait3A_350] : memref<100000x256xf32, #tpu.memory_space<hbm>> -> memref<100000x256xf32, #tpu.memory_space<hbm>>
    tpu.wait_indirect_dma semaphore(%arg13 : memref<!tpu.dma_semaphore, #tpu.memory_space<semaphore_mem>>) src(%dma_wait3A_351 : memref<100000x256xf32, #tpu.memory_space<hbm>>) dst(%dma_wait3A_346 : memref<64x256xf32, #tpu.memory_space<vmem>>)
    %dma_wait3A_352 = arith.constant 1 : i32
    %dma_wait3A_353 = arith.constant 0 : i32
    %dma_wait3A_354 = arith.constant 0 : i32
    %dma_wait3A_355 = tpu.memref_slice %arg11[%dma_wait3A_352, %dma_wait3A_353, %dma_wait3A_354] : memref<2x64x256xf32, #tpu.memory_space<vmem>> -> memref<1x64x256xf32, #tpu.memory_space<vmem>>
    %dma_wait3A_356 = tpu.memref_squeeze %dma_wait3A_355 : memref<1x64x256xf32, #tpu.memory_space<vmem>> -> memref<64x256xf32, #tpu.memory_space<vmem>>
    %dma_wait3A_357 = arith.constant 448 : i32
    %dma_wait3A_358 = tpu.memref_slice %arg9[%dma_wait3A_357] : memref<512xi32, #tpu.memory_space<vmem>> -> memref<64xi32, #tpu.memory_space<vmem>>
    %dma_wait3A_359 = arith.constant 0 : i32
    %dma_wait3A_360 = arith.constant 0 : i32
    %dma_wait3A_361 = tpu.memref_slice %arg5[%dma_wait3A_359, %dma_wait3A_360] : memref<100000x256xf32, #tpu.memory_space<hbm>> -> memref<100000x256xf32, #tpu.memory_space<hbm>>
    tpu.wait_indirect_dma semaphore(%arg15 : memref<!tpu.dma_semaphore, #tpu.memory_space<semaphore_mem>>) src(%dma_wait3A_361 : memref<100000x256xf32, #tpu.memory_space<hbm>>) dst(%dma_wait3A_356 : memref<64x256xf32, #tpu.memory_space<vmem>>)
    %add3A_362 = arith.constant 448 : i32
    %add3A_363 = arith.addi %mul3A_2, %add3A_362 : i32
    %run_scoped3A_364 = arith.constant 1 : i32
    "tpu.region"() ({
      %run_scoped3A_368 = tpu.sem_alloc : memref<!tpu.dma_semaphore, #tpu.memory_space<semaphore_mem>>
      %dma_start3A_369 = arith.constant 0 : i32
      %dma_start3A_370 = arith.constant 0 : i32
      %dma_start3A_371 = tpu.memref_slice %arg10[%run_scoped3A_364, %dma_start3A_369, %dma_start3A_370] : memref<2x64x256xf32, #tpu.memory_space<vmem>> -> memref<1x64x256xf32, #tpu.memory_space<vmem>>
      %dma_start3A_372 = tpu.memref_squeeze %dma_start3A_371 : memref<1x64x256xf32, #tpu.memory_space<vmem>> -> memref<64x256xf32, #tpu.memory_space<vmem>>
      %dma_start3A_373 = arith.constant 0 : i32
      %dma_start3A_374 = tpu.memref_slice %arg6[%add3A_363, %dma_start3A_373] : memref<16384x256xf32, #tpu.memory_space<hbm>> -> memref<64x256xf32, #tpu.memory_space<hbm>>
      %dma_start3A_375 = arith.constant 0 : i32
      %dma_start3A_376 = tpu.memref_slice %arg6[%add3A_363, %dma_start3A_375] : memref<16384x256xf32, #tpu.memory_space<hbm>> -> memref<64x256xf32, #tpu.memory_space<hbm>>
      %dma_start3A_377 = arith.constant 0 : i32
      %dma_start3A_378 = arith.constant 0 : i32
      %dma_start3A_379 = tpu.memref_slice %arg10[%run_scoped3A_364, %dma_start3A_377, %dma_start3A_378] : memref<2x64x256xf32, #tpu.memory_space<vmem>> -> memref<1x64x256xf32, #tpu.memory_space<vmem>>
      %dma_start3A_380 = tpu.memref_squeeze %dma_start3A_379 : memref<1x64x256xf32, #tpu.memory_space<vmem>> -> memref<64x256xf32, #tpu.memory_space<vmem>>
      tpu.enqueue_dma source(%dma_start3A_380 : memref<64x256xf32, #tpu.memory_space<vmem>>) target(%dma_start3A_376 : memref<64x256xf32, #tpu.memory_space<hbm>>) target_semaphore(%run_scoped3A_368 : memref<!tpu.dma_semaphore, #tpu.memory_space<semaphore_mem>>)
      %dma_wait3A_381 = arith.constant 0 : i32
      %dma_wait3A_382 = arith.constant 0 : i32
      %dma_wait3A_383 = tpu.memref_slice %arg10[%run_scoped3A_364, %dma_wait3A_381, %dma_wait3A_382] : memref<2x64x256xf32, #tpu.memory_space<vmem>> -> memref<1x64x256xf32, #tpu.memory_space<vmem>>
      %dma_wait3A_384 = tpu.memref_squeeze %dma_wait3A_383 : memref<1x64x256xf32, #tpu.memory_space<vmem>> -> memref<64x256xf32, #tpu.memory_space<vmem>>
      %dma_wait3A_385 = arith.constant 0 : i32
      %dma_wait3A_386 = tpu.memref_slice %arg6[%add3A_363, %dma_wait3A_385] : memref<16384x256xf32, #tpu.memory_space<hbm>> -> memref<64x256xf32, #tpu.memory_space<hbm>>
      %dma_wait3A_387 = arith.constant 0 : i32
      %dma_wait3A_388 = tpu.memref_slice %arg6[%add3A_363, %dma_wait3A_387] : memref<16384x256xf32, #tpu.memory_space<hbm>> -> memref<64x256xf32, #tpu.memory_space<hbm>>
      %dma_wait3A_389 = arith.constant 0 : i32
      %dma_wait3A_390 = arith.constant 0 : i32
      %dma_wait3A_391 = tpu.memref_slice %arg10[%run_scoped3A_364, %dma_wait3A_389, %dma_wait3A_390] : memref<2x64x256xf32, #tpu.memory_space<vmem>> -> memref<1x64x256xf32, #tpu.memory_space<vmem>>
      %dma_wait3A_392 = tpu.memref_squeeze %dma_wait3A_391 : memref<1x64x256xf32, #tpu.memory_space<vmem>> -> memref<64x256xf32, #tpu.memory_space<vmem>>
      tpu.wait_dma2 semaphore(%run_scoped3A_368 : memref<!tpu.dma_semaphore, #tpu.memory_space<semaphore_mem>>) src(%dma_wait3A_392 : memref<64x256xf32, #tpu.memory_space<vmem>>) dst(%dma_wait3A_388 : memref<64x256xf32, #tpu.memory_space<hbm>>)
      tpu.yield
    }) : () -> ()
    %add3A_365 = arith.constant 448 : i32
    %add3A_366 = arith.addi %mul3A_2, %add3A_365 : i32
    %run_scoped3A_367 = arith.constant 1 : i32
    "tpu.region"() ({
      %run_scoped3A_368 = tpu.sem_alloc : memref<!tpu.dma_semaphore, #tpu.memory_space<semaphore_mem>>
      %dma_start3A_369 = arith.constant 0 : i32
      %dma_start3A_370 = arith.constant 0 : i32
      %dma_start3A_371 = tpu.memref_slice %arg11[%run_scoped3A_367, %dma_start3A_369, %dma_start3A_370] : memref<2x64x256xf32, #tpu.memory_space<vmem>> -> memref<1x64x256xf32, #tpu.memory_space<vmem>>
      %dma_start3A_372 = tpu.memref_squeeze %dma_start3A_371 : memref<1x64x256xf32, #tpu.memory_space<vmem>> -> memref<64x256xf32, #tpu.memory_space<vmem>>
      %dma_start3A_373 = arith.constant 0 : i32
      %dma_start3A_374 = tpu.memref_slice %arg7[%add3A_366, %dma_start3A_373] : memref<16384x256xf32, #tpu.memory_space<hbm>> -> memref<64x256xf32, #tpu.memory_space<hbm>>
      %dma_start3A_375 = arith.constant 0 : i32
      %dma_start3A_376 = tpu.memref_slice %arg7[%add3A_366, %dma_start3A_375] : memref<16384x256xf32, #tpu.memory_space<hbm>> -> memref<64x256xf32, #tpu.memory_space<hbm>>
      %dma_start3A_377 = arith.constant 0 : i32
      %dma_start3A_378 = arith.constant 0 : i32
      %dma_start3A_379 = tpu.memref_slice %arg11[%run_scoped3A_367, %dma_start3A_377, %dma_start3A_378] : memref<2x64x256xf32, #tpu.memory_space<vmem>> -> memref<1x64x256xf32, #tpu.memory_space<vmem>>
      %dma_start3A_380 = tpu.memref_squeeze %dma_start3A_379 : memref<1x64x256xf32, #tpu.memory_space<vmem>> -> memref<64x256xf32, #tpu.memory_space<vmem>>
      tpu.enqueue_dma source(%dma_start3A_380 : memref<64x256xf32, #tpu.memory_space<vmem>>) target(%dma_start3A_376 : memref<64x256xf32, #tpu.memory_space<hbm>>) target_semaphore(%run_scoped3A_368 : memref<!tpu.dma_semaphore, #tpu.memory_space<semaphore_mem>>)
      %dma_wait3A_381 = arith.constant 0 : i32
      %dma_wait3A_382 = arith.constant 0 : i32
      %dma_wait3A_383 = tpu.memref_slice %arg11[%run_scoped3A_367, %dma_wait3A_381, %dma_wait3A_382] : memref<2x64x256xf32, #tpu.memory_space<vmem>> -> memref<1x64x256xf32, #tpu.memory_space<vmem>>
      %dma_wait3A_384 = tpu.memref_squeeze %dma_wait3A_383 : memref<1x64x256xf32, #tpu.memory_space<vmem>> -> memref<64x256xf32, #tpu.memory_space<vmem>>
      %dma_wait3A_385 = arith.constant 0 : i32
      %dma_wait3A_386 = tpu.memref_slice %arg7[%add3A_366, %dma_wait3A_385] : memref<16384x256xf32, #tpu.memory_space<hbm>> -> memref<64x256xf32, #tpu.memory_space<hbm>>
      %dma_wait3A_387 = arith.constant 0 : i32
      %dma_wait3A_388 = tpu.memref_slice %arg7[%add3A_366, %dma_wait3A_387] : memref<16384x256xf32, #tpu.memory_space<hbm>> -> memref<64x256xf32, #tpu.memory_space<hbm>>
      %dma_wait3A_389 = arith.constant 0 : i32
      %dma_wait3A_390 = arith.constant 0 : i32
      %dma_wait3A_391 = tpu.memref_slice %arg11[%run_scoped3A_367, %dma_wait3A_389, %dma_wait3A_390] : memref<2x64x256xf32, #tpu.memory_space<vmem>> -> memref<1x64x256xf32, #tpu.memory_space<vmem>>
      %dma_wait3A_392 = tpu.memref_squeeze %dma_wait3A_391 : memref<1x64x256xf32, #tpu.memory_space<vmem>> -> memref<64x256xf32, #tpu.memory_space<vmem>>
      tpu.wait_dma2 semaphore(%run_scoped3A_368 : memref<!tpu.dma_semaphore, #tpu.memory_space<semaphore_mem>>) src(%dma_wait3A_392 : memref<64x256xf32, #tpu.memory_space<vmem>>) dst(%dma_wait3A_388 : memref<64x256xf32, #tpu.memory_space<hbm>>)
      tpu.yield
    }) : () -> ()
    return
  }
}

module attributes {stable_mosaic.version = 14 : i64} {
  func.func @_tc_prep_body(%arg0: i32, %arg1: memref<64x5888xf32, #tpu.memory_space<vmem>>, %arg2: memref<64x5888xf32, #tpu.memory_space<vmem>>, %arg3: memref<5888x128xf32, #tpu.memory_space<vmem>>) attributes {dimension_semantics = [#tpu.dimension_semantics<arbitrary>], iteration_bounds = array<i64: 17>, scalar_prefetch = 0 : i64, scratch_operands = 0 : i64, tpu.core_type = #tpu.core_type<tc>, window_params = [{transform_indices = @transform_0, window_bounds = array<i64: 64, 5888>}, {transform_indices = @transform_1, window_bounds = array<i64: 64, 5888>}, {transform_indices = @transform_2, window_bounds = array<i64: 5888, 128>}]} {
    %get3A = arith.constant 0 : index
    %get3A_0 = arith.constant 0 : index
    %get3A_1 = vector.load %arg1[%get3A, %get3A_0] : memref<64x5888xf32, #tpu.memory_space<vmem>>, vector<64x5888xf32>
    %transpose3A = tpu.transpose %get3A_1, [1, 0] : vector<64x5888xf32> -> vector<5888x64xf32>
    %get3A_2 = arith.constant 0 : index
    %get3A_3 = arith.constant 0 : index
    %get3A_4 = vector.load %arg2[%get3A_2, %get3A_3] : memref<64x5888xf32, #tpu.memory_space<vmem>>, vector<64x5888xf32>
    %transpose3A_5 = tpu.transpose %get3A_4, [1, 0] : vector<64x5888xf32> -> vector<5888x64xf32>
    %concatenate3A = tpu.concatenate %transpose3A, %transpose3A_5 in 1 : vector<5888x64xf32>, vector<5888x64xf32> -> vector<5888x128xf32>
    %swap3A = arith.constant 0 : index
    %swap3A_6 = arith.constant 0 : index
    %swap3A_7 = vector.load %arg3[%swap3A, %swap3A_6] : memref<5888x128xf32, #tpu.memory_space<vmem>>, vector<5888x128xf32>
    tpu.vector_store %arg3[%swap3A, %swap3A_6], %concatenate3A {strides = array<i32>} : memref<5888x128xf32, #tpu.memory_space<vmem>>, vector<5888x128xf32>,
    return
  }
  func.func @transform_0(%arg0: i32) -> (i32, i32) {
    %c0_i32 = arith.constant 0 : i32
    %c0_i32_0 = arith.constant 0 : i32
    return %c0_i32, %arg0 : i32, i32
  }
  func.func @transform_1(%arg0: i32) -> (i32, i32) {
    %c0_i32 = arith.constant 0 : i32
    %c0_i32_0 = arith.constant 0 : i32
    return %c0_i32, %arg0 : i32, i32
  }
  func.func @transform_2(%arg0: i32) -> (i32, i32) {
    %c0_i32 = arith.constant 0 : i32
    %c0_i32_0 = arith.constant 0 : i32
    return %arg0, %c0_i32 : i32, i32
  }
}

module attributes {stable_mosaic.version = 14 : i64} {
  func.func @_tc_body(%arg0: i32, %arg1: memref<4096x128xf32, #tpu.memory_space<vmem>>, %arg2: memref<4096x128xf32, #tpu.memory_space<vmem>>, %arg3: memref<4096x256xf32, #tpu.memory_space<vmem>>, %arg4: memref<4096x256xf32, #tpu.memory_space<vmem>>, %arg5: memref<256x256xf32, #tpu.memory_space<vmem>>, %arg6: memref<1x256xf32, #tpu.memory_space<vmem>>, %arg7: memref<1x256xf32, #tpu.memory_space<vmem>>, %arg8: memref<1x256xf32, #tpu.memory_space<vmem>>, %arg9: memref<4096xf32, #tpu.memory_space<vmem>>) attributes {dimension_semantics = [#tpu.dimension_semantics<arbitrary>], iteration_bounds = array<i64: 4>, scalar_prefetch = 0 : i64, scratch_operands = 0 : i64, tpu.core_type = #tpu.core_type<tc>, window_params = [{transform_indices = @transform_0, window_bounds = array<i64: 4096, 128>}, {transform_indices = @transform_1, window_bounds = array<i64: 4096, 128>}, {transform_indices = @transform_2, window_bounds = array<i64: 4096, 256>}, {transform_indices = @transform_3, window_bounds = array<i64: 4096, 256>}, {pipeline_mode = #tpu.pipeline_mode<synchronous>, transform_indices = @transform_4, window_bounds = array<i64: 256, 256>}, {pipeline_mode = #tpu.pipeline_mode<synchronous>, transform_indices = @transform_5, window_bounds = array<i64: 1, 256>}, {pipeline_mode = #tpu.pipeline_mode<synchronous>, transform_indices = @transform_6, window_bounds = array<i64: 1, 256>}, {pipeline_mode = #tpu.pipeline_mode<synchronous>, transform_indices = @transform_7, window_bounds = array<i64: 1, 256>}, {transform_indices = @transform_8, window_bounds = array<i64: 4096>}]} {
    %get3A = arith.constant 0 : index
    %get3A_0 = arith.constant 0 : index
    %get3A_1 = vector.load %arg3[%get3A, %get3A_0] : memref<4096x256xf32, #tpu.memory_space<vmem>>, vector<4096x256xf32>
    %get3A_2 = arith.constant 0 : index
    %get3A_3 = arith.constant 0 : index
    %get3A_4 = vector.load %arg5[%get3A_2, %get3A_3] : memref<256x256xf32, #tpu.memory_space<vmem>>, vector<256x256xf32>
    %dot_general3A = arith.constant dense<0.000000e+00> : vector<4096x256xf32>
    %dot_general3A_5 = tpu.matmul %get3A_1, %get3A_4, %dot_general3A {dimension_numbers = #tpu.dot_dimension_numbers<[1], [0], [0], [1], [0, 0, 1, 1], [], []>, transpose_lhs_hint = false} : vector<4096x256xf32>, vector<256x256xf32>, vector<4096x256xf32> -> vector<4096x256xf32>
    %get3A_6 = arith.constant 0 : index
    %get3A_7 = arith.constant 0 : index
    %get3A_8 = vector.load %arg6[%get3A_6, %get3A_7] : memref<1x256xf32, #tpu.memory_space<vmem>>, vector<1x256xf32>
    %add3A = vector.broadcast %get3A_8 : vector<1x256xf32> to vector<4096x256xf32>
    %add3A_9 = arith.addf %dot_general3A_5, %add3A : vector<4096x256xf32>
    %reduce_sum3A = arith.constant dense<0.000000e+00> : vector<4096xf32>
    %reduce_sum3A_10 = vector.multi_reduction <add>, %add3A_9, %reduce_sum3A [1] : vector<4096x256xf32> to vector<4096xf32>
    %broadcast_in_dim3A = vector.shape_cast %reduce_sum3A_10 : vector<4096xf32> to vector<4096x1xf32>
    %div3A = arith.constant 2.560000e+02 : f32
    %div3A_11 = vector.broadcast %div3A : f32 to vector<4096x1xf32>
    %div3A_12 = arith.divf %broadcast_in_dim3A, %div3A_11 : vector<4096x1xf32>
    %sub3A = vector.broadcast %div3A_12 : vector<4096x1xf32> to vector<4096x256xf32>
    %sub3A_13 = arith.subf %add3A_9, %sub3A : vector<4096x256xf32>
    %sub3A_14 = vector.broadcast %div3A_12 : vector<4096x1xf32> to vector<4096x256xf32>
    %sub3A_15 = arith.subf %add3A_9, %sub3A_14 : vector<4096x256xf32>
    %mul3A = arith.mulf %sub3A_13, %sub3A_15 : vector<4096x256xf32>
    %reduce_sum3A_16 = arith.constant dense<0.000000e+00> : vector<4096xf32>
    %reduce_sum3A_17 = vector.multi_reduction <add>, %mul3A, %reduce_sum3A_16 [1] : vector<4096x256xf32> to vector<4096xf32>
    %broadcast_in_dim3A_18 = vector.shape_cast %reduce_sum3A_17 : vector<4096xf32> to vector<4096x1xf32>
    %div3A_19 = arith.constant 2.560000e+02 : f32
    %div3A_20 = vector.broadcast %div3A_19 : f32 to vector<4096x1xf32>
    %div3A_21 = arith.divf %broadcast_in_dim3A_18, %div3A_20 : vector<4096x1xf32>
    %sub3A_22 = vector.broadcast %div3A_12 : vector<4096x1xf32> to vector<4096x256xf32>
    %sub3A_23 = arith.subf %add3A_9, %sub3A_22 : vector<4096x256xf32>
    %add3A_24 = arith.constant 9.99999974E-6 : f32
    %add3A_25 = vector.broadcast %add3A_24 : f32 to vector<4096x1xf32>
    %add3A_26 = arith.addf %div3A_21, %add3A_25 : vector<4096x1xf32>
    %rsqrt3A = math.rsqrt %add3A_26 : vector<4096x1xf32>
    %mul3A_27 = vector.broadcast %rsqrt3A : vector<4096x1xf32> to vector<4096x256xf32>
    %mul3A_28 = arith.mulf %sub3A_23, %mul3A_27 : vector<4096x256xf32>
    %get3A_29 = arith.constant 0 : index
    %get3A_30 = arith.constant 0 : index
    %get3A_31 = vector.load %arg7[%get3A_29, %get3A_30] : memref<1x256xf32, #tpu.memory_space<vmem>>, vector<1x256xf32>
    %mul3A_32 = vector.broadcast %get3A_31 : vector<1x256xf32> to vector<4096x256xf32>
    %mul3A_33 = arith.mulf %mul3A_28, %mul3A_32 : vector<4096x256xf32>
    %get3A_34 = arith.constant 0 : index
    %get3A_35 = arith.constant 0 : index
    %get3A_36 = vector.load %arg8[%get3A_34, %get3A_35] : memref<1x256xf32, #tpu.memory_space<vmem>>, vector<1x256xf32>
    %add3A_37 = vector.broadcast %get3A_36 : vector<1x256xf32> to vector<4096x256xf32>
    %add3A_38 = arith.addf %mul3A_33, %add3A_37 : vector<4096x256xf32>
    %mul3A_39 = arith.constant 5.000000e-01 : f32
    %mul3A_40 = vector.broadcast %mul3A_39 : f32 to vector<4096x256xf32>
    %mul3A_41 = arith.mulf %add3A_38, %mul3A_40 : vector<4096x256xf32>
    %mul3A_42 = arith.constant 0.707106769 : f32
    %mul3A_43 = vector.broadcast %mul3A_42 : f32 to vector<4096x256xf32>
    %mul3A_44 = arith.mulf %add3A_38, %mul3A_43 : vector<4096x256xf32>
    %erf3A = math.erf %mul3A_44 : vector<4096x256xf32>
    %add3A_45 = arith.constant 1.000000e+00 : f32
    %add3A_46 = vector.broadcast %add3A_45 : f32 to vector<4096x256xf32>
    %add3A_47 = arith.addf %add3A_46, %erf3A : vector<4096x256xf32>
    %mul3A_48 = arith.mulf %mul3A_41, %add3A_47 : vector<4096x256xf32>
    %get3A_49 = arith.constant 0 : index
    %get3A_50 = arith.constant 0 : index
    %get3A_51 = vector.load %arg4[%get3A_49, %get3A_50] : memref<4096x256xf32, #tpu.memory_space<vmem>>, vector<4096x256xf32>
    %mul3A_52 = arith.mulf %mul3A_48, %get3A_51 : vector<4096x256xf32>
    %reduce_sum3A_53 = arith.constant dense<0.000000e+00> : vector<4096xf32>
    %reduce_sum3A_54 = vector.multi_reduction <add>, %mul3A_52, %reduce_sum3A_53 [1] : vector<4096x256xf32> to vector<4096xf32>
    %get3A_55 = arith.constant 0 : index
    %get3A_56 = arith.constant 0 : index
    %get3A_57 = vector.load %arg1[%get3A_55, %get3A_56] : memref<4096x128xf32, #tpu.memory_space<vmem>>, vector<4096x64xf32>
    %get3A_58 = arith.constant 0 : index
    %get3A_59 = arith.constant 64 : index
    %get3A_60 = vector.load %arg2[%get3A_58, %get3A_59] : memref<4096x128xf32, #tpu.memory_space<vmem>>, vector<4096x64xf32>
    %mul3A_61 = arith.mulf %get3A_57, %get3A_60 : vector<4096x64xf32>
    %reduce_sum3A_62 = arith.constant dense<0.000000e+00> : vector<4096xf32>
    %reduce_sum3A_63 = vector.multi_reduction <add>, %mul3A_61, %reduce_sum3A_62 [1] : vector<4096x64xf32> to vector<4096xf32>
    %mul3A_64 = arith.constant 5.000000e-01 : f32
    %mul3A_65 = vector.broadcast %mul3A_64 : f32 to vector<4096xf32>
    %mul3A_66 = arith.mulf %mul3A_65, %reduce_sum3A_63 : vector<4096xf32>
    %mul3A_67 = arith.constant 5.000000e-01 : f32
    %mul3A_68 = vector.broadcast %mul3A_67 : f32 to vector<4096xf32>
    %mul3A_69 = arith.mulf %mul3A_68, %reduce_sum3A_54 : vector<4096xf32>
    %add3A_70 = arith.addf %mul3A_66, %mul3A_69 : vector<4096xf32>
    %swap3A = arith.constant 0 : index
    %swap3A_71 = vector.load %arg9[%swap3A] : memref<4096xf32, #tpu.memory_space<vmem>>, vector<4096xf32>
    tpu.vector_store %arg9[%swap3A], %add3A_70 {strides = array<i32>} : memref<4096xf32, #tpu.memory_space<vmem>>, vector<4096xf32>,
    return
  }
  func.func @transform_0(%arg0: i32) -> (i32, i32) {
    %c0_i32 = arith.constant 0 : i32
    %c0_i32_0 = arith.constant 0 : i32
    return %arg0, %c0_i32 : i32, i32
  }
  func.func @transform_1(%arg0: i32) -> (i32, i32) {
    %c0_i32 = arith.constant 0 : i32
    %c0_i32_0 = arith.constant 0 : i32
    return %arg0, %c0_i32 : i32, i32
  }
  func.func @transform_2(%arg0: i32) -> (i32, i32) {
    %add3A = arith.constant 0 : i32
    %add3A_0 = arith.addi %arg0, %add3A : i32
    %c0_i32 = arith.constant 0 : i32
    %c0_i32_1 = arith.constant 0 : i32
    return %add3A_0, %c0_i32 : i32, i32
  }
  func.func @transform_3(%arg0: i32) -> (i32, i32) {
    %add3A = arith.constant 0 : i32
    %add3A_0 = arith.addi %arg0, %add3A : i32
    %c0_i32 = arith.constant 0 : i32
    %c0_i32_1 = arith.constant 0 : i32
    return %add3A_0, %c0_i32 : i32, i32
  }
  func.func @transform_4(%arg0: i32) -> (i32, i32) {
    %c0_i32 = arith.constant 0 : i32
    %c0_i32_0 = arith.constant 0 : i32
    %c0_i32_1 = arith.constant 0 : i32
    return %c0_i32, %c0_i32_0 : i32, i32
  }
  func.func @transform_5(%arg0: i32) -> (i32, i32) {
    %c0_i32 = arith.constant 0 : i32
    %c0_i32_0 = arith.constant 0 : i32
    %c0_i32_1 = arith.constant 0 : i32
    return %c0_i32, %c0_i32_0 : i32, i32
  }
  func.func @transform_6(%arg0: i32) -> (i32, i32) {
    %c0_i32 = arith.constant 0 : i32
    %c0_i32_0 = arith.constant 0 : i32
    %c0_i32_1 = arith.constant 0 : i32
    return %c0_i32, %c0_i32_0 : i32, i32
  }
  func.func @transform_7(%arg0: i32) -> (i32, i32) {
    %c0_i32 = arith.constant 0 : i32
    %c0_i32_0 = arith.constant 0 : i32
    %c0_i32_1 = arith.constant 0 : i32
    return %c0_i32, %c0_i32_0 : i32, i32
  }
  func.func @transform_8(%arg0: i32) -> i32 {
    %c0_i32 = arith.constant 0 : i32
    return %arg0 : i32
  }
}

</mosaic_0001>

<sc_bundles>
// kernel: kernel.6.cloned.1.call-start
scs
__scs_entry_jumppad:
0x0: {  	(pc) =	sbr.rel $0x88, $3  }
0x1: {  	(tag) =	ssettag $0x0;
	lr =	simm.s32 $0x1  }
0x2: {  	[smem:$0x3F97] =	sst lr;
	_ =	strace $0xD0000000  }
0x3: {  	_ = 	snop  }
0x4: {  	_ = 	snop  }
0x5: {  	_ = 	snop  }
0x6: {  	_ = 	snop  }
0x7: {  	_ = 	snop  }
__scs_overlays_trampoline_lowered:
0x8: {  	[smem:$0x3FA6] =	sst s0  }
0x9: {  	[smem:$0x3FA7] =	sst s1  }
0xa: {  	[smem:$0x3FA8] =	sst s2  }
0xb: {  	[smem:$0x3FA9] =	sst s3  }
0xc: {  	[smem:$0x3FAA] =	sst s4  }
0xd: {  	[smem:$0x3FAB] =	sst s5  }
0xe: {  	[smem:$0x3FAC] =	sst s6  }
0xf: {  	[smem:$0x3FAD] =	sst s7  }
0x10: {  	[smem:$0x3FAE] =	sst s8  }
0x11: {  	[smem:$0x3FAF] =	sst s9;
	s0 =	simm.s32 @!p0 $0x0  }
0x12: {  	s1 =	sld [smem:$0x3F95];
	s0 =	simm.s32 @p0 $0x1  }
0x13: {  	[smem:$0x3FB0] =	sst s0;
	s0 =	simm.s32 @!p1 $0x0  }
0x14: {  	s2 =	sld [smem:$0x3F94];
	s0 =	simm.s32 @p1 $0x1  }
0x15: {  	[smem:$0x3FB1] =	sst s0;
	s0 =	simm.s32 @!p2 $0x0  }
0x16: {  	s3 =	sld [smem:$0x3FDB];
	s0 =	simm.s32 @p2 $0x1  }
0x17: {  	s4 =	simm.s32 $0x1BF5;
	[smem:$0x3FB3] =	sst s0  }
0x18: {  	s0 =	sld [smem:$0x3F96];
	_ =	swait.ge [sflag:s4], $0x0  }
0x19: {  	s7 =	sld [smem:$0x3F97]  }
0x1a: {  	s8 =	sadd.s32 $0xFFFFE003, lr  }
0x1b: {  	s9 =	sadd.s32 $0xFFFFFEF7, lr;
	s5 =	simm.s32 $0xFFFFFFFF;
	p2 =	slt.u32 s8, $0xFFFFF086  }
0x1c: {  	p1 =	slt.u32 s9, $0xF7A;
	s5 =	simm.s32 @!p2 $0x0  }
0x1d: {  	s5 =	simm.s32 @p1 $0x1;
	p0 =	seq.s32 s7, s2  }
0x1e: {  	s7 =	smul.u32 @!p0 $0xF7A, s2;
	p2 =	seq.s32 @!p0 s5, $0x0  }
0x1f: {  	s9 =	smul.u32 $0xF7A, s1;
	s8 =	simm.s32 @!p0 $0x1BF5;
	p2 =	por !p2, p0  }
0x20: {  	[sflag:s8] =	ssyncset.s32 @!p0 $0xFFFFF086;
	s6 =	sadd.s32 @!p0 s3, s7;
	s7 =	simm.s32 @!p0 $0x108  }
0x21: {  	s3 =	sadd.s32 s3, s9;
	s6 =	sadd.s32 @!p0 $0x88, s6;
	s7 =	simm.s32 @p2 $0x1082  }
0x22: {  	[simem:s7], [sflag:s8] =	dma.local @!p0 [hbm:s6], $0xF7A  }
0x23: {  	s9 =	sor.u32 $0xD0000000, s2;
	s6 =	simm.s32 $0x108;
	_ =	swait.ge @!p0 [sflag:s8], $0x0  }
0x24: {  	s3 =	sadd.s32 $0x88, s3;
	s6 =	simm.s32 @!p1 $0x1082;
	[sflag:s4] =	ssyncset.s32 $0xFFFFF086  }
0x25: {  	[simem:s6], [sflag:s4] =	dma.local [hbm:s3], $0xF7A  }
0x26: {  	[smem:$0x3F97] =	sst s1;
	(tag) =	ssettag s2;
	_ =	strace s9  }
0x27: {  	s1 =	sld [smem:$0x3FA7]  }
0x28: {  	s2 =	sld [smem:$0x3FA8]  }
0x29: {  	s4 =	sld [smem:$0x3FAA]  }
0x2a: {  	p0 =	seq.s32 s5, $0x0;
	s5 =	sld [smem:$0x3FAB]  }
0x2b: {  	s6 =	sld [smem:$0x3FAC]  }
0x2c: {  	s7 =	sld [smem:$0x3FAD]  }
0x2d: {  	s3 =	simm.s32 $0x108;
	s8 =	sld [smem:$0x3FAE]  }
0x2e: {  	s3 =	simm.s32 @!p0 $0x1082;
	s9 =	sld [smem:$0x3FAF]  }
0x2f: {  	lr =	sadd.s32 s0, s3;
	s0 =	sld [smem:$0x3FA6]  }
0x30: {  	s3 =	sld [smem:$0x3FA9]  }
0x31: {  	[smem:$0x3FB2] =	sst s10  }
0x32: {  	s10 =	sld [smem:$0x3FB0];
	_ =	sdelay $0x3  }
0x33: {  	p0 =	seq.s32 s10, $0x1;
	s10 =	sld [smem:$0x3FB2];
	_ =	sdelay $0x3  }
0x34: {  	[smem:$0x3FB2] =	sst s10  }
0x35: {  	s10 =	sld [smem:$0x3FB1];
	_ =	sdelay $0x3  }
0x36: {  	p1 =	seq.s32 s10, $0x1;
	s10 =	sld [smem:$0x3FB2];
	_ =	sdelay $0x3  }
0x37: {  	[smem:$0x3FB2] =	sst s10  }
0x38: {  	s10 =	sld [smem:$0x3FB3]  }
0x39: {  	_ = 	snop;
	(pc) =	sbr.ind lr, $3  }
0x3a: {  	_ = 	snop  }
0x3b: {  	_ = 	snop  }
0x3c: {  	p2 =	seq.s32 s10, $0x1;
	s10 =	sld [smem:$0x3FB2]  }
0x3d: {  	_ =	shalt  }
0x3e: {  	_ =	shalt  }
0x3f: {  	_ =	shalt  }
0x40: {  	_ =	shalt  }
0x41: {  	_ =	shalt  }
0x42: {  	_ =	shalt  }
0x43: {  	_ =	shalt  }
0x44: {  	_ =	shalt  }
0x45: {  	_ =	shalt  }
0x46: {  	_ =	shalt  }
0x47: {  	_ =	shalt  }
0x48: {  	_ =	shalt  }
0x49: {  	_ =	shalt  }
0x4a: {  	_ =	shalt  }
0x4b: {  	_ =	shalt  }
0x4c: {  	_ =	shalt  }
0x4d: {  	_ =	shalt  }
0x4e: {  	_ =	shalt  }
0x4f: {  	_ =	shalt  }
0x50: {  	_ =	shalt  }
0x51: {  	_ =	shalt  }
0x52: {  	_ =	shalt  }
0x53: {  	_ =	shalt  }
0x54: {  	_ =	shalt  }
0x55: {  	_ =	shalt  }
0x56: {  	_ =	shalt  }
0x57: {  	_ =	shalt  }
0x58: {  	_ =	shalt  }
0x59: {  	_ =	shalt  }
0x5a: {  	_ =	shalt  }
0x5b: {  	_ =	shalt  }
0x5c: {  	_ =	shalt  }
0x5d: {  	_ =	shalt  }
0x5e: {  	_ =	shalt  }
0x5f: {  	_ =	shalt  }
0x60: {  	_ =	shalt  }
0x61: {  	_ =	shalt  }
0x62: {  	_ =	shalt  }
0x63: {  	_ =	shalt  }
0x64: {  	_ =	shalt  }
0x65: {  	_ =	shalt  }
0x66: {  	_ =	shalt  }
0x67: {  	_ =	shalt  }
0x68: {  	_ =	shalt  }
0x69: {  	_ =	shalt  }
0x6a: {  	_ =	shalt  }
0x6b: {  	_ =	shalt  }
0x6c: {  	_ =	shalt  }
0x6d: {  	_ =	shalt  }
0x6e: {  	_ =	shalt  }
0x6f: {  	_ =	shalt  }
0x70: {  	_ =	shalt  }
0x71: {  	_ =	shalt  }
0x72: {  	_ =	shalt  }
0x73: {  	_ =	shalt  }
0x74: {  	_ =	shalt  }
0x75: {  	_ =	shalt  }
0x76: {  	_ =	shalt  }
0x77: {  	_ =	shalt  }
0x78: {  	_ =	shalt  }
0x79: {  	_ =	shalt  }
0x7a: {  	_ =	shalt  }
0x7b: {  	_ =	shalt  }
0x7c: {  	_ =	shalt  }
0x7d: {  	_ =	shalt  }
0x7e: {  	_ =	shalt  }
0x7f: {  	_ =	shalt  }
0x80: {  	_ =	shalt  }
0x81: {  	_ =	shalt  }
0x82: {  	_ =	shalt  }
0x83: {  	_ =	shalt  }
0x84: {  	_ =	shalt  }
0x85: {  	_ =	shalt  }
0x86: {  	_ =	shalt  }
0x87: {  	_ =	shalt  }
.Lfunc_end0:
.L_simem_size_0:
called_computation_lowered:
.L_overlay_start_0:
0x88: {  	s2 =	sld [smem:$0x3FD9]  }
0x89: {  	s3 =	sld [smem:$0x3FFE];
	_ =	sdelay $0x1  }
0x8a: {  	s1 =	srdreg.scid  }
0x8b: {  	s0 =	sand.u32 $0x1, s1  }
0x8c: {  	s17 =	sshll.u32 s0, $0xA;
	s2 =	sadd.s32 s3, s2  }
0x8d: {  	s2 =	sadd.s32 s2, s17  }
0x8e: {  	[smem:$0x3FBE] =	sst s2  }
0x8f: {  	_ = 	snop  }
0x90: {  	s2 =	sld [smem:$0x3FC9]  }
0x91: {  	s18 =	sld [smem:$0x3FC8]  }
0x92: {  	s4 =	sld [smem:$0x3FC5]  }
0x93: {  	s5 =	sld [smem:$0x3FC4];
	(tm) =	ssettm $0x1  }
0x94: {  	s6 =	sld [smem:$0x3FFB];
	_ =	sdelay $0x3  }
0x95: {  	_ =	strace s6  }
0x96: {  	s6 =	sld [smem:$0x3FFC];
	_ =	sdelay $0x3  }
0x97: {  	_ =	strace s6  }
0x98: {  	s6 =	sld [smem:$0x3FFD];
	_ =	sdelay $0x3  }
0x99: {  	_ =	strace s6  }
0x9a: {  	_ =	strace $0x8FFFFFFF  }
0x9b: {  	s19 =	sld [smem:$0x3FDB];
	_ =	sdelay $0x1  }
0x9c: {  	s7 =	simm.s32 $_scs_section_size  }
0x9d: {  	s8 =	simm.s32 $_size__tile_overlayer_lowered;
	s9 =	simm.s32 $_tile_overlayer_lowered  }
0x9e: {  	s22 =	simm.s32 $0x1BFF;
	s21 =	sshll.u32 s9, $0x1;
	s6 =	sadd.s32 s7, s19  }
0x9f: {  	s10 =	simm.s32 $0x0;
	s20 =	sshll.u32 s8, $0x1;
	s8 =	sadd.s32 s21, s6  }
0xa0: {  	[timem:s10], [sflag:s22] =	dma.local [hbm:s8], s20  }
0xa1: {  	_ =	swait.ge [sflag:s22], s20  }
0xa2: {  	s7 =	ssub.s32 $0x0, s20;
	[sflag:s22] =	ssyncset.done $0x0  }
0xa3: {  	[sflag:s22] =	ssyncadd.s32 s7;
	_ =	sdelay $0x1  }
0xa4: {  	s23 =	simm.s32 $0x1B8B  }
0xa5: {  	_ =	swait.ge [sflag:s23], $0x1  }
0xa6: {  	[sflag:s23] =	ssyncset.done $0x0  }
0xa7: {  	s25 =	simm.s32 $0x1B8E;
	s24 =	sld [smem:$0x3FFE];
	[sflag:s23] =	ssyncadd.s32 $0xFFFFFFFF  }
0xa8: {  	s26 =	simm.s32 $execute0_lowered;
	[smem:$0x3FD2] =	sst s25  }
0xa9: {  	s8 =	sshll.u32 s26, $0x1;
	_ =	strace $0x80000046;
	[dreg:$0x1] =	wrdreg $0xFFFFFFFF  }
0xaa: {  	s28 =	simm.s32 $_size_execute0_lowered;
	s6 =	sadd.s32 s6, s8;
	[dreg:$0x0] =	wrdreg $0x0  }
0xab: {  	s8 =	sshll.u32 s28, $0x1;
	[dreg:$0x2] =	wrdreg s6  }
0xac: {  	[dreg:$0x3] =	wrdreg s8  }
0xad: {  	[dreg:$0x4] =	wrdreg $0xC0  }
0xae: {  	_ =	task [dreg:s10], $0x5FFFF  }
0xaf: {  	[dreg:$0x1] =	wrdreg $0xFFFFFFFF  }
0xb0: {  	[dreg:$0x0] =	wrdreg $0x60  }
0xb1: {  	[dreg:$0x2] =	wrdreg s2  }
0xb2: {  	[dreg:$0x3] =	wrdreg s18  }
0xb3: {  	[dreg:$0x4] =	wrdreg s4  }
0xb4: {  	[dreg:$0x5] =	wrdreg s5  }
0xb5: {  	[dreg:$0x6] =	wrdreg s24  }
0xb6: {  	[dreg:$0x7] =	wrdreg $0x9  }
0xb7: {  	_ =	task.clear_ibuf [dreg:s10], $0x8FFFF;
	_ =	strace $0x90000046  }
0xb8: {  	s29 =	simm.s32 $0x9;
	_ =	strace $0x80000048  }
0xb9: {  	_ =	swait.ge [sflag:s29], $0x1  }
0xba: {  	[sflag:s29] =	ssyncadd.s32 $0xFFFFFFFF  }
0xbb: {  	_ =	strace $0x90000048  }
0xbc: {  	_ =	sfence  }
0xbd: {  	s30 =	sld [smem:$0x0];
	_ =	sdelay $0x2  }
0xbe: {  	s31 =	sshll.u32 s1, $0xD;
	s1 =	sshrl.u32 s1, $0x2  }
0xbf: {  	s3 =	sand.u32 $0x4000, s31;
	s1 =	sadd.s32 s1, s30  }
0xc0: {  	s0 =	sor.u32 s3, s0;
	s1 =	sshll.u32 s1, $0x11  }
0xc1: {  	s0 =	sor.u32 s1, s0  }
0xc2: {  	s0 =	sadd.s32 $0x8F2B, s0  }
0xc3: {  	[sflag:s0] =	ssyncadd.remote.s32 $0x1  }
0xc4: {  	_ =	sfence.sel $0xFFFF  }
0xc5: {  	[dreg:$0x0] =	wrdreg $0xFFFFFFFF;
	(pc) =	sbr.abs _section_cstart, $3  }
0xc6: {  	[dreg:$0x1] =	wrdreg $0xFFFFFFFF  }
0xc7: {  	_ =	task.clear_ibuf [dreg:s10], $0x2FFFF;
	_ =	strace $0x9FFFFFFF  }
0xc8: {  	(tm) =	ssettm $0x7FFFFFFF  }
0xc9: {  	_ =	shalt  }
tec
execute0_lowered:
.L_overlay_start_1:
0x0: {  	(tag) =	ssettag $0x1  }
0x1: {  	s0 =	rddreg [dreg:$0x0]  }
0x2: {  	s2 =	rddreg [dreg:$0x1];
	s4 =	srdreg.scid  }
0x3: {  	s1 =	rddreg [dreg:$0x2];
	s7 =	stileid.u32;
	s5 =	sand.u32 $0x1, s4  }
0x4: {  	s3 =	rddreg [dreg:$0x3];
	s7 =	sshll.u32 s7, $0xA;
	s8 =	sshll.u32 s5, $0x9  }
0x5: {  	s6 =	rddreg [dreg:$0x4];
	s4 =	simm.s32 $0x0;
	s7 =	sor.u32 s8, s7  }
0x6: {  	[smem:$0x7FF] =	sst s4;
	s8 =	sshrl.u32 s7, $0x3  }
0x7: {  	s9 =	sadd.s32 $0x1C00, s6;
	_ =	strace $0x80000047;
	s0 =	sadd.s32 s0, s8  }
0x8: {  	s29 =	sshll.u32 s7, $0x5;
	s28 =	sadd.s32 s2, s8;
	[dreg:$0x6] =	wrdreg s0  }
0x9: {  	s6 =	sadd.s32 $0x81C00, s6;
	s30 =	sadd.s32 s9, s29;
	[dreg:$0x7] =	wrdreg s28  }
0xa: {  	s31 =	sadd.s32 s6, s29;
	s7 =	sor.u32 $0x800, s29;
	[dreg:$0x8] =	wrdreg s30  }
0xb: {  	[dreg:$0x9] =	wrdreg s31;
	s8 =	sadd.s32 s9, s7  }
0xc: {  	s11 =	sor.u32 $0x1000, s29;
	s10 =	sadd.s32 s6, s7;
	[dreg:$0xa] =	wrdreg s8  }
0xd: {  	s5 =	ssub.s32 $0x2, s5;
	s12 =	sadd.s32 s9, s11;
	[dreg:$0xb] =	wrdreg s10  }
0xe: {  	s14 =	sor.u32 $0x1800, s29;
	s13 =	sadd.s32 s6, s11;
	[dreg:$0xc] =	wrdreg s12  }
0xf: {  	s17 =	sor.u32 $0x2000, s29;
	s15 =	sadd.s32 s9, s14;
	[dreg:$0xd] =	wrdreg s13  }
0x10: {  	s20 =	sor.u32 $0x2800, s29;
	s16 =	sadd.s32 s6, s14;
	[dreg:$0xe] =	wrdreg s15  }
0x11: {  	s23 =	sor.u32 $0x3000, s29;
	s18 =	sadd.s32 s9, s17;
	[dreg:$0xf] =	wrdreg s16  }
0x12: {  	s2 =	sor.u32 $0x3800, s29;
	s19 =	sadd.s32 s6, s17;
	[dreg:$0x10] =	wrdreg s18  }
0x13: {  	s21 =	sadd.s32 s9, s20;
	s22 =	sadd.s32 s6, s20;
	[dreg:$0x11] =	wrdreg s19  }
0x14: {  	s24 =	sadd.s32 s9, s23;
	s25 =	sadd.s32 s6, s23;
	[dreg:$0x12] =	wrdreg s21  }
0x15: {  	s26 =	sadd.s32 s9, s2;
	s28 =	sshrl.u32 s5, $0x1;
	[dreg:$0x13] =	wrdreg s22  }
0x16: {  	s29 =	sadd.s32 s6, s2;
	s31 =	simm.s32 $0x200;
	[dreg:$0x14] =	wrdreg s24  }
0x17: {  	s6 =	simm.s32 $0x5;
	s23 =	simm.s32 $0x4400;
	[dreg:$0x15] =	wrdreg s25  }
0x18: {  	s2 =	simm.s32 $0xC400;
	s14 =	simm.s32 $0x1;
	[dreg:$0x16] =	wrdreg s26  }
0x19: {  	v2 =	vlaneseq.u32;
	s17 =	simm.s32 $0x2;
	s30 =	ssub.s32 s5, s28;
	[dreg:$0x17] =	wrdreg s29  }
0x1a: {  	vm0 =	vmmov $0xffff;
	v1 =	vshrl.u32 v2, $0x3;
	[dreg:$0x18] =	wrdreg s31;
	s8 =	simm.s32 $0x400;
	s15 =	simm.s32 $0x8400  }
0x1b: {  	v0 =	vand.u32 $0x7, v2;
	v2 =	vor.u32 $0x8, v2;
	v1 =	vmul.u32 $0x8, v1;
	s16 =	simm.s32 $0x3;
	s18 =	simm.s32 $0x4;
	s5 =	smax.u32 s30, $0x1  }
.LBB2_1:
0x1c: {  	s19 =	rddreg [dreg:$0x6]  }
0x1d: {  	[tilespmem:s4], [sflag:$0x5] =	stream.linear.gather [hbm4b:s19+s4], $0x200, $0x38;
	[tilespmem:$0x10400] =	vst v63  }
0x1e: {  	_ =	swait.ge [sflag:s6], $0x200  }
0x1f: {  	s13 =	rddreg [dreg:$0x7];
	[sflag:s6] =	ssyncset.done $0x0  }
0x20: {  	s20 =	rddreg [dreg:$0x18];
	[sflag:s6] =	ssyncadd.s32 $0xFFFFFE00  }
0x21: {  	[tilespmem:s20], [sflag:$0x5] =	stream.linear.gather [hbm4b:s13+s4], $0x200, $0x38;
	[tilespmem:$0x10400] =	vst v63  }
0x22: {  	_ =	swait.ge [sflag:s6], $0x200  }
0x23: {  	[sflag:s6] =	ssyncset.done $0x0  }
0x24: {  	[sflag:s6] =	ssyncadd.s32 $0xFFFFFE00  }
0x25: {  	v3 =	vld [tilespmem:$0x0];
	_ =	sdelay $0x4  }
0x26: {  	v4 =	vshll.u32 v3, $0x1  }
0x27: {  	v3 =	vand.u32 $0x7, v3;
	v4 =	vand.u32 $0xFFFFFFF0, v4  }
0x28: {  	v3 =	vor.u32 v3, v4  }
0x29: {  	v4 =	vperm.xlane v3, v0;
	_ =	sdelay $0x1  }
0x2a: {  	v3 =	vperm.xlane v3, v2;
	v4 =	vadd.s32 v1, v4;
	_ =	sdelay $0x1  }
0x2b: {  	v3 =	vadd.s32 v1, v3;
	_ =	sdelay $0x2  }
0x2c: {  	[tilespmem:s8], [sflag:$0x1] =	stream.indirect_vreg.gather [hbm4b:s1+s4], $0x80, v4, vm0, $0xb8;
	[tilespmem:$0x10400] =	vst v63  }
0x2d: {  	s0 =	simm.s32 $0xC00  }
0x2e: {  	[tilespmem:s0], [sflag:$0x1] =	stream.indirect_vreg.gather [hbm4b:s1+s4], $0x80, v3, vm0, $0xb8;
	[tilespmem:$0x10400] =	vst v63  }
0x2f: {  	v3 =	vld [tilespmem:$0x10];
	_ =	sdelay $0x4  }
0x30: {  	v57 =	vshll.u32 v3, $0x1  }
0x31: {  	v3 =	vand.u32 $0x7, v3;
	v4 =	vand.u32 $0xFFFFFFF0, v57  }
0x32: {  	v3 =	vor.u32 v3, v4  }
0x33: {  	v4 =	vperm.xlane v3, v0;
	_ =	sdelay $0x1  }
0x34: {  	v3 =	vperm.xlane v3, v2;
	v4 =	vadd.s32 v1, v4;
	_ =	sdelay $0x1  }
0x35: {  	v3 =	vadd.s32 v1, v3;
	_ =	sdelay $0x1  }
0x36: {  	s20 =	simm.s32 $0x1400  }
0x37: {  	[tilespmem:s20], [sflag:$0x1] =	stream.indirect_vreg.gather [hbm4b:s1+s4], $0x80, v4, vm0, $0xb8;
	[tilespmem:$0x10400] =	vst v63  }
0x38: {  	s21 =	simm.s32 $0x1C00  }
0x39: {  	[tilespmem:s21], [sflag:$0x1] =	stream.indirect_vreg.gather [hbm4b:s1+s4], $0x80, v3, vm0, $0xb8;
	[tilespmem:$0x10400] =	vst v63  }
0x3a: {  	v3 =	vld [tilespmem:$0x20];
	_ =	sdelay $0x4  }
0x3b: {  	v58 =	vshll.u32 v3, $0x1  }
0x3c: {  	v3 =	vand.u32 $0x7, v3;
	v4 =	vand.u32 $0xFFFFFFF0, v58  }
0x3d: {  	v3 =	vor.u32 v3, v4  }
0x3e: {  	v4 =	vperm.xlane v3, v0;
	_ =	sdelay $0x1  }
0x3f: {  	v3 =	vperm.xlane v3, v2;
	v4 =	vadd.s32 v1, v4;
	_ =	sdelay $0x1  }
0x40: {  	v3 =	vadd.s32 v1, v3;
	_ =	sdelay $0x1  }
0x41: {  	s22 =	simm.s32 $0x2400  }
0x42: {  	[tilespmem:s22], [sflag:$0x1] =	stream.indirect_vreg.gather [hbm4b:s1+s4], $0x80, v4, vm0, $0xb8;
	[tilespmem:$0x10400] =	vst v63  }
0x43: {  	s24 =	simm.s32 $0x2C00  }
0x44: {  	[tilespmem:s24], [sflag:$0x1] =	stream.indirect_vreg.gather [hbm4b:s1+s4], $0x80, v3, vm0, $0xb8;
	[tilespmem:$0x10400] =	vst v63  }
0x45: {  	v3 =	vld [tilespmem:$0x30];
	_ =	sdelay $0x4  }
0x46: {  	v59 =	vshll.u32 v3, $0x1  }
0x47: {  	v3 =	vand.u32 $0x7, v3;
	v4 =	vand.u32 $0xFFFFFFF0, v59  }
0x48: {  	v3 =	vor.u32 v3, v4  }
0x49: {  	v4 =	vperm.xlane v3, v0;
	_ =	sdelay $0x1  }
0x4a: {  	v3 =	vperm.xlane v3, v2;
	v4 =	vadd.s32 v1, v4;
	_ =	sdelay $0x1  }
0x4b: {  	v3 =	vadd.s32 v1, v3;
	_ =	sdelay $0x1  }
0x4c: {  	s25 =	simm.s32 $0x3400  }
0x4d: {  	[tilespmem:s25], [sflag:$0x1] =	stream.indirect_vreg.gather [hbm4b:s1+s4], $0x80, v4, vm0, $0xb8;
	[tilespmem:$0x10400] =	vst v63  }
0x4e: {  	s28 =	simm.s32 $0x3C00  }
0x4f: {  	[tilespmem:s28], [sflag:$0x1] =	stream.indirect_vreg.gather [hbm4b:s1+s4], $0x80, v3, vm0, $0xb8;
	[tilespmem:$0x10400] =	vst v63  }
0x50: {  	v3 =	vld [tilespmem:$0x200];
	_ =	sdelay $0x4  }
0x51: {  	v60 =	vshll.u32 v3, $0x1  }
0x52: {  	v3 =	vand.u32 $0x7, v3;
	v4 =	vand.u32 $0xFFFFFFF0, v60  }
0x53: {  	v3 =	vor.u32 v3, v4  }
0x54: {  	v4 =	vperm.xlane v3, v0;
	_ =	sdelay $0x1  }
0x55: {  	v3 =	vperm.xlane v3, v2;
	v4 =	vadd.s32 v1, v4;
	_ =	sdelay $0x1  }
0x56: {  	v3 =	vadd.s32 v1, v3;
	_ =	sdelay $0x2  }
0x57: {  	[tilespmem:s15], [sflag:$0x3] =	stream.indirect_vreg.gather [hbm4b:s3+s4], $0x80, v4, vm0, $0xb8;
	[tilespmem:$0x10400] =	vst v63  }
0x58: {  	s30 =	simm.s32 $0x8C00  }
0x59: {  	[tilespmem:s30], [sflag:$0x3] =	stream.indirect_vreg.gather [hbm4b:s3+s4], $0x80, v3, vm0, $0xb8;
	[tilespmem:$0x10400] =	vst v63  }
0x5a: {  	v3 =	vld [tilespmem:$0x210];
	_ =	sdelay $0x4  }
0x5b: {  	v61 =	vshll.u32 v3, $0x1  }
0x5c: {  	v3 =	vand.u32 $0x7, v3;
	v4 =	vand.u32 $0xFFFFFFF0, v61  }
0x5d: {  	v3 =	vor.u32 v3, v4  }
0x5e: {  	v4 =	vperm.xlane v3, v0;
	_ =	sdelay $0x1  }
0x5f: {  	v3 =	vperm.xlane v3, v2;
	v4 =	vadd.s32 v1, v4;
	_ =	sdelay $0x1  }
0x60: {  	v3 =	vadd.s32 v1, v3;
	_ =	sdelay $0x1  }
0x61: {  	s9 =	simm.s32 $0x9400  }
0x62: {  	[tilespmem:s9], [sflag:$0x3] =	stream.indirect_vreg.gather [hbm4b:s3+s4], $0x80, v4, vm0, $0xb8;
	[tilespmem:$0x10400] =	vst v63  }
0x63: {  	s10 =	simm.s32 $0x9C00  }
0x64: {  	[tilespmem:s10], [sflag:$0x3] =	stream.indirect_vreg.gather [hbm4b:s3+s4], $0x80, v3, vm0, $0xb8;
	[tilespmem:$0x10400] =	vst v63  }
0x65: {  	v3 =	vld [tilespmem:$0x220];
	_ =	sdelay $0x4  }
0x66: {  	v62 =	vshll.u32 v3, $0x1  }
0x67: {  	v3 =	vand.u32 $0x7, v3;
	v4 =	vand.u32 $0xFFFFFFF0, v62  }
0x68: {  	v3 =	vor.u32 v3, v4  }
0x69: {  	v4 =	vperm.xlane v3, v0;
	_ =	sdelay $0x1  }
0x6a: {  	v3 =	vperm.xlane v3, v2;
	v4 =	vadd.s32 v1, v4;
	_ =	sdelay $0x1  }
0x6b: {  	v3 =	vadd.s32 v1, v3;
	_ =	sdelay $0x1  }
0x6c: {  	s11 =	simm.s32 $0xA400  }
0x6d: {  	[tilespmem:s11], [sflag:$0x3] =	stream.indirect_vreg.gather [hbm4b:s3+s4], $0x80, v4, vm0, $0xb8;
	[tilespmem:$0x10400] =	vst v63  }
0x6e: {  	s12 =	simm.s32 $0xAC00  }
0x6f: {  	[tilespmem:s12], [sflag:$0x3] =	stream.indirect_vreg.gather [hbm4b:s3+s4], $0x80, v3, vm0, $0xb8;
	[tilespmem:$0x10400] =	vst v63  }
0x70: {  	v3 =	vld [tilespmem:$0x230];
	_ =	sdelay $0x4  }
0x71: {  	v63 =	vshll.u32 v3, $0x1  }
0x72: {  	v3 =	vand.u32 $0x7, v3;
	v4 =	vand.u32 $0xFFFFFFF0, v63  }
0x73: {  	v3 =	vor.u32 v3, v4  }
0x74: {  	v4 =	vperm.xlane v3, v0;
	_ =	sdelay $0x1  }
0x75: {  	v3 =	vperm.xlane v3, v2;
	v4 =	vadd.s32 v1, v4;
	_ =	sdelay $0x1  }
0x76: {  	v3 =	vadd.s32 v1, v3;
	_ =	sdelay $0x1  }
0x77: {  	s13 =	simm.s32 $0xB400  }
0x78: {  	[tilespmem:s13], [sflag:$0x3] =	stream.indirect_vreg.gather [hbm4b:s3+s4], $0x80, v4, vm0, $0xb8;
	[tilespmem:$0x10400] =	vst v63  }
0x79: {  	s19 =	simm.s32 $0xBC00  }
0x7a: {  	[tilespmem:s19], [sflag:$0x3] =	stream.indirect_vreg.gather [hbm4b:s3+s4], $0x80, v3, vm0, $0xb8;
	[tilespmem:$0x10400] =	vst v63  }
0x7b: {  	v3 =	vld [tilespmem:$0x40];
	_ =	sdelay $0x4  }
0x7c: {  	v8 =	vshll.u32 v3, $0x1  }
0x7d: {  	v3 =	vand.u32 $0x7, v3;
	v4 =	vand.u32 $0xFFFFFFF0, v8  }
0x7e: {  	v3 =	vor.u32 v3, v4  }
0x7f: {  	v4 =	vperm.xlane v3, v0;
	_ =	sdelay $0x1  }
0x80: {  	v3 =	vperm.xlane v3, v2;
	v4 =	vadd.s32 v1, v4;
	_ =	sdelay $0x1  }
0x81: {  	v3 =	vadd.s32 v1, v3;
	_ =	sdelay $0x2  }
0x82: {  	[tilespmem:s23], [sflag:$0x2] =	stream.indirect_vreg.gather [hbm4b:s1+s4], $0x80, v4, vm0, $0xb8;
	[tilespmem:$0x10400] =	vst v63  }
0x83: {  	s20 =	simm.s32 $0x4C00  }
0x84: {  	[tilespmem:s20], [sflag:$0x2] =	stream.indirect_vreg.gather [hbm4b:s1+s4], $0x80, v3, vm0, $0xb8;
	[tilespmem:$0x10400] =	vst v63  }
0x85: {  	v3 =	vld [tilespmem:$0x50];
	_ =	sdelay $0x4  }
0x86: {  	v9 =	vshll.u32 v3, $0x1  }
0x87: {  	v3 =	vand.u32 $0x7, v3;
	v4 =	vand.u32 $0xFFFFFFF0, v9  }
0x88: {  	v3 =	vor.u32 v3, v4  }
0x89: {  	v4 =	vperm.xlane v3, v0;
	_ =	sdelay $0x1  }
0x8a: {  	v3 =	vperm.xlane v3, v2;
	v4 =	vadd.s32 v1, v4;
	_ =	sdelay $0x1  }
0x8b: {  	v3 =	vadd.s32 v1, v3;
	_ =	sdelay $0x1  }
0x8c: {  	s21 =	simm.s32 $0x5400  }
0x8d: {  	[tilespmem:s21], [sflag:$0x2] =	stream.indirect_vreg.gather [hbm4b:s1+s4], $0x80, v4, vm0, $0xb8;
	[tilespmem:$0x10400] =	vst v63  }
0x8e: {  	s22 =	simm.s32 $0x5C00  }
0x8f: {  	[tilespmem:s22], [sflag:$0x2] =	stream.indirect_vreg.gather [hbm4b:s1+s4], $0x80, v3, vm0, $0xb8;
	[tilespmem:$0x10400] =	vst v63  }
0x90: {  	v3 =	vld [tilespmem:$0x60];
	_ =	sdelay $0x4  }
0x91: {  	v10 =	vshll.u32 v3, $0x1  }
0x92: {  	v3 =	vand.u32 $0x7, v3;
	v4 =	vand.u32 $0xFFFFFFF0, v10  }
0x93: {  	v3 =	vor.u32 v3, v4  }
0x94: {  	v4 =	vperm.xlane v3, v0;
	_ =	sdelay $0x1  }
0x95: {  	v3 =	vperm.xlane v3, v2;
	v4 =	vadd.s32 v1, v4;
	_ =	sdelay $0x1  }
0x96: {  	v3 =	vadd.s32 v1, v3;
	_ =	sdelay $0x1  }
0x97: {  	s24 =	simm.s32 $0x6400  }
0x98: {  	[tilespmem:s24], [sflag:$0x2] =	stream.indirect_vreg.gather [hbm4b:s1+s4], $0x80, v4, vm0, $0xb8;
	[tilespmem:$0x10400] =	vst v63  }
0x99: {  	s0 =	simm.s32 $0x6C00  }
0x9a: {  	[tilespmem:s0], [sflag:$0x2] =	stream.indirect_vreg.gather [hbm4b:s1+s4], $0x80, v3, vm0, $0xb8;
	[tilespmem:$0x10400] =	vst v63  }
0x9b: {  	v3 =	vld [tilespmem:$0x70];
	_ =	sdelay $0x4  }
0x9c: {  	v11 =	vshll.u32 v3, $0x1  }
0x9d: {  	v3 =	vand.u32 $0x7, v3;
	v4 =	vand.u32 $0xFFFFFFF0, v11  }
0x9e: {  	v3 =	vor.u32 v3, v4  }
0x9f: {  	v4 =	vperm.xlane v3, v0;
	_ =	sdelay $0x1  }
0xa0: {  	v3 =	vperm.xlane v3, v2;
	v4 =	vadd.s32 v1, v4;
	_ =	sdelay $0x1  }
0xa1: {  	v3 =	vadd.s32 v1, v3;
	_ =	sdelay $0x1  }
0xa2: {  	s9 =	simm.s32 $0x7400  }
0xa3: {  	[tilespmem:s9], [sflag:$0x2] =	stream.indirect_vreg.gather [hbm4b:s1+s4], $0x80, v4, vm0, $0xb8;
	[tilespmem:$0x10400] =	vst v63  }
0xa4: {  	s10 =	simm.s32 $0x7C00  }
0xa5: {  	[tilespmem:s10], [sflag:$0x2] =	stream.indirect_vreg.gather [hbm4b:s1+s4], $0x80, v3, vm0, $0xb8;
	[tilespmem:$0x10400] =	vst v63  }
0xa6: {  	v3 =	vld [tilespmem:$0x240];
	_ =	sdelay $0x4  }
0xa7: {  	v12 =	vshll.u32 v3, $0x1  }
0xa8: {  	v3 =	vand.u32 $0x7, v3;
	v4 =	vand.u32 $0xFFFFFFF0, v12  }
0xa9: {  	v3 =	vor.u32 v3, v4  }
0xaa: {  	v4 =	vperm.xlane v3, v0;
	_ =	sdelay $0x1  }
0xab: {  	v3 =	vperm.xlane v3, v2;
	v4 =	vadd.s32 v1, v4;
	_ =	sdelay $0x1  }
0xac: {  	v3 =	vadd.s32 v1, v3;
	_ =	sdelay $0x2  }
0xad: {  	[tilespmem:s2], [sflag:$0x4] =	stream.indirect_vreg.gather [hbm4b:s3+s4], $0x80, v4, vm0, $0xb8;
	[tilespmem:$0x10400] =	vst v63  }
0xae: {  	s11 =	simm.s32 $0xCC00  }
0xaf: {  	[tilespmem:s11], [sflag:$0x4] =	stream.indirect_vreg.gather [hbm4b:s3+s4], $0x80, v3, vm0, $0xb8;
	[tilespmem:$0x10400] =	vst v63  }
0xb0: {  	v3 =	vld [tilespmem:$0x250];
	_ =	sdelay $0x4  }
0xb1: {  	v13 =	vshll.u32 v3, $0x1  }
0xb2: {  	v3 =	vand.u32 $0x7, v3;
	v4 =	vand.u32 $0xFFFFFFF0, v13  }
0xb3: {  	v3 =	vor.u32 v3, v4  }
0xb4: {  	v4 =	vperm.xlane v3, v0;
	_ =	sdelay $0x1  }
0xb5: {  	v3 =	vperm.xlane v3, v2;
	v4 =	vadd.s32 v1, v4;
	_ =	sdelay $0x1  }
0xb6: {  	v3 =	vadd.s32 v1, v3;
	_ =	sdelay $0x1  }
0xb7: {  	s12 =	simm.s32 $0xD400  }
0xb8: {  	[tilespmem:s12], [sflag:$0x4] =	stream.indirect_vreg.gather [hbm4b:s3+s4], $0x80, v4, vm0, $0xb8;
	[tilespmem:$0x10400] =	vst v63  }
0xb9: {  	s13 =	simm.s32 $0xDC00  }
0xba: {  	[tilespmem:s13], [sflag:$0x4] =	stream.indirect_vreg.gather [hbm4b:s3+s4], $0x80, v3, vm0, $0xb8;
	[tilespmem:$0x10400] =	vst v63  }
0xbb: {  	v3 =	vld [tilespmem:$0x260];
	_ =	sdelay $0x4  }
0xbc: {  	v14 =	vshll.u32 v3, $0x1  }
0xbd: {  	v3 =	vand.u32 $0x7, v3;
	v4 =	vand.u32 $0xFFFFFFF0, v14  }
0xbe: {  	v3 =	vor.u32 v3, v4  }
0xbf: {  	v4 =	vperm.xlane v3, v0;
	_ =	sdelay $0x1  }
0xc0: {  	v3 =	vperm.xlane v3, v2;
	v4 =	vadd.s32 v1, v4;
	_ =	sdelay $0x1  }
0xc1: {  	v3 =	vadd.s32 v1, v3;
	_ =	sdelay $0x1  }
0xc2: {  	s22 =	simm.s32 $0xE400  }
0xc3: {  	[tilespmem:s22], [sflag:$0x4] =	stream.indirect_vreg.gather [hbm4b:s3+s4], $0x80, v4, vm0, $0xb8;
	[tilespmem:$0x10400] =	vst v63  }
0xc4: {  	s24 =	simm.s32 $0xEC00  }
0xc5: {  	[tilespmem:s24], [sflag:$0x4] =	stream.indirect_vreg.gather [hbm4b:s3+s4], $0x80, v3, vm0, $0xb8;
	[tilespmem:$0x10400] =	vst v63  }
0xc6: {  	v3 =	vld [tilespmem:$0x270];
	_ =	sdelay $0x4  }
0xc7: {  	v15 =	vshll.u32 v3, $0x1  }
0xc8: {  	v3 =	vand.u32 $0x7, v3;
	v4 =	vand.u32 $0xFFFFFFF0, v15  }
0xc9: {  	v3 =	vor.u32 v3, v4  }
0xca: {  	v4 =	vperm.xlane v3, v0;
	_ =	sdelay $0x1  }
0xcb: {  	v3 =	vperm.xlane v3, v2;
	v4 =	vadd.s32 v1, v4;
	_ =	sdelay $0x1  }
0xcc: {  	v3 =	vadd.s32 v1, v3;
	_ =	sdelay $0x1  }
0xcd: {  	s0 =	simm.s32 $0xF400  }
0xce: {  	[tilespmem:s0], [sflag:$0x4] =	stream.indirect_vreg.gather [hbm4b:s3+s4], $0x80, v4, vm0, $0xb8;
	[tilespmem:$0x10400] =	vst v63  }
0xcf: {  	s13 =	simm.s32 $0xFC00  }
0xd0: {  	[tilespmem:s13], [sflag:$0x4] =	stream.indirect_vreg.gather [hbm4b:s3+s4], $0x80, v3, vm0, $0xb8;
	[tilespmem:$0x10400] =	vst v63  }
0xd1: {  	_ =	swait.ge [sflag:s14], $0x4000  }
0xd2: {  	[sflag:s14] =	ssyncset.done $0x0  }
0xd3: {  	[sflag:s14] =	ssyncadd.s32 $0xFFFFC000  }
0xd4: {  	_ =	swait.ge [sflag:s16], $0x4000  }
0xd5: {  	[sflag:s16] =	ssyncset.done $0x0  }
0xd6: {  	s22 =	rddreg [dreg:$0x8];
	[sflag:s16] =	ssyncadd.s32 $0xFFFFC000  }
0xd7: {  	[hbm4b:s22+s4] =	stream.linear.scatter [tilespmem:s8], [sflag:$0x5], $0x4000, $0x38;
	[tilespmem:$0x10400] =	vst v63  }
0xd8: {  	_ =	swait.ge [sflag:s6], $0x4000  }
0xd9: {  	[sflag:s6] =	ssyncset.done $0x0  }
0xda: {  	s24 =	rddreg [dreg:$0x9];
	[sflag:s6] =	ssyncadd.s32 $0xFFFFC000  }
0xdb: {  	[hbm4b:s24+s4] =	stream.linear.scatter [tilespmem:s15], [sflag:$0x5], $0x4000, $0x38;
	[tilespmem:$0x10400] =	vst v63  }
0xdc: {  	_ =	swait.ge [sflag:s6], $0x4000  }
0xdd: {  	[sflag:s6] =	ssyncset.done $0x0  }
0xde: {  	[sflag:s6] =	ssyncadd.s32 $0xFFFFC000  }
0xdf: {  	v3 =	vld [tilespmem:$0x80];
	_ =	sdelay $0x4  }
0xe0: {  	v16 =	vshll.u32 v3, $0x1  }
0xe1: {  	v3 =	vand.u32 $0x7, v3;
	v4 =	vand.u32 $0xFFFFFFF0, v16  }
0xe2: {  	v3 =	vor.u32 v3, v4  }
0xe3: {  	v4 =	vperm.xlane v3, v0;
	_ =	sdelay $0x1  }
0xe4: {  	v3 =	vperm.xlane v3, v2;
	v4 =	vadd.s32 v1, v4;
	_ =	sdelay $0x1  }
0xe5: {  	v3 =	vadd.s32 v1, v3;
	_ =	sdelay $0x2  }
0xe6: {  	[tilespmem:s8], [sflag:$0x1] =	stream.indirect_vreg.gather [hbm4b:s1+s4], $0x80, v4, vm0, $0xb8;
	[tilespmem:$0x10400] =	vst v63  }
0xe7: {  	s26 =	simm.s32 $0xC00  }
0xe8: {  	[tilespmem:s26], [sflag:$0x1] =	stream.indirect_vreg.gather [hbm4b:s1+s4], $0x80, v3, vm0, $0xb8;
	[tilespmem:$0x10400] =	vst v63  }
0xe9: {  	v3 =	vld [tilespmem:$0x90];
	_ =	sdelay $0x4  }
0xea: {  	v17 =	vshll.u32 v3, $0x1  }
0xeb: {  	v3 =	vand.u32 $0x7, v3;
	v4 =	vand.u32 $0xFFFFFFF0, v17  }
0xec: {  	v3 =	vor.u32 v3, v4  }
0xed: {  	v4 =	vperm.xlane v3, v0;
	_ =	sdelay $0x1  }
0xee: {  	v3 =	vperm.xlane v3, v2;
	v4 =	vadd.s32 v1, v4;
	_ =	sdelay $0x1  }
0xef: {  	v3 =	vadd.s32 v1, v3;
	_ =	sdelay $0x1  }
0xf0: {  	s7 =	simm.s32 $0x1400  }
0xf1: {  	[tilespmem:s7], [sflag:$0x1] =	stream.indirect_vreg.gather [hbm4b:s1+s4], $0x80, v4, vm0, $0xb8;
	[tilespmem:$0x10400] =	vst v63  }
0xf2: {  	s29 =	simm.s32 $0x1C00  }
0xf3: {  	[tilespmem:s29], [sflag:$0x1] =	stream.indirect_vreg.gather [hbm4b:s1+s4], $0x80, v3, vm0, $0xb8;
	[tilespmem:$0x10400] =	vst v63  }
0xf4: {  	v3 =	vld [tilespmem:$0xA0];
	_ =	sdelay $0x4  }
0xf5: {  	v18 =	vshll.u32 v3, $0x1  }
0xf6: {  	v3 =	vand.u32 $0x7, v3;
	v4 =	vand.u32 $0xFFFFFFF0, v18  }
0xf7: {  	v3 =	vor.u32 v3, v4  }
0xf8: {  	v4 =	vperm.xlane v3, v0;
	_ =	sdelay $0x1  }
0xf9: {  	v3 =	vperm.xlane v3, v2;
	v4 =	vadd.s32 v1, v4;
	_ =	sdelay $0x1  }
0xfa: {  	v3 =	vadd.s32 v1, v3;
	_ =	sdelay $0x1  }
0xfb: {  	s26 =	simm.s32 $0x2400  }
0xfc: {  	[tilespmem:s26], [sflag:$0x1] =	stream.indirect_vreg.gather [hbm4b:s1+s4], $0x80, v4, vm0, $0xb8;
	[tilespmem:$0x10400] =	vst v63  }
0xfd: {  	s31 =	simm.s32 $0x2C00  }
0xfe: {  	[tilespmem:s31], [sflag:$0x1] =	stream.indirect_vreg.gather [hbm4b:s1+s4], $0x80, v3, vm0, $0xb8;
	[tilespmem:$0x10400] =	vst v63  }
0xff: {  	v3 =	vld [tilespmem:$0xB0];
	_ =	sdelay $0x4  }
0x100: {  	v19 =	vshll.u32 v3, $0x1  }
0x101: {  	v3 =	vand.u32 $0x7, v3;
	v4 =	vand.u32 $0xFFFFFFF0, v19  }
0x102: {  	v3 =	vor.u32 v3, v4  }
0x103: {  	v4 =	vperm.xlane v3, v0;
	_ =	sdelay $0x1  }
0x104: {  	v3 =	vperm.xlane v3, v2;
	v4 =	vadd.s32 v1, v4;
	_ =	sdelay $0x1  }
0x105: {  	v3 =	vadd.s32 v1, v3;
	_ =	sdelay $0x1  }
0x106: {  	s29 =	simm.s32 $0x3400  }
0x107: {  	[tilespmem:s29], [sflag:$0x1] =	stream.indirect_vreg.gather [hbm4b:s1+s4], $0x80, v4, vm0, $0xb8;
	[tilespmem:$0x10400] =	vst v63  }
0x108: {  	s24 =	simm.s32 $0x3C00  }
0x109: {  	[tilespmem:s24], [sflag:$0x1] =	stream.indirect_vreg.gather [hbm4b:s1+s4], $0x80, v3, vm0, $0xb8;
	[tilespmem:$0x10400] =	vst v63  }
0x10a: {  	v3 =	vld [tilespmem:$0x280];
	_ =	sdelay $0x4  }
0x10b: {  	v20 =	vshll.u32 v3, $0x1  }
0x10c: {  	v3 =	vand.u32 $0x7, v3;
	v4 =	vand.u32 $0xFFFFFFF0, v20  }
0x10d: {  	v3 =	vor.u32 v3, v4  }
0x10e: {  	v4 =	vperm.xlane v3, v0;
	_ =	sdelay $0x1  }
0x10f: {  	v3 =	vperm.xlane v3, v2;
	v4 =	vadd.s32 v1, v4;
	_ =	sdelay $0x1  }
0x110: {  	v3 =	vadd.s32 v1, v3;
	_ =	sdelay $0x2  }
0x111: {  	[tilespmem:s15], [sflag:$0x3] =	stream.indirect_vreg.gather [hbm4b:s3+s4], $0x80, v4, vm0, $0xb8;
	[tilespmem:$0x10400] =	vst v63  }
0x112: {  	s25 =	simm.s32 $0x8C00  }
0x113: {  	[tilespmem:s25], [sflag:$0x3] =	stream.indirect_vreg.gather [hbm4b:s3+s4], $0x80, v3, vm0, $0xb8;
	[tilespmem:$0x10400] =	vst v63  }
0x114: {  	v3 =	vld [tilespmem:$0x290];
	_ =	sdelay $0x4  }
0x115: {  	v21 =	vshll.u32 v3, $0x1  }
0x116: {  	v3 =	vand.u32 $0x7, v3;
	v4 =	vand.u32 $0xFFFFFFF0, v21  }
0x117: {  	v3 =	vor.u32 v3, v4  }
0x118: {  	v4 =	vperm.xlane v3, v0;
	_ =	sdelay $0x1  }
0x119: {  	v3 =	vperm.xlane v3, v2;
	v4 =	vadd.s32 v1, v4;
	_ =	sdelay $0x1  }
0x11a: {  	v3 =	vadd.s32 v1, v3;
	_ =	sdelay $0x1  }
0x11b: {  	s30 =	simm.s32 $0x9400  }
0x11c: {  	[tilespmem:s30], [sflag:$0x3] =	stream.indirect_vreg.gather [hbm4b:s3+s4], $0x80, v4, vm0, $0xb8;
	[tilespmem:$0x10400] =	vst v63  }
0x11d: {  	s28 =	simm.s32 $0x9C00  }
0x11e: {  	[tilespmem:s28], [sflag:$0x3] =	stream.indirect_vreg.gather [hbm4b:s3+s4], $0x80, v3, vm0, $0xb8;
	[tilespmem:$0x10400] =	vst v63  }
0x11f: {  	v3 =	vld [tilespmem:$0x2A0];
	_ =	sdelay $0x4  }
0x120: {  	v22 =	vshll.u32 v3, $0x1  }
0x121: {  	v3 =	vand.u32 $0x7, v3;
	v4 =	vand.u32 $0xFFFFFFF0, v22  }
0x122: {  	v3 =	vor.u32 v3, v4  }
0x123: {  	v4 =	vperm.xlane v3, v0;
	_ =	sdelay $0x1  }
0x124: {  	v3 =	vperm.xlane v3, v2;
	v4 =	vadd.s32 v1, v4;
	_ =	sdelay $0x1  }
0x125: {  	v3 =	vadd.s32 v1, v3;
	_ =	sdelay $0x1  }
0x126: {  	s30 =	simm.s32 $0xA400  }
0x127: {  	[tilespmem:s30], [sflag:$0x3] =	stream.indirect_vreg.gather [hbm4b:s3+s4], $0x80, v4, vm0, $0xb8;
	[tilespmem:$0x10400] =	vst v63  }
0x128: {  	s25 =	simm.s32 $0xAC00  }
0x129: {  	[tilespmem:s25], [sflag:$0x3] =	stream.indirect_vreg.gather [hbm4b:s3+s4], $0x80, v3, vm0, $0xb8;
	[tilespmem:$0x10400] =	vst v63  }
0x12a: {  	v3 =	vld [tilespmem:$0x2B0];
	_ =	sdelay $0x4  }
0x12b: {  	v23 =	vshll.u32 v3, $0x1  }
0x12c: {  	v3 =	vand.u32 $0x7, v3;
	v4 =	vand.u32 $0xFFFFFFF0, v23  }
0x12d: {  	v3 =	vor.u32 v3, v4  }
0x12e: {  	v4 =	vperm.xlane v3, v0;
	_ =	sdelay $0x1  }
0x12f: {  	v3 =	vperm.xlane v3, v2;
	v4 =	vadd.s32 v1, v4;
	_ =	sdelay $0x1  }
0x130: {  	v3 =	vadd.s32 v1, v3;
	_ =	sdelay $0x1  }
0x131: {  	s31 =	simm.s32 $0xB400  }
0x132: {  	[tilespmem:s31], [sflag:$0x3] =	stream.indirect_vreg.gather [hbm4b:s3+s4], $0x80, v4, vm0, $0xb8;
	[tilespmem:$0x10400] =	vst v63  }
0x133: {  	s28 =	simm.s32 $0xBC00  }
0x134: {  	[tilespmem:s28], [sflag:$0x3] =	stream.indirect_vreg.gather [hbm4b:s3+s4], $0x80, v3, vm0, $0xb8;
	[tilespmem:$0x10400] =	vst v63  }
0x135: {  	_ =	swait.ge [sflag:s17], $0x4000  }
0x136: {  	[sflag:s17] =	ssyncset.done $0x0  }
0x137: {  	[sflag:s17] =	ssyncadd.s32 $0xFFFFC000  }
0x138: {  	_ =	swait.ge [sflag:s18], $0x4000  }
0x139: {  	[sflag:s18] =	ssyncset.done $0x0  }
0x13a: {  	s0 =	rddreg [dreg:$0xa];
	[sflag:s18] =	ssyncadd.s32 $0xFFFFC000  }
0x13b: {  	[hbm4b:s0+s4] =	stream.linear.scatter [tilespmem:s23], [sflag:$0x5], $0x4000, $0x38;
	[tilespmem:$0x10400] =	vst v63  }
0x13c: {  	_ =	swait.ge [sflag:s6], $0x4000  }
0x13d: {  	[sflag:s6] =	ssyncset.done $0x0  }
0x13e: {  	s7 =	rddreg [dreg:$0xb];
	[sflag:s6] =	ssyncadd.s32 $0xFFFFC000  }
0x13f: {  	[hbm4b:s7+s4] =	stream.linear.scatter [tilespmem:s2], [sflag:$0x5], $0x4000, $0x38;
	[tilespmem:$0x10400] =	vst v63  }
0x140: {  	_ =	swait.ge [sflag:s6], $0x4000  }
0x141: {  	[sflag:s6] =	ssyncset.done $0x0  }
0x142: {  	[sflag:s6] =	ssyncadd.s32 $0xFFFFC000  }
0x143: {  	v3 =	vld [tilespmem:$0xC0];
	_ =	sdelay $0x4  }
0x144: {  	v24 =	vshll.u32 v3, $0x1  }
0x145: {  	v3 =	vand.u32 $0x7, v3;
	v4 =	vand.u32 $0xFFFFFFF0, v24  }
0x146: {  	v3 =	vor.u32 v3, v4  }
0x147: {  	v4 =	vperm.xlane v3, v0;
	_ =	sdelay $0x1  }
0x148: {  	v3 =	vperm.xlane v3, v2;
	v4 =	vadd.s32 v1, v4;
	_ =	sdelay $0x1  }
0x149: {  	v3 =	vadd.s32 v1, v3;
	_ =	sdelay $0x2  }
0x14a: {  	[tilespmem:s23], [sflag:$0x2] =	stream.indirect_vreg.gather [hbm4b:s1+s4], $0x80, v4, vm0, $0xb8;
	[tilespmem:$0x10400] =	vst v63  }
0x14b: {  	s7 =	simm.s32 $0x4C00  }
0x14c: {  	[tilespmem:s7], [sflag:$0x2] =	stream.indirect_vreg.gather [hbm4b:s1+s4], $0x80, v3, vm0, $0xb8;
	[tilespmem:$0x10400] =	vst v63  }
0x14d: {  	v3 =	vld [tilespmem:$0xD0];
	_ =	sdelay $0x4  }
0x14e: {  	v25 =	vshll.u32 v3, $0x1  }
0x14f: {  	v3 =	vand.u32 $0x7, v3;
	v4 =	vand.u32 $0xFFFFFFF0, v25  }
0x150: {  	v3 =	vor.u32 v3, v4  }
0x151: {  	v4 =	vperm.xlane v3, v0;
	_ =	sdelay $0x1  }
0x152: {  	v3 =	vperm.xlane v3, v2;
	v4 =	vadd.s32 v1, v4;
	_ =	sdelay $0x1  }
0x153: {  	v3 =	vadd.s32 v1, v3;
	_ =	sdelay $0x1  }
0x154: {  	s0 =	simm.s32 $0x5400  }
0x155: {  	[tilespmem:s0], [sflag:$0x2] =	stream.indirect_vreg.gather [hbm4b:s1+s4], $0x80, v4, vm0, $0xb8;
	[tilespmem:$0x10400] =	vst v63  }
0x156: {  	s20 =	simm.s32 $0x5C00  }
0x157: {  	[tilespmem:s20], [sflag:$0x2] =	stream.indirect_vreg.gather [hbm4b:s1+s4], $0x80, v3, vm0, $0xb8;
	[tilespmem:$0x10400] =	vst v63  }
0x158: {  	v3 =	vld [tilespmem:$0xE0];
	_ =	sdelay $0x4  }
0x159: {  	v26 =	vshll.u32 v3, $0x1  }
0x15a: {  	v3 =	vand.u32 $0x7, v3;
	v4 =	vand.u32 $0xFFFFFFF0, v26  }
0x15b: {  	v3 =	vor.u32 v3, v4  }
0x15c: {  	v4 =	vperm.xlane v3, v0;
	_ =	sdelay $0x1  }
0x15d: {  	v3 =	vperm.xlane v3, v2;
	v4 =	vadd.s32 v1, v4;
	_ =	sdelay $0x1  }
0x15e: {  	v3 =	vadd.s32 v1, v3;
	_ =	sdelay $0x1  }
0x15f: {  	s20 =	simm.s32 $0x6400  }
0x160: {  	[tilespmem:s20], [sflag:$0x2] =	stream.indirect_vreg.gather [hbm4b:s1+s4], $0x80, v4, vm0, $0xb8;
	[tilespmem:$0x10400] =	vst v63  }
0x161: {  	s21 =	simm.s32 $0x6C00  }
0x162: {  	[tilespmem:s21], [sflag:$0x2] =	stream.indirect_vreg.gather [hbm4b:s1+s4], $0x80, v3, vm0, $0xb8;
	[tilespmem:$0x10400] =	vst v63  }
0x163: {  	v3 =	vld [tilespmem:$0xF0];
	_ =	sdelay $0x4  }
0x164: {  	v27 =	vshll.u32 v3, $0x1  }
0x165: {  	v3 =	vand.u32 $0x7, v3;
	v4 =	vand.u32 $0xFFFFFFF0, v27  }
0x166: {  	v3 =	vor.u32 v3, v4  }
0x167: {  	v4 =	vperm.xlane v3, v0;
	_ =	sdelay $0x1  }
0x168: {  	v3 =	vperm.xlane v3, v2;
	v4 =	vadd.s32 v1, v4;
	_ =	sdelay $0x1  }
0x169: {  	v3 =	vadd.s32 v1, v3;
	_ =	sdelay $0x1  }
0x16a: {  	s21 =	simm.s32 $0x7400  }
0x16b: {  	[tilespmem:s21], [sflag:$0x2] =	stream.indirect_vreg.gather [hbm4b:s1+s4], $0x80, v4, vm0, $0xb8;
	[tilespmem:$0x10400] =	vst v63  }
0x16c: {  	s9 =	simm.s32 $0x7C00  }
0x16d: {  	[tilespmem:s9], [sflag:$0x2] =	stream.indirect_vreg.gather [hbm4b:s1+s4], $0x80, v3, vm0, $0xb8;
	[tilespmem:$0x10400] =	vst v63  }
0x16e: {  	v3 =	vld [tilespmem:$0x2C0];
	_ =	sdelay $0x4  }
0x16f: {  	v28 =	vshll.u32 v3, $0x1  }
0x170: {  	v3 =	vand.u32 $0x7, v3;
	v4 =	vand.u32 $0xFFFFFFF0, v28  }
0x171: {  	v3 =	vor.u32 v3, v4  }
0x172: {  	v4 =	vperm.xlane v3, v0;
	_ =	sdelay $0x1  }
0x173: {  	v3 =	vperm.xlane v3, v2;
	v4 =	vadd.s32 v1, v4;
	_ =	sdelay $0x1  }
0x174: {  	v3 =	vadd.s32 v1, v3;
	_ =	sdelay $0x2  }
0x175: {  	[tilespmem:s2], [sflag:$0x4] =	stream.indirect_vreg.gather [hbm4b:s3+s4], $0x80, v4, vm0, $0xb8;
	[tilespmem:$0x10400] =	vst v63  }
0x176: {  	s10 =	simm.s32 $0xCC00  }
0x177: {  	[tilespmem:s10], [sflag:$0x4] =	stream.indirect_vreg.gather [hbm4b:s3+s4], $0x80, v3, vm0, $0xb8;
	[tilespmem:$0x10400] =	vst v63  }
0x178: {  	v3 =	vld [tilespmem:$0x2D0];
	_ =	sdelay $0x4  }
0x179: {  	v29 =	vshll.u32 v3, $0x1  }
0x17a: {  	v3 =	vand.u32 $0x7, v3;
	v4 =	vand.u32 $0xFFFFFFF0, v29  }
0x17b: {  	v3 =	vor.u32 v3, v4  }
0x17c: {  	v4 =	vperm.xlane v3, v0;
	_ =	sdelay $0x1  }
0x17d: {  	v3 =	vperm.xlane v3, v2;
	v4 =	vadd.s32 v1, v4;
	_ =	sdelay $0x1  }
0x17e: {  	v3 =	vadd.s32 v1, v3;
	_ =	sdelay $0x1  }
0x17f: {  	s10 =	simm.s32 $0xD400  }
0x180: {  	[tilespmem:s10], [sflag:$0x4] =	stream.indirect_vreg.gather [hbm4b:s3+s4], $0x80, v4, vm0, $0xb8;
	[tilespmem:$0x10400] =	vst v63  }
0x181: {  	s11 =	simm.s32 $0xDC00  }
0x182: {  	[tilespmem:s11], [sflag:$0x4] =	stream.indirect_vreg.gather [hbm4b:s3+s4], $0x80, v3, vm0, $0xb8;
	[tilespmem:$0x10400] =	vst v63  }
0x183: {  	v3 =	vld [tilespmem:$0x2E0];
	_ =	sdelay $0x4  }
0x184: {  	v30 =	vshll.u32 v3, $0x1  }
0x185: {  	v3 =	vand.u32 $0x7, v3;
	v4 =	vand.u32 $0xFFFFFFF0, v30  }
0x186: {  	v3 =	vor.u32 v3, v4  }
0x187: {  	v4 =	vperm.xlane v3, v0;
	_ =	sdelay $0x1  }
0x188: {  	v3 =	vperm.xlane v3, v2;
	v4 =	vadd.s32 v1, v4;
	_ =	sdelay $0x1  }
0x189: {  	v3 =	vadd.s32 v1, v3;
	_ =	sdelay $0x1  }
0x18a: {  	s11 =	simm.s32 $0xE400  }
0x18b: {  	[tilespmem:s11], [sflag:$0x4] =	stream.indirect_vreg.gather [hbm4b:s3+s4], $0x80, v4, vm0, $0xb8;
	[tilespmem:$0x10400] =	vst v63  }
0x18c: {  	s12 =	simm.s32 $0xEC00  }
0x18d: {  	[tilespmem:s12], [sflag:$0x4] =	stream.indirect_vreg.gather [hbm4b:s3+s4], $0x80, v3, vm0, $0xb8;
	[tilespmem:$0x10400] =	vst v63  }
0x18e: {  	v3 =	vld [tilespmem:$0x2F0];
	_ =	sdelay $0x4  }
0x18f: {  	v31 =	vshll.u32 v3, $0x1  }
0x190: {  	v3 =	vand.u32 $0x7, v3;
	v4 =	vand.u32 $0xFFFFFFF0, v31  }
0x191: {  	v3 =	vor.u32 v3, v4  }
0x192: {  	v4 =	vperm.xlane v3, v0;
	_ =	sdelay $0x1  }
0x193: {  	v3 =	vperm.xlane v3, v2;
	v4 =	vadd.s32 v1, v4;
	_ =	sdelay $0x1  }
0x194: {  	v3 =	vadd.s32 v1, v3;
	_ =	sdelay $0x1  }
0x195: {  	s19 =	simm.s32 $0xF400  }
0x196: {  	[tilespmem:s19], [sflag:$0x4] =	stream.indirect_vreg.gather [hbm4b:s3+s4], $0x80, v4, vm0, $0xb8;
	[tilespmem:$0x10400] =	vst v63  }
0x197: {  	s13 =	simm.s32 $0xFC00  }
0x198: {  	[tilespmem:s13], [sflag:$0x4] =	stream.indirect_vreg.gather [hbm4b:s3+s4], $0x80, v3, vm0, $0xb8;
	[tilespmem:$0x10400] =	vst v63  }
0x199: {  	_ =	swait.ge [sflag:s14], $0x4000  }
0x19a: {  	[sflag:s14] =	ssyncset.done $0x0  }
0x19b: {  	[sflag:s14] =	ssyncadd.s32 $0xFFFFC000  }
0x19c: {  	_ =	swait.ge [sflag:s16], $0x4000  }
0x19d: {  	[sflag:s16] =	ssyncset.done $0x0  }
0x19e: {  	s21 =	rddreg [dreg:$0xc];
	[sflag:s16] =	ssyncadd.s32 $0xFFFFC000  }
0x19f: {  	[hbm4b:s21+s4] =	stream.linear.scatter [tilespmem:s8], [sflag:$0x5], $0x4000, $0x38;
	[tilespmem:$0x10400] =	vst v63  }
0x1a0: {  	_ =	swait.ge [sflag:s6], $0x4000  }
0x1a1: {  	[sflag:s6] =	ssyncset.done $0x0  }
0x1a2: {  	s12 =	rddreg [dreg:$0xd];
	[sflag:s6] =	ssyncadd.s32 $0xFFFFC000  }
0x1a3: {  	[hbm4b:s12+s4] =	stream.linear.scatter [tilespmem:s15], [sflag:$0x5], $0x4000, $0x38;
	[tilespmem:$0x10400] =	vst v63  }
0x1a4: {  	_ =	swait.ge [sflag:s6], $0x4000  }
0x1a5: {  	[sflag:s6] =	ssyncset.done $0x0  }
0x1a6: {  	[sflag:s6] =	ssyncadd.s32 $0xFFFFC000  }
0x1a7: {  	v3 =	vld [tilespmem:$0x100];
	_ =	sdelay $0x4  }
0x1a8: {  	v32 =	vshll.u32 v3, $0x1  }
0x1a9: {  	v3 =	vand.u32 $0x7, v3;
	v4 =	vand.u32 $0xFFFFFFF0, v32  }
0x1aa: {  	v3 =	vor.u32 v3, v4  }
0x1ab: {  	v4 =	vperm.xlane v3, v0;
	_ =	sdelay $0x1  }
0x1ac: {  	v3 =	vperm.xlane v3, v2;
	v4 =	vadd.s32 v1, v4;
	_ =	sdelay $0x1  }
0x1ad: {  	v3 =	vadd.s32 v1, v3;
	_ =	sdelay $0x2  }
0x1ae: {  	[tilespmem:s8], [sflag:$0x1] =	stream.indirect_vreg.gather [hbm4b:s1+s4], $0x80, v4, vm0, $0xb8;
	[tilespmem:$0x10400] =	vst v63  }
0x1af: {  	s13 =	simm.s32 $0xC00  }
0x1b0: {  	[tilespmem:s13], [sflag:$0x1] =	stream.indirect_vreg.gather [hbm4b:s1+s4], $0x80, v3, vm0, $0xb8;
	[tilespmem:$0x10400] =	vst v63  }
0x1b1: {  	v3 =	vld [tilespmem:$0x110];
	_ =	sdelay $0x4  }
0x1b2: {  	v33 =	vshll.u32 v3, $0x1  }
0x1b3: {  	v3 =	vand.u32 $0x7, v3;
	v4 =	vand.u32 $0xFFFFFFF0, v33  }
0x1b4: {  	v3 =	vor.u32 v3, v4  }
0x1b5: {  	v4 =	vperm.xlane v3, v0;
	_ =	sdelay $0x1  }
0x1b6: {  	v3 =	vperm.xlane v3, v2;
	v4 =	vadd.s32 v1, v4;
	_ =	sdelay $0x1  }
0x1b7: {  	v3 =	vadd.s32 v1, v3;
	_ =	sdelay $0x1  }
0x1b8: {  	s22 =	simm.s32 $0x1400  }
0x1b9: {  	[tilespmem:s22], [sflag:$0x1] =	stream.indirect_vreg.gather [hbm4b:s1+s4], $0x80, v4, vm0, $0xb8;
	[tilespmem:$0x10400] =	vst v63  }
0x1ba: {  	s19 =	simm.s32 $0x1C00  }
0x1bb: {  	[tilespmem:s19], [sflag:$0x1] =	stream.indirect_vreg.gather [hbm4b:s1+s4], $0x80, v3, vm0, $0xb8;
	[tilespmem:$0x10400] =	vst v63  }
0x1bc: {  	v3 =	vld [tilespmem:$0x120];
	_ =	sdelay $0x4  }
0x1bd: {  	v34 =	vshll.u32 v3, $0x1  }
0x1be: {  	v3 =	vand.u32 $0x7, v3;
	v4 =	vand.u32 $0xFFFFFFF0, v34  }
0x1bf: {  	v3 =	vor.u32 v3, v4  }
0x1c0: {  	v4 =	vperm.xlane v3, v0;
	_ =	sdelay $0x1  }
0x1c1: {  	v3 =	vperm.xlane v3, v2;
	v4 =	vadd.s32 v1, v4;
	_ =	sdelay $0x1  }
0x1c2: {  	v3 =	vadd.s32 v1, v3;
	_ =	sdelay $0x2  }
0x1c3: {  	[tilespmem:s26], [sflag:$0x1] =	stream.indirect_vreg.gather [hbm4b:s1+s4], $0x80, v4, vm0, $0xb8;
	[tilespmem:$0x10400] =	vst v63  }
0x1c4: {  	s21 =	simm.s32 $0x2C00  }
0x1c5: {  	[tilespmem:s21], [sflag:$0x1] =	stream.indirect_vreg.gather [hbm4b:s1+s4], $0x80, v3, vm0, $0xb8;
	[tilespmem:$0x10400] =	vst v63  }
0x1c6: {  	v3 =	vld [tilespmem:$0x130];
	_ =	sdelay $0x4  }
0x1c7: {  	v35 =	vshll.u32 v3, $0x1  }
0x1c8: {  	v3 =	vand.u32 $0x7, v3;
	v4 =	vand.u32 $0xFFFFFFF0, v35  }
0x1c9: {  	v3 =	vor.u32 v3, v4  }
0x1ca: {  	v4 =	vperm.xlane v3, v0;
	_ =	sdelay $0x1  }
0x1cb: {  	v3 =	vperm.xlane v3, v2;
	v4 =	vadd.s32 v1, v4;
	_ =	sdelay $0x1  }
0x1cc: {  	v3 =	vadd.s32 v1, v3;
	_ =	sdelay $0x2  }
0x1cd: {  	[tilespmem:s29], [sflag:$0x1] =	stream.indirect_vreg.gather [hbm4b:s1+s4], $0x80, v4, vm0, $0xb8;
	[tilespmem:$0x10400] =	vst v63  }
0x1ce: {  	_ = 	snop  }
0x1cf: {  	[tilespmem:s24], [sflag:$0x1] =	stream.indirect_vreg.gather [hbm4b:s1+s4], $0x80, v3, vm0, $0xb8;
	[tilespmem:$0x10400] =	vst v63  }
0x1d0: {  	v3 =	vld [tilespmem:$0x300];
	_ =	sdelay $0x4  }
0x1d1: {  	v36 =	vshll.u32 v3, $0x1  }
0x1d2: {  	v3 =	vand.u32 $0x7, v3;
	v4 =	vand.u32 $0xFFFFFFF0, v36  }
0x1d3: {  	v3 =	vor.u32 v3, v4  }
0x1d4: {  	v4 =	vperm.xlane v3, v0;
	_ =	sdelay $0x1  }
0x1d5: {  	v3 =	vperm.xlane v3, v2;
	v4 =	vadd.s32 v1, v4;
	_ =	sdelay $0x1  }
0x1d6: {  	v3 =	vadd.s32 v1, v3;
	_ =	sdelay $0x2  }
0x1d7: {  	[tilespmem:s15], [sflag:$0x3] =	stream.indirect_vreg.gather [hbm4b:s3+s4], $0x80, v4, vm0, $0xb8;
	[tilespmem:$0x10400] =	vst v63  }
0x1d8: {  	s22 =	simm.s32 $0x8C00  }
0x1d9: {  	[tilespmem:s22], [sflag:$0x3] =	stream.indirect_vreg.gather [hbm4b:s3+s4], $0x80, v3, vm0, $0xb8;
	[tilespmem:$0x10400] =	vst v63  }
0x1da: {  	v3 =	vld [tilespmem:$0x310];
	_ =	sdelay $0x4  }
0x1db: {  	v37 =	vshll.u32 v3, $0x1  }
0x1dc: {  	v3 =	vand.u32 $0x7, v3;
	v4 =	vand.u32 $0xFFFFFFF0, v37  }
0x1dd: {  	v3 =	vor.u32 v3, v4  }
0x1de: {  	v4 =	vperm.xlane v3, v0;
	_ =	sdelay $0x1  }
0x1df: {  	v3 =	vperm.xlane v3, v2;
	v4 =	vadd.s32 v1, v4;
	_ =	sdelay $0x1  }
0x1e0: {  	v3 =	vadd.s32 v1, v3;
	_ =	sdelay $0x1  }
0x1e1: {  	s26 =	simm.s32 $0x9400  }
0x1e2: {  	[tilespmem:s26], [sflag:$0x3] =	stream.indirect_vreg.gather [hbm4b:s3+s4], $0x80, v4, vm0, $0xb8;
	[tilespmem:$0x10400] =	vst v63  }
0x1e3: {  	s29 =	simm.s32 $0x9C00  }
0x1e4: {  	[tilespmem:s29], [sflag:$0x3] =	stream.indirect_vreg.gather [hbm4b:s3+s4], $0x80, v3, vm0, $0xb8;
	[tilespmem:$0x10400] =	vst v63  }
0x1e5: {  	v3 =	vld [tilespmem:$0x320];
	_ =	sdelay $0x4  }
0x1e6: {  	v38 =	vshll.u32 v3, $0x1  }
0x1e7: {  	v3 =	vand.u32 $0x7, v3;
	v4 =	vand.u32 $0xFFFFFFF0, v38  }
0x1e8: {  	v3 =	vor.u32 v3, v4  }
0x1e9: {  	v4 =	vperm.xlane v3, v0;
	_ =	sdelay $0x1  }
0x1ea: {  	v3 =	vperm.xlane v3, v2;
	v4 =	vadd.s32 v1, v4;
	_ =	sdelay $0x1  }
0x1eb: {  	v3 =	vadd.s32 v1, v3;
	_ =	sdelay $0x2  }
0x1ec: {  	[tilespmem:s30], [sflag:$0x3] =	stream.indirect_vreg.gather [hbm4b:s3+s4], $0x80, v4, vm0, $0xb8;
	[tilespmem:$0x10400] =	vst v63  }
0x1ed: {  	_ = 	snop  }
0x1ee: {  	[tilespmem:s25], [sflag:$0x3] =	stream.indirect_vreg.gather [hbm4b:s3+s4], $0x80, v3, vm0, $0xb8;
	[tilespmem:$0x10400] =	vst v63  }
0x1ef: {  	v3 =	vld [tilespmem:$0x330];
	_ =	sdelay $0x4  }
0x1f0: {  	v39 =	vshll.u32 v3, $0x1  }
0x1f1: {  	v3 =	vand.u32 $0x7, v3;
	v4 =	vand.u32 $0xFFFFFFF0, v39  }
0x1f2: {  	v3 =	vor.u32 v3, v4  }
0x1f3: {  	v4 =	vperm.xlane v3, v0;
	_ =	sdelay $0x1  }
0x1f4: {  	v3 =	vperm.xlane v3, v2;
	v4 =	vadd.s32 v1, v4;
	_ =	sdelay $0x1  }
0x1f5: {  	v3 =	vadd.s32 v1, v3;
	_ =	sdelay $0x2  }
0x1f6: {  	[tilespmem:s31], [sflag:$0x3] =	stream.indirect_vreg.gather [hbm4b:s3+s4], $0x80, v4, vm0, $0xb8;
	[tilespmem:$0x10400] =	vst v63  }
0x1f7: {  	_ = 	snop  }
0x1f8: {  	[tilespmem:s28], [sflag:$0x3] =	stream.indirect_vreg.gather [hbm4b:s3+s4], $0x80, v3, vm0, $0xb8;
	[tilespmem:$0x10400] =	vst v63  }
0x1f9: {  	_ =	swait.ge [sflag:s17], $0x4000  }
0x1fa: {  	[sflag:s17] =	ssyncset.done $0x0  }
0x1fb: {  	[sflag:s17] =	ssyncadd.s32 $0xFFFFC000  }
0x1fc: {  	_ =	swait.ge [sflag:s18], $0x4000  }
0x1fd: {  	[sflag:s18] =	ssyncset.done $0x0  }
0x1fe: {  	s12 =	rddreg [dreg:$0xe];
	[sflag:s18] =	ssyncadd.s32 $0xFFFFC000  }
0x1ff: {  	[hbm4b:s12+s4] =	stream.linear.scatter [tilespmem:s23], [sflag:$0x5], $0x4000, $0x38;
	[tilespmem:$0x10400] =	vst v63  }
0x200: {  	_ =	swait.ge [sflag:s6], $0x4000  }
0x201: {  	[sflag:s6] =	ssyncset.done $0x0  }
0x202: {  	s29 =	rddreg [dreg:$0xf];
	[sflag:s6] =	ssyncadd.s32 $0xFFFFC000  }
0x203: {  	[hbm4b:s29+s4] =	stream.linear.scatter [tilespmem:s2], [sflag:$0x5], $0x4000, $0x38;
	[tilespmem:$0x10400] =	vst v63  }
0x204: {  	_ =	swait.ge [sflag:s6], $0x4000  }
0x205: {  	[sflag:s6] =	ssyncset.done $0x0  }
0x206: {  	[sflag:s6] =	ssyncadd.s32 $0xFFFFC000  }
0x207: {  	v3 =	vld [tilespmem:$0x140];
	_ =	sdelay $0x4  }
0x208: {  	v40 =	vshll.u32 v3, $0x1  }
0x209: {  	v3 =	vand.u32 $0x7, v3;
	v4 =	vand.u32 $0xFFFFFFF0, v40  }
0x20a: {  	v3 =	vor.u32 v3, v4  }
0x20b: {  	v4 =	vperm.xlane v3, v0;
	_ =	sdelay $0x1  }
0x20c: {  	v3 =	vperm.xlane v3, v2;
	v4 =	vadd.s32 v1, v4;
	_ =	sdelay $0x1  }
0x20d: {  	v3 =	vadd.s32 v1, v3;
	_ =	sdelay $0x2  }
0x20e: {  	[tilespmem:s23], [sflag:$0x2] =	stream.indirect_vreg.gather [hbm4b:s1+s4], $0x80, v4, vm0, $0xb8;
	[tilespmem:$0x10400] =	vst v63  }
0x20f: {  	_ = 	snop  }
0x210: {  	[tilespmem:s7], [sflag:$0x2] =	stream.indirect_vreg.gather [hbm4b:s1+s4], $0x80, v3, vm0, $0xb8;
	[tilespmem:$0x10400] =	vst v63  }
0x211: {  	v3 =	vld [tilespmem:$0x150];
	_ =	sdelay $0x4  }
0x212: {  	v41 =	vshll.u32 v3, $0x1  }
0x213: {  	v3 =	vand.u32 $0x7, v3;
	v4 =	vand.u32 $0xFFFFFFF0, v41  }
0x214: {  	v3 =	vor.u32 v3, v4  }
0x215: {  	v4 =	vperm.xlane v3, v0;
	_ =	sdelay $0x1  }
0x216: {  	v3 =	vperm.xlane v3, v2;
	v4 =	vadd.s32 v1, v4;
	_ =	sdelay $0x1  }
0x217: {  	v3 =	vadd.s32 v1, v3;
	_ =	sdelay $0x2  }
0x218: {  	[tilespmem:s0], [sflag:$0x2] =	stream.indirect_vreg.gather [hbm4b:s1+s4], $0x80, v4, vm0, $0xb8;
	[tilespmem:$0x10400] =	vst v63  }
0x219: {  	s30 =	simm.s32 $0x5C00  }
0x21a: {  	[tilespmem:s30], [sflag:$0x2] =	stream.indirect_vreg.gather [hbm4b:s1+s4], $0x80, v3, vm0, $0xb8;
	[tilespmem:$0x10400] =	vst v63  }
0x21b: {  	v3 =	vld [tilespmem:$0x160];
	_ =	sdelay $0x4  }
0x21c: {  	v42 =	vshll.u32 v3, $0x1  }
0x21d: {  	v3 =	vand.u32 $0x7, v3;
	v4 =	vand.u32 $0xFFFFFFF0, v42  }
0x21e: {  	v3 =	vor.u32 v3, v4  }
0x21f: {  	v4 =	vperm.xlane v3, v0;
	_ =	sdelay $0x1  }
0x220: {  	v3 =	vperm.xlane v3, v2;
	v4 =	vadd.s32 v1, v4;
	_ =	sdelay $0x1  }
0x221: {  	v3 =	vadd.s32 v1, v3;
	_ =	sdelay $0x1  }
0x222: {  	s20 =	simm.s32 $0x6400  }
0x223: {  	[tilespmem:s20], [sflag:$0x2] =	stream.indirect_vreg.gather [hbm4b:s1+s4], $0x80, v4, vm0, $0xb8;
	[tilespmem:$0x10400] =	vst v63  }
0x224: {  	s31 =	simm.s32 $0x6C00  }
0x225: {  	[tilespmem:s31], [sflag:$0x2] =	stream.indirect_vreg.gather [hbm4b:s1+s4], $0x80, v3, vm0, $0xb8;
	[tilespmem:$0x10400] =	vst v63  }
0x226: {  	v3 =	vld [tilespmem:$0x170];
	_ =	sdelay $0x4  }
0x227: {  	v43 =	vshll.u32 v3, $0x1  }
0x228: {  	v3 =	vand.u32 $0x7, v3;
	v4 =	vand.u32 $0xFFFFFFF0, v43  }
0x229: {  	v3 =	vor.u32 v3, v4  }
0x22a: {  	v4 =	vperm.xlane v3, v0;
	_ =	sdelay $0x1  }
0x22b: {  	v3 =	vperm.xlane v3, v2;
	v4 =	vadd.s32 v1, v4;
	_ =	sdelay $0x1  }
0x22c: {  	v3 =	vadd.s32 v1, v3;
	_ =	sdelay $0x1  }
0x22d: {  	s12 =	simm.s32 $0x7400  }
0x22e: {  	[tilespmem:s12], [sflag:$0x2] =	stream.indirect_vreg.gather [hbm4b:s1+s4], $0x80, v4, vm0, $0xb8;
	[tilespmem:$0x10400] =	vst v63  }
0x22f: {  	s19 =	simm.s32 $0x7C00  }
0x230: {  	[tilespmem:s19], [sflag:$0x2] =	stream.indirect_vreg.gather [hbm4b:s1+s4], $0x80, v3, vm0, $0xb8;
	[tilespmem:$0x10400] =	vst v63  }
0x231: {  	v3 =	vld [tilespmem:$0x340];
	_ =	sdelay $0x4  }
0x232: {  	v44 =	vshll.u32 v3, $0x1  }
0x233: {  	v3 =	vand.u32 $0x7, v3;
	v4 =	vand.u32 $0xFFFFFFF0, v44  }
0x234: {  	v3 =	vor.u32 v3, v4  }
0x235: {  	v4 =	vperm.xlane v3, v0;
	_ =	sdelay $0x1  }
0x236: {  	v3 =	vperm.xlane v3, v2;
	v4 =	vadd.s32 v1, v4;
	_ =	sdelay $0x1  }
0x237: {  	v3 =	vadd.s32 v1, v3;
	_ =	sdelay $0x2  }
0x238: {  	[tilespmem:s2], [sflag:$0x4] =	stream.indirect_vreg.gather [hbm4b:s3+s4], $0x80, v4, vm0, $0xb8;
	[tilespmem:$0x10400] =	vst v63  }
0x239: {  	s30 =	simm.s32 $0xCC00  }
0x23a: {  	[tilespmem:s30], [sflag:$0x4] =	stream.indirect_vreg.gather [hbm4b:s3+s4], $0x80, v3, vm0, $0xb8;
	[tilespmem:$0x10400] =	vst v63  }
0x23b: {  	v3 =	vld [tilespmem:$0x350];
	_ =	sdelay $0x4  }
0x23c: {  	v45 =	vshll.u32 v3, $0x1  }
0x23d: {  	v3 =	vand.u32 $0x7, v3;
	v4 =	vand.u32 $0xFFFFFFF0, v45  }
0x23e: {  	v3 =	vor.u32 v3, v4  }
0x23f: {  	v4 =	vperm.xlane v3, v0;
	_ =	sdelay $0x1  }
0x240: {  	v3 =	vperm.xlane v3, v2;
	v4 =	vadd.s32 v1, v4;
	_ =	sdelay $0x1  }
0x241: {  	v3 =	vadd.s32 v1, v3;
	_ =	sdelay $0x1  }
0x242: {  	s9 =	simm.s32 $0xD400  }
0x243: {  	[tilespmem:s9], [sflag:$0x4] =	stream.indirect_vreg.gather [hbm4b:s3+s4], $0x80, v4, vm0, $0xb8;
	[tilespmem:$0x10400] =	vst v63  }
0x244: {  	s19 =	simm.s32 $0xDC00  }
0x245: {  	[tilespmem:s19], [sflag:$0x4] =	stream.indirect_vreg.gather [hbm4b:s3+s4], $0x80, v3, vm0, $0xb8;
	[tilespmem:$0x10400] =	vst v63  }
0x246: {  	v3 =	vld [tilespmem:$0x360];
	_ =	sdelay $0x4  }
0x247: {  	v46 =	vshll.u32 v3, $0x1  }
0x248: {  	v3 =	vand.u32 $0x7, v3;
	v4 =	vand.u32 $0xFFFFFFF0, v46  }
0x249: {  	v3 =	vor.u32 v3, v4  }
0x24a: {  	v4 =	vperm.xlane v3, v0;
	_ =	sdelay $0x1  }
0x24b: {  	v3 =	vperm.xlane v3, v2;
	v4 =	vadd.s32 v1, v4;
	_ =	sdelay $0x1  }
0x24c: {  	v3 =	vadd.s32 v1, v3;
	_ =	sdelay $0x1  }
0x24d: {  	s10 =	simm.s32 $0xE400  }
0x24e: {  	[tilespmem:s10], [sflag:$0x4] =	stream.indirect_vreg.gather [hbm4b:s3+s4], $0x80, v4, vm0, $0xb8;
	[tilespmem:$0x10400] =	vst v63  }
0x24f: {  	s19 =	simm.s32 $0xEC00  }
0x250: {  	[tilespmem:s19], [sflag:$0x4] =	stream.indirect_vreg.gather [hbm4b:s3+s4], $0x80, v3, vm0, $0xb8;
	[tilespmem:$0x10400] =	vst v63  }
0x251: {  	v3 =	vld [tilespmem:$0x370];
	_ =	sdelay $0x4  }
0x252: {  	v47 =	vshll.u32 v3, $0x1  }
0x253: {  	v3 =	vand.u32 $0x7, v3;
	v4 =	vand.u32 $0xFFFFFFF0, v47  }
0x254: {  	v3 =	vor.u32 v3, v4  }
0x255: {  	v4 =	vperm.xlane v3, v0;
	_ =	sdelay $0x1  }
0x256: {  	v3 =	vperm.xlane v3, v2;
	v4 =	vadd.s32 v1, v4;
	_ =	sdelay $0x1  }
0x257: {  	v3 =	vadd.s32 v1, v3;
	_ =	sdelay $0x1  }
0x258: {  	s11 =	simm.s32 $0xF400  }
0x259: {  	[tilespmem:s11], [sflag:$0x4] =	stream.indirect_vreg.gather [hbm4b:s3+s4], $0x80, v4, vm0, $0xb8;
	[tilespmem:$0x10400] =	vst v63  }
0x25a: {  	s19 =	simm.s32 $0xFC00  }
0x25b: {  	[tilespmem:s19], [sflag:$0x4] =	stream.indirect_vreg.gather [hbm4b:s3+s4], $0x80, v3, vm0, $0xb8;
	[tilespmem:$0x10400] =	vst v63  }
0x25c: {  	_ =	swait.ge [sflag:s14], $0x4000  }
0x25d: {  	[sflag:s14] =	ssyncset.done $0x0  }
0x25e: {  	[sflag:s14] =	ssyncadd.s32 $0xFFFFC000  }
0x25f: {  	_ =	swait.ge [sflag:s16], $0x4000  }
0x260: {  	[sflag:s16] =	ssyncset.done $0x0  }
0x261: {  	s19 =	rddreg [dreg:$0x10];
	[sflag:s16] =	ssyncadd.s32 $0xFFFFC000  }
0x262: {  	[hbm4b:s19+s4] =	stream.linear.scatter [tilespmem:s8], [sflag:$0x5], $0x4000, $0x38;
	[tilespmem:$0x10400] =	vst v63  }
0x263: {  	_ =	swait.ge [sflag:s6], $0x4000  }
0x264: {  	[sflag:s6] =	ssyncset.done $0x0  }
0x265: {  	s19 =	rddreg [dreg:$0x11];
	[sflag:s6] =	ssyncadd.s32 $0xFFFFC000  }
0x266: {  	[hbm4b:s19+s4] =	stream.linear.scatter [tilespmem:s15], [sflag:$0x5], $0x4000, $0x38;
	[tilespmem:$0x10400] =	vst v63  }
0x267: {  	_ =	swait.ge [sflag:s6], $0x4000  }
0x268: {  	[sflag:s6] =	ssyncset.done $0x0  }
0x269: {  	[sflag:s6] =	ssyncadd.s32 $0xFFFFC000  }
0x26a: {  	v3 =	vld [tilespmem:$0x180];
	_ =	sdelay $0x4  }
0x26b: {  	v48 =	vshll.u32 v3, $0x1  }
0x26c: {  	v3 =	vand.u32 $0x7, v3;
	v4 =	vand.u32 $0xFFFFFFF0, v48  }
0x26d: {  	v3 =	vor.u32 v3, v4  }
0x26e: {  	v4 =	vperm.xlane v3, v0;
	_ =	sdelay $0x1  }
0x26f: {  	v3 =	vperm.xlane v3, v2;
	v4 =	vadd.s32 v1, v4;
	_ =	sdelay $0x1  }
0x270: {  	v3 =	vadd.s32 v1, v3;
	_ =	sdelay $0x2  }
0x271: {  	[tilespmem:s8], [sflag:$0x1] =	stream.indirect_vreg.gather [hbm4b:s1+s4], $0x80, v4, vm0, $0xb8;
	[tilespmem:$0x10400] =	vst v63  }
0x272: {  	s19 =	simm.s32 $0xC00  }
0x273: {  	[tilespmem:s19], [sflag:$0x1] =	stream.indirect_vreg.gather [hbm4b:s1+s4], $0x80, v3, vm0, $0xb8;
	[tilespmem:$0x10400] =	vst v63  }
0x274: {  	v3 =	vld [tilespmem:$0x190];
	_ =	sdelay $0x4  }
0x275: {  	v49 =	vshll.u32 v3, $0x1  }
0x276: {  	v3 =	vand.u32 $0x7, v3;
	v4 =	vand.u32 $0xFFFFFFF0, v49  }
0x277: {  	v3 =	vor.u32 v3, v4  }
0x278: {  	v4 =	vperm.xlane v3, v0;
	_ =	sdelay $0x1  }
0x279: {  	v3 =	vperm.xlane v3, v2;
	v4 =	vadd.s32 v1, v4;
	_ =	sdelay $0x1  }
0x27a: {  	v3 =	vadd.s32 v1, v3;
	_ =	sdelay $0x1  }
0x27b: {  	s19 =	simm.s32 $0x1400  }
0x27c: {  	[tilespmem:s19], [sflag:$0x1] =	stream.indirect_vreg.gather [hbm4b:s1+s4], $0x80, v4, vm0, $0xb8;
	[tilespmem:$0x10400] =	vst v63  }
0x27d: {  	s19 =	simm.s32 $0x1C00  }
0x27e: {  	[tilespmem:s19], [sflag:$0x1] =	stream.indirect_vreg.gather [hbm4b:s1+s4], $0x80, v3, vm0, $0xb8;
	[tilespmem:$0x10400] =	vst v63  }
0x27f: {  	v3 =	vld [tilespmem:$0x1A0];
	_ =	sdelay $0x4  }
0x280: {  	v50 =	vshll.u32 v3, $0x1  }
0x281: {  	v3 =	vand.u32 $0x7, v3;
	v4 =	vand.u32 $0xFFFFFFF0, v50  }
0x282: {  	v3 =	vor.u32 v3, v4  }
0x283: {  	v4 =	vperm.xlane v3, v0;
	_ =	sdelay $0x1  }
0x284: {  	v3 =	vperm.xlane v3, v2;
	v4 =	vadd.s32 v1, v4;
	_ =	sdelay $0x1  }
0x285: {  	v3 =	vadd.s32 v1, v3;
	_ =	sdelay $0x1  }
0x286: {  	s13 =	simm.s32 $0x2400  }
0x287: {  	[tilespmem:s13], [sflag:$0x1] =	stream.indirect_vreg.gather [hbm4b:s1+s4], $0x80, v4, vm0, $0xb8;
	[tilespmem:$0x10400] =	vst v63  }
0x288: {  	s19 =	simm.s32 $0x2C00  }
0x289: {  	[tilespmem:s19], [sflag:$0x1] =	stream.indirect_vreg.gather [hbm4b:s1+s4], $0x80, v3, vm0, $0xb8;
	[tilespmem:$0x10400] =	vst v63  }
0x28a: {  	v3 =	vld [tilespmem:$0x1B0];
	_ =	sdelay $0x4  }
0x28b: {  	v51 =	vshll.u32 v3, $0x1  }
0x28c: {  	v3 =	vand.u32 $0x7, v3;
	v4 =	vand.u32 $0xFFFFFFF0, v51  }
0x28d: {  	v3 =	vor.u32 v3, v4  }
0x28e: {  	v4 =	vperm.xlane v3, v0;
	_ =	sdelay $0x1  }
0x28f: {  	v3 =	vperm.xlane v3, v2;
	v4 =	vadd.s32 v1, v4;
	_ =	sdelay $0x1  }
0x290: {  	v3 =	vadd.s32 v1, v3;
	_ =	sdelay $0x1  }
0x291: {  	s21 =	simm.s32 $0x3400  }
0x292: {  	[tilespmem:s21], [sflag:$0x1] =	stream.indirect_vreg.gather [hbm4b:s1+s4], $0x80, v4, vm0, $0xb8;
	[tilespmem:$0x10400] =	vst v63  }
0x293: {  	s24 =	simm.s32 $0x3C00  }
0x294: {  	[tilespmem:s24], [sflag:$0x1] =	stream.indirect_vreg.gather [hbm4b:s1+s4], $0x80, v3, vm0, $0xb8;
	[tilespmem:$0x10400] =	vst v63  }
0x295: {  	v3 =	vld [tilespmem:$0x380];
	_ =	sdelay $0x4  }
0x296: {  	v52 =	vshll.u32 v3, $0x1  }
0x297: {  	v3 =	vand.u32 $0x7, v3;
	v4 =	vand.u32 $0xFFFFFFF0, v52  }
0x298: {  	v3 =	vor.u32 v3, v4  }
0x299: {  	v4 =	vperm.xlane v3, v0;
	_ =	sdelay $0x1  }
0x29a: {  	v3 =	vperm.xlane v3, v2;
	v4 =	vadd.s32 v1, v4;
	_ =	sdelay $0x1  }
0x29b: {  	v3 =	vadd.s32 v1, v3;
	_ =	sdelay $0x2  }
0x29c: {  	[tilespmem:s15], [sflag:$0x3] =	stream.indirect_vreg.gather [hbm4b:s3+s4], $0x80, v4, vm0, $0xb8;
	[tilespmem:$0x10400] =	vst v63  }
0x29d: {  	s19 =	simm.s32 $0x8C00  }
0x29e: {  	[tilespmem:s19], [sflag:$0x3] =	stream.indirect_vreg.gather [hbm4b:s3+s4], $0x80, v3, vm0, $0xb8;
	[tilespmem:$0x10400] =	vst v63  }
0x29f: {  	v3 =	vld [tilespmem:$0x390];
	_ =	sdelay $0x4  }
0x2a0: {  	v53 =	vshll.u32 v3, $0x1  }
0x2a1: {  	v3 =	vand.u32 $0x7, v3;
	v4 =	vand.u32 $0xFFFFFFF0, v53  }
0x2a2: {  	v3 =	vor.u32 v3, v4  }
0x2a3: {  	v4 =	vperm.xlane v3, v0;
	_ =	sdelay $0x1  }
0x2a4: {  	v3 =	vperm.xlane v3, v2;
	v4 =	vadd.s32 v1, v4;
	_ =	sdelay $0x1  }
0x2a5: {  	v3 =	vadd.s32 v1, v3;
	_ =	sdelay $0x1  }
0x2a6: {  	s21 =	simm.s32 $0x9400  }
0x2a7: {  	[tilespmem:s21], [sflag:$0x3] =	stream.indirect_vreg.gather [hbm4b:s3+s4], $0x80, v4, vm0, $0xb8;
	[tilespmem:$0x10400] =	vst v63  }
0x2a8: {  	s24 =	simm.s32 $0x9C00  }
0x2a9: {  	[tilespmem:s24], [sflag:$0x3] =	stream.indirect_vreg.gather [hbm4b:s3+s4], $0x80, v3, vm0, $0xb8;
	[tilespmem:$0x10400] =	vst v63  }
0x2aa: {  	v3 =	vld [tilespmem:$0x3A0];
	_ =	sdelay $0x4  }
0x2ab: {  	v54 =	vshll.u32 v3, $0x1  }
0x2ac: {  	v3 =	vand.u32 $0x7, v3;
	v4 =	vand.u32 $0xFFFFFFF0, v54  }
0x2ad: {  	v3 =	vor.u32 v3, v4  }
0x2ae: {  	v4 =	vperm.xlane v3, v0;
	_ =	sdelay $0x1  }
0x2af: {  	v3 =	vperm.xlane v3, v2;
	v4 =	vadd.s32 v1, v4;
	_ =	sdelay $0x1  }
0x2b0: {  	v3 =	vadd.s32 v1, v3;
	_ =	sdelay $0x1  }
0x2b1: {  	s22 =	simm.s32 $0xA400  }
0x2b2: {  	[tilespmem:s22], [sflag:$0x3] =	stream.indirect_vreg.gather [hbm4b:s3+s4], $0x80, v4, vm0, $0xb8;
	[tilespmem:$0x10400] =	vst v63  }
0x2b3: {  	s25 =	simm.s32 $0xAC00  }
0x2b4: {  	[tilespmem:s25], [sflag:$0x3] =	stream.indirect_vreg.gather [hbm4b:s3+s4], $0x80, v3, vm0, $0xb8;
	[tilespmem:$0x10400] =	vst v63  }
0x2b5: {  	v3 =	vld [tilespmem:$0x3B0];
	_ =	sdelay $0x4  }
0x2b6: {  	v55 =	vshll.u32 v3, $0x1  }
0x2b7: {  	v3 =	vand.u32 $0x7, v3;
	v4 =	vand.u32 $0xFFFFFFF0, v55  }
0x2b8: {  	v3 =	vor.u32 v3, v4  }
0x2b9: {  	v4 =	vperm.xlane v3, v0;
	_ =	sdelay $0x1  }
0x2ba: {  	v3 =	vperm.xlane v3, v2;
	v4 =	vadd.s32 v1, v4;
	_ =	sdelay $0x1  }
0x2bb: {  	v3 =	vadd.s32 v1, v3;
	_ =	sdelay $0x1  }
0x2bc: {  	s26 =	simm.s32 $0xB400  }
0x2bd: {  	[tilespmem:s26], [sflag:$0x3] =	stream.indirect_vreg.gather [hbm4b:s3+s4], $0x80, v4, vm0, $0xb8;
	[tilespmem:$0x10400] =	vst v63  }
0x2be: {  	s28 =	simm.s32 $0xBC00  }
0x2bf: {  	[tilespmem:s28], [sflag:$0x3] =	stream.indirect_vreg.gather [hbm4b:s3+s4], $0x80, v3, vm0, $0xb8;
	[tilespmem:$0x10400] =	vst v63  }
0x2c0: {  	_ =	swait.ge [sflag:s17], $0x4000  }
0x2c1: {  	[sflag:s17] =	ssyncset.done $0x0  }
0x2c2: {  	[sflag:s17] =	ssyncadd.s32 $0xFFFFC000  }
0x2c3: {  	_ =	swait.ge [sflag:s18], $0x4000  }
0x2c4: {  	[sflag:s18] =	ssyncset.done $0x0  }
0x2c5: {  	s13 =	rddreg [dreg:$0x12];
	[sflag:s18] =	ssyncadd.s32 $0xFFFFC000  }
0x2c6: {  	[hbm4b:s13+s4] =	stream.linear.scatter [tilespmem:s23], [sflag:$0x5], $0x4000, $0x38;
	[tilespmem:$0x10400] =	vst v63  }
0x2c7: {  	_ =	swait.ge [sflag:s6], $0x4000  }
0x2c8: {  	[sflag:s6] =	ssyncset.done $0x0  }
0x2c9: {  	s21 =	rddreg [dreg:$0x13];
	[sflag:s6] =	ssyncadd.s32 $0xFFFFC000  }
0x2ca: {  	[hbm4b:s21+s4] =	stream.linear.scatter [tilespmem:s2], [sflag:$0x5], $0x4000, $0x38;
	[tilespmem:$0x10400] =	vst v63  }
0x2cb: {  	_ =	swait.ge [sflag:s6], $0x4000  }
0x2cc: {  	[sflag:s6] =	ssyncset.done $0x0  }
0x2cd: {  	[sflag:s6] =	ssyncadd.s32 $0xFFFFC000  }
0x2ce: {  	v3 =	vld [tilespmem:$0x1C0];
	_ =	sdelay $0x4  }
0x2cf: {  	v56 =	vshll.u32 v3, $0x1  }
0x2d0: {  	v3 =	vand.u32 $0x7, v3;
	v4 =	vand.u32 $0xFFFFFFF0, v56  }
0x2d1: {  	v3 =	vor.u32 v3, v4  }
0x2d2: {  	v4 =	vperm.xlane v3, v0;
	_ =	sdelay $0x1  }
0x2d3: {  	v3 =	vperm.xlane v3, v2;
	v4 =	vadd.s32 v1, v4;
	_ =	sdelay $0x1  }
0x2d4: {  	v3 =	vadd.s32 v1, v3;
	_ =	sdelay $0x2  }
0x2d5: {  	[tilespmem:s23], [sflag:$0x2] =	stream.indirect_vreg.gather [hbm4b:s1+s4], $0x80, v4, vm0, $0xb8;
	[tilespmem:$0x10400] =	vst v63  }
0x2d6: {  	s7 =	simm.s32 $0x4C00  }
0x2d7: {  	[tilespmem:s7], [sflag:$0x2] =	stream.indirect_vreg.gather [hbm4b:s1+s4], $0x80, v3, vm0, $0xb8;
	[tilespmem:$0x10400] =	vst v63  }
0x2d8: {  	v3 =	vld [tilespmem:$0x1D0];
	_ =	sdelay $0x4  }
0x2d9: {  	v57 =	vshll.u32 v3, $0x1  }
0x2da: {  	v3 =	vand.u32 $0x7, v3;
	v4 =	vand.u32 $0xFFFFFFF0, v57  }
0x2db: {  	v3 =	vor.u32 v3, v4  }
0x2dc: {  	v4 =	vperm.xlane v3, v0;
	_ =	sdelay $0x1  }
0x2dd: {  	v3 =	vperm.xlane v3, v2;
	v4 =	vadd.s32 v1, v4;
	_ =	sdelay $0x1  }
0x2de: {  	v3 =	vadd.s32 v1, v3;
	_ =	sdelay $0x1  }
0x2df: {  	s0 =	simm.s32 $0x5400  }
0x2e0: {  	[tilespmem:s0], [sflag:$0x2] =	stream.indirect_vreg.gather [hbm4b:s1+s4], $0x80, v4, vm0, $0xb8;
	[tilespmem:$0x10400] =	vst v63  }
0x2e1: {  	s22 =	simm.s32 $0x5C00  }
0x2e2: {  	[tilespmem:s22], [sflag:$0x2] =	stream.indirect_vreg.gather [hbm4b:s1+s4], $0x80, v3, vm0, $0xb8;
	[tilespmem:$0x10400] =	vst v63  }
0x2e3: {  	v3 =	vld [tilespmem:$0x1E0];
	_ =	sdelay $0x4  }
0x2e4: {  	v58 =	vshll.u32 v3, $0x1  }
0x2e5: {  	v3 =	vand.u32 $0x7, v3;
	v4 =	vand.u32 $0xFFFFFFF0, v58  }
0x2e6: {  	v3 =	vor.u32 v3, v4  }
0x2e7: {  	v4 =	vperm.xlane v3, v0;
	_ =	sdelay $0x1  }
0x2e8: {  	v3 =	vperm.xlane v3, v2;
	v4 =	vadd.s32 v1, v4;
	_ =	sdelay $0x1  }
0x2e9: {  	v3 =	vadd.s32 v1, v3;
	_ =	sdelay $0x1  }
0x2ea: {  	s29 =	simm.s32 $0x6400  }
0x2eb: {  	[tilespmem:s29], [sflag:$0x2] =	stream.indirect_vreg.gather [hbm4b:s1+s4], $0x80, v4, vm0, $0xb8;
	[tilespmem:$0x10400] =	vst v63  }
0x2ec: {  	s31 =	simm.s32 $0x6C00  }
0x2ed: {  	[tilespmem:s31], [sflag:$0x2] =	stream.indirect_vreg.gather [hbm4b:s1+s4], $0x80, v3, vm0, $0xb8;
	[tilespmem:$0x10400] =	vst v63  }
0x2ee: {  	v3 =	vld [tilespmem:$0x1F0];
	_ =	sdelay $0x4  }
0x2ef: {  	v59 =	vshll.u32 v3, $0x1  }
0x2f0: {  	v3 =	vand.u32 $0x7, v3;
	v4 =	vand.u32 $0xFFFFFFF0, v59  }
0x2f1: {  	v3 =	vor.u32 v3, v4  }
0x2f2: {  	v4 =	vperm.xlane v3, v0;
	_ =	sdelay $0x1  }
0x2f3: {  	v3 =	vperm.xlane v3, v2;
	v4 =	vadd.s32 v1, v4;
	_ =	sdelay $0x1  }
0x2f4: {  	v3 =	vadd.s32 v1, v3;
	_ =	sdelay $0x1  }
0x2f5: {  	s20 =	simm.s32 $0x7400  }
0x2f6: {  	[tilespmem:s20], [sflag:$0x2] =	stream.indirect_vreg.gather [hbm4b:s1+s4], $0x80, v4, vm0, $0xb8;
	[tilespmem:$0x10400] =	vst v63  }
0x2f7: {  	s12 =	simm.s32 $0x7C00  }
0x2f8: {  	[tilespmem:s12], [sflag:$0x2] =	stream.indirect_vreg.gather [hbm4b:s1+s4], $0x80, v3, vm0, $0xb8;
	[tilespmem:$0x10400] =	vst v63  }
0x2f9: {  	v3 =	vld [tilespmem:$0x3C0];
	_ =	sdelay $0x4  }
0x2fa: {  	v60 =	vshll.u32 v3, $0x1  }
0x2fb: {  	v3 =	vand.u32 $0x7, v3;
	v4 =	vand.u32 $0xFFFFFFF0, v60  }
0x2fc: {  	v3 =	vor.u32 v3, v4  }
0x2fd: {  	v4 =	vperm.xlane v3, v0;
	_ =	sdelay $0x1  }
0x2fe: {  	v3 =	vperm.xlane v3, v2;
	v4 =	vadd.s32 v1, v4;
	_ =	sdelay $0x1  }
0x2ff: {  	v3 =	vadd.s32 v1, v3;
	_ =	sdelay $0x2  }
0x300: {  	[tilespmem:s2], [sflag:$0x4] =	stream.indirect_vreg.gather [hbm4b:s3+s4], $0x80, v4, vm0, $0xb8;
	[tilespmem:$0x10400] =	vst v63  }
0x301: {  	s24 =	simm.s32 $0xCC00  }
0x302: {  	[tilespmem:s24], [sflag:$0x4] =	stream.indirect_vreg.gather [hbm4b:s3+s4], $0x80, v3, vm0, $0xb8;
	[tilespmem:$0x10400] =	vst v63  }
0x303: {  	v3 =	vld [tilespmem:$0x3D0];
	_ =	sdelay $0x4  }
0x304: {  	v61 =	vshll.u32 v3, $0x1  }
0x305: {  	v3 =	vand.u32 $0x7, v3;
	v4 =	vand.u32 $0xFFFFFFF0, v61  }
0x306: {  	v3 =	vor.u32 v3, v4  }
0x307: {  	v4 =	vperm.xlane v3, v0;
	_ =	sdelay $0x1  }
0x308: {  	v3 =	vperm.xlane v3, v2;
	v4 =	vadd.s32 v1, v4;
	_ =	sdelay $0x1  }
0x309: {  	v3 =	vadd.s32 v1, v3;
	_ =	sdelay $0x1  }
0x30a: {  	s30 =	simm.s32 $0xD400  }
0x30b: {  	[tilespmem:s30], [sflag:$0x4] =	stream.indirect_vreg.gather [hbm4b:s3+s4], $0x80, v4, vm0, $0xb8;
	[tilespmem:$0x10400] =	vst v63  }
0x30c: {  	s25 =	simm.s32 $0xDC00  }
0x30d: {  	[tilespmem:s25], [sflag:$0x4] =	stream.indirect_vreg.gather [hbm4b:s3+s4], $0x80, v3, vm0, $0xb8;
	[tilespmem:$0x10400] =	vst v63  }
0x30e: {  	v3 =	vld [tilespmem:$0x3E0];
	_ =	sdelay $0x4  }
0x30f: {  	v62 =	vshll.u32 v3, $0x1  }
0x310: {  	v3 =	vand.u32 $0x7, v3;
	v4 =	vand.u32 $0xFFFFFFF0, v62  }
0x311: {  	v3 =	vor.u32 v3, v4  }
0x312: {  	v4 =	vperm.xlane v3, v0;
	_ =	sdelay $0x1  }
0x313: {  	v3 =	vperm.xlane v3, v2;
	v4 =	vadd.s32 v1, v4;
	_ =	sdelay $0x1  }
0x314: {  	v3 =	vadd.s32 v1, v3;
	_ =	sdelay $0x1  }
0x315: {  	s9 =	simm.s32 $0xE400  }
0x316: {  	[tilespmem:s9], [sflag:$0x4] =	stream.indirect_vreg.gather [hbm4b:s3+s4], $0x80, v4, vm0, $0xb8;
	[tilespmem:$0x10400] =	vst v63  }
0x317: {  	s26 =	simm.s32 $0xEC00  }
0x318: {  	[tilespmem:s26], [sflag:$0x4] =	stream.indirect_vreg.gather [hbm4b:s3+s4], $0x80, v3, vm0, $0xb8;
	[tilespmem:$0x10400] =	vst v63  }
0x319: {  	v3 =	vld [tilespmem:$0x3F0];
	_ =	sdelay $0x4  }
0x31a: {  	v63 =	vshll.u32 v3, $0x1  }
0x31b: {  	v3 =	vand.u32 $0x7, v3;
	v4 =	vand.u32 $0xFFFFFFF0, v63  }
0x31c: {  	v3 =	vor.u32 v3, v4  }
0x31d: {  	v4 =	vperm.xlane v3, v0;
	_ =	sdelay $0x1  }
0x31e: {  	v3 =	vperm.xlane v3, v2;
	v4 =	vadd.s32 v1, v4;
	_ =	sdelay $0x1  }
0x31f: {  	v3 =	vadd.s32 v1, v3;
	_ =	sdelay $0x1  }
0x320: {  	s10 =	simm.s32 $0xF400  }
0x321: {  	[tilespmem:s10], [sflag:$0x4] =	stream.indirect_vreg.gather [hbm4b:s3+s4], $0x80, v4, vm0, $0xb8;
	[tilespmem:$0x10400] =	vst v63  }
0x322: {  	s11 =	simm.s32 $0xFC00  }
0x323: {  	[tilespmem:s11], [sflag:$0x4] =	stream.indirect_vreg.gather [hbm4b:s3+s4], $0x80, v3, vm0, $0xb8;
	[tilespmem:$0x10400] =	vst v63  }
0x324: {  	_ =	swait.ge [sflag:s14], $0x4000  }
0x325: {  	[sflag:s14] =	ssyncset.done $0x0  }
0x326: {  	[sflag:s14] =	ssyncadd.s32 $0xFFFFC000  }
0x327: {  	_ =	swait.ge [sflag:s16], $0x4000  }
0x328: {  	[sflag:s16] =	ssyncset.done $0x0  }
0x329: {  	s28 =	rddreg [dreg:$0x14];
	[sflag:s16] =	ssyncadd.s32 $0xFFFFC000  }
0x32a: {  	[hbm4b:s28+s4] =	stream.linear.scatter [tilespmem:s8], [sflag:$0x5], $0x4000, $0x38;
	[tilespmem:$0x10400] =	vst v63  }
0x32b: {  	_ =	swait.ge [sflag:s6], $0x4000  }
0x32c: {  	[sflag:s6] =	ssyncset.done $0x0  }
0x32d: {  	s29 =	rddreg [dreg:$0x15];
	[sflag:s6] =	ssyncadd.s32 $0xFFFFC000  }
0x32e: {  	[hbm4b:s29+s4] =	stream.linear.scatter [tilespmem:s15], [sflag:$0x5], $0x4000, $0x38;
	[tilespmem:$0x10400] =	vst v63  }
0x32f: {  	_ =	swait.ge [sflag:s6], $0x4000  }
0x330: {  	[sflag:s6] =	ssyncset.done $0x0  }
0x331: {  	[sflag:s6] =	ssyncadd.s32 $0xFFFFC000  }
0x332: {  	_ =	swait.ge [sflag:s17], $0x4000  }
0x333: {  	[sflag:s17] =	ssyncset.done $0x0  }
0x334: {  	[sflag:s17] =	ssyncadd.s32 $0xFFFFC000  }
0x335: {  	_ =	swait.ge [sflag:s18], $0x4000  }
0x336: {  	[sflag:s18] =	ssyncset.done $0x0  }
0x337: {  	s30 =	rddreg [dreg:$0x16];
	[sflag:s18] =	ssyncadd.s32 $0xFFFFC000  }
0x338: {  	[hbm4b:s30+s4] =	stream.linear.scatter [tilespmem:s23], [sflag:$0x5], $0x4000, $0x38;
	[tilespmem:$0x10400] =	vst v63  }
0x339: {  	_ =	swait.ge [sflag:s6], $0x4000  }
0x33a: {  	p0 =	sne.s32 s5, $0x1;
	[sflag:s6] =	ssyncset.done $0x0  }
.Ltmp0:
0x33b: {  	s31 =	rddreg [dreg:$0x17];
	[sflag:s6] =	ssyncadd.s32 $0xFFFFC000;
	(pc) =	sbr.rel @p0 .LBB2_1-.Ltmp0, $4  }
0x33c: {  	[hbm4b:s31+s4] =	stream.linear.scatter [tilespmem:s2], [sflag:$0x5], $0x4000, $0x38;
	[tilespmem:$0x10400] =	vst v63  }
0x33d: {  	_ =	swait.ge [sflag:s6], $0x4000  }
0x33e: {  	[sflag:s6] =	ssyncset.done $0x0  }
0x33f: {  	s5 =	sadd.s32 $0xFFFFFFFF, s5;
	[sflag:s6] =	ssyncadd.s32 $0xFFFFC000  }
0x340: {  	_ =	sfence.sel $0x180000  }
0x341: {  	[bflag:$0x0] =	sbarrier.arrive $0xFFFF  }
0x342: {  	_ =	strace $0x90000047  }
0x343: {  	s0 =	stileid.u32;
	[bflag:$0x2] =	sbarrier.arrive $0xFFFF  }
0x344: {  	p0 =	sne.s32 s0, $0x0;
	s0 =	rddreg [dreg:$0x5]  }
0x345: {  	s0 =	sadd.s32 @!p0 $0x100000, s0  }
0x346: {  	[sflag:s0] =	ssyncadd.tile.s32 @!p0 $0x1;
	_ =	shalt  }
.Lfunc_end2:
_tile_overlayer_lowered:
.L_overlay_start_2:
0x347: {  	(tag) =	ssettag $0x2  }
0x348: {  	s0 =	rddreg [dreg:$0x0];
	s2 =	stileid.u32  }
0x349: {  	s1 =	rddreg [dreg:$0x1];
	p0 =	sne.s32 s2, $0x0  }
0x34a: {  	s3 =	rddreg [dreg:$0x2];
	[bflag:$0x3] =	sbarrier.arrive $0xFFFF;
	s2 =	simm.s32 @!p0 $0x1C05  }
0x34b: {  	[timem:s3], [sflag:s2] =	dma.local @!p0 [hbm:s0], s1  }
0x34c: {  	s0 =	simm.s32 @!p0 $0x5  }
0x34d: {  	_ =	swait.ge @!p0 [sflag:s0], s1  }
0x34e: {  	s1 =	ssub.s32 @!p0 $0x0, s1;
	[sflag:s0] =	ssyncset.done @!p0 $0x0  }
0x34f: {  	[sflag:s0] =	ssyncadd.s32 @!p0 s1  }
0x350: {  	[bflag:$0x3] =	sbarrier.arrive $0xFFFF  }
0x351: {  	_ =	shalt  }

// kernel: kernel.9.cloned.1.call-start
scs
__scs_entry_jumppad:
0x0: {  	(pc) =	sbr.rel $0x88, $3  }
0x1: {  	(tag) =	ssettag $0x0;
	lr =	simm.s32 $0x1  }
0x2: {  	[smem:$0x3F97] =	sst lr;
	_ =	strace $0xD0000000  }
0x3: {  	_ = 	snop  }
0x4: {  	_ = 	snop  }
0x5: {  	_ = 	snop  }
0x6: {  	_ = 	snop  }
0x7: {  	_ = 	snop  }
__scs_overlays_trampoline_lowered:
0x8: {  	[smem:$0x3FA6] =	sst s0  }
0x9: {  	[smem:$0x3FA7] =	sst s1  }
0xa: {  	[smem:$0x3FA8] =	sst s2  }
0xb: {  	[smem:$0x3FA9] =	sst s3  }
0xc: {  	[smem:$0x3FAA] =	sst s4  }
0xd: {  	[smem:$0x3FAB] =	sst s5  }
0xe: {  	[smem:$0x3FAC] =	sst s6  }
0xf: {  	[smem:$0x3FAD] =	sst s7  }
0x10: {  	[smem:$0x3FAE] =	sst s8  }
0x11: {  	[smem:$0x3FAF] =	sst s9;
	s0 =	simm.s32 @!p0 $0x0  }
0x12: {  	s1 =	sld [smem:$0x3F95];
	s0 =	simm.s32 @p0 $0x1  }
0x13: {  	[smem:$0x3FB0] =	sst s0;
	s0 =	simm.s32 @!p1 $0x0  }
0x14: {  	s2 =	sld [smem:$0x3F94];
	s0 =	simm.s32 @p1 $0x1  }
0x15: {  	[smem:$0x3FB1] =	sst s0;
	s0 =	simm.s32 @!p2 $0x0  }
0x16: {  	s3 =	sld [smem:$0x3FDB];
	s0 =	simm.s32 @p2 $0x1  }
0x17: {  	s4 =	simm.s32 $0x1BF5;
	[smem:$0x3FB3] =	sst s0  }
0x18: {  	s0 =	sld [smem:$0x3F96];
	_ =	swait.ge [sflag:s4], $0x0  }
0x19: {  	s7 =	sld [smem:$0x3F97]  }
0x1a: {  	s8 =	sadd.s32 $0xFFFFE003, lr  }
0x1b: {  	s9 =	sadd.s32 $0xFFFFFEF7, lr;
	s5 =	simm.s32 $0xFFFFFFFF;
	p2 =	slt.u32 s8, $0xFFFFF086  }
0x1c: {  	p1 =	slt.u32 s9, $0xF7A;
	s5 =	simm.s32 @!p2 $0x0  }
0x1d: {  	s5 =	simm.s32 @p1 $0x1;
	p0 =	seq.s32 s7, s2  }
0x1e: {  	s7 =	smul.u32 @!p0 $0xF7A, s2;
	p2 =	seq.s32 @!p0 s5, $0x0  }
0x1f: {  	s9 =	smul.u32 $0xF7A, s1;
	s8 =	simm.s32 @!p0 $0x1BF5;
	p2 =	por !p2, p0  }
0x20: {  	[sflag:s8] =	ssyncset.s32 @!p0 $0xFFFFF086;
	s6 =	sadd.s32 @!p0 s3, s7;
	s7 =	simm.s32 @!p0 $0x108  }
0x21: {  	s3 =	sadd.s32 s3, s9;
	s6 =	sadd.s32 @!p0 $0x88, s6;
	s7 =	simm.s32 @p2 $0x1082  }
0x22: {  	[simem:s7], [sflag:s8] =	dma.local @!p0 [hbm:s6], $0xF7A  }
0x23: {  	s9 =	sor.u32 $0xD0000000, s2;
	s6 =	simm.s32 $0x108;
	_ =	swait.ge @!p0 [sflag:s8], $0x0  }
0x24: {  	s3 =	sadd.s32 $0x88, s3;
	s6 =	simm.s32 @!p1 $0x1082;
	[sflag:s4] =	ssyncset.s32 $0xFFFFF086  }
0x25: {  	[simem:s6], [sflag:s4] =	dma.local [hbm:s3], $0xF7A  }
0x26: {  	[smem:$0x3F97] =	sst s1;
	(tag) =	ssettag s2;
	_ =	strace s9  }
0x27: {  	s1 =	sld [smem:$0x3FA7]  }
0x28: {  	s2 =	sld [smem:$0x3FA8]  }
0x29: {  	s4 =	sld [smem:$0x3FAA]  }
0x2a: {  	p0 =	seq.s32 s5, $0x0;
	s5 =	sld [smem:$0x3FAB]  }
0x2b: {  	s6 =	sld [smem:$0x3FAC]  }
0x2c: {  	s7 =	sld [smem:$0x3FAD]  }
0x2d: {  	s3 =	simm.s32 $0x108;
	s8 =	sld [smem:$0x3FAE]  }
0x2e: {  	s3 =	simm.s32 @!p0 $0x1082;
	s9 =	sld [smem:$0x3FAF]  }
0x2f: {  	lr =	sadd.s32 s0, s3;
	s0 =	sld [smem:$0x3FA6]  }
0x30: {  	s3 =	sld [smem:$0x3FA9]  }
0x31: {  	[smem:$0x3FB2] =	sst s10  }
0x32: {  	s10 =	sld [smem:$0x3FB0];
	_ =	sdelay $0x3  }
0x33: {  	p0 =	seq.s32 s10, $0x1;
	s10 =	sld [smem:$0x3FB2];
	_ =	sdelay $0x3  }
0x34: {  	[smem:$0x3FB2] =	sst s10  }
0x35: {  	s10 =	sld [smem:$0x3FB1];
	_ =	sdelay $0x3  }
0x36: {  	p1 =	seq.s32 s10, $0x1;
	s10 =	sld [smem:$0x3FB2];
	_ =	sdelay $0x3  }
0x37: {  	[smem:$0x3FB2] =	sst s10  }
0x38: {  	s10 =	sld [smem:$0x3FB3]  }
0x39: {  	_ = 	snop;
	(pc) =	sbr.ind lr, $3  }
0x3a: {  	_ = 	snop  }
0x3b: {  	_ = 	snop  }
0x3c: {  	p2 =	seq.s32 s10, $0x1;
	s10 =	sld [smem:$0x3FB2]  }
0x3d: {  	_ =	shalt  }
0x3e: {  	_ =	shalt  }
0x3f: {  	_ =	shalt  }
0x40: {  	_ =	shalt  }
0x41: {  	_ =	shalt  }
0x42: {  	_ =	shalt  }
0x43: {  	_ =	shalt  }
0x44: {  	_ =	shalt  }
0x45: {  	_ =	shalt  }
0x46: {  	_ =	shalt  }
0x47: {  	_ =	shalt  }
0x48: {  	_ =	shalt  }
0x49: {  	_ =	shalt  }
0x4a: {  	_ =	shalt  }
0x4b: {  	_ =	shalt  }
0x4c: {  	_ =	shalt  }
0x4d: {  	_ =	shalt  }
0x4e: {  	_ =	shalt  }
0x4f: {  	_ =	shalt  }
0x50: {  	_ =	shalt  }
0x51: {  	_ =	shalt  }
0x52: {  	_ =	shalt  }
0x53: {  	_ =	shalt  }
0x54: {  	_ =	shalt  }
0x55: {  	_ =	shalt  }
0x56: {  	_ =	shalt  }
0x57: {  	_ =	shalt  }
0x58: {  	_ =	shalt  }
0x59: {  	_ =	shalt  }
0x5a: {  	_ =	shalt  }
0x5b: {  	_ =	shalt  }
0x5c: {  	_ =	shalt  }
0x5d: {  	_ =	shalt  }
0x5e: {  	_ =	shalt  }
0x5f: {  	_ =	shalt  }
0x60: {  	_ =	shalt  }
0x61: {  	_ =	shalt  }
0x62: {  	_ =	shalt  }
0x63: {  	_ =	shalt  }
0x64: {  	_ =	shalt  }
0x65: {  	_ =	shalt  }
0x66: {  	_ =	shalt  }
0x67: {  	_ =	shalt  }
0x68: {  	_ =	shalt  }
0x69: {  	_ =	shalt  }
0x6a: {  	_ =	shalt  }
0x6b: {  	_ =	shalt  }
0x6c: {  	_ =	shalt  }
0x6d: {  	_ =	shalt  }
0x6e: {  	_ =	shalt  }
0x6f: {  	_ =	shalt  }
0x70: {  	_ =	shalt  }
0x71: {  	_ =	shalt  }
0x72: {  	_ =	shalt  }
0x73: {  	_ =	shalt  }
0x74: {  	_ =	shalt  }
0x75: {  	_ =	shalt  }
0x76: {  	_ =	shalt  }
0x77: {  	_ =	shalt  }
0x78: {  	_ =	shalt  }
0x79: {  	_ =	shalt  }
0x7a: {  	_ =	shalt  }
0x7b: {  	_ =	shalt  }
0x7c: {  	_ =	shalt  }
0x7d: {  	_ =	shalt  }
0x7e: {  	_ =	shalt  }
0x7f: {  	_ =	shalt  }
0x80: {  	_ =	shalt  }
0x81: {  	_ =	shalt  }
0x82: {  	_ =	shalt  }
0x83: {  	_ =	shalt  }
0x84: {  	_ =	shalt  }
0x85: {  	_ =	shalt  }
0x86: {  	_ =	shalt  }
0x87: {  	_ =	shalt  }
.Lfunc_end0:
.L_simem_size_0:
called_computation.1_lowered:
.L_overlay_start_0:
0x88: {  	s2 =	sld [smem:$0x3FD9]  }
0x89: {  	s3 =	sld [smem:$0x3FFE];
	_ =	sdelay $0x1  }
0x8a: {  	s1 =	srdreg.scid  }
0x8b: {  	s0 =	sand.u32 $0x1, s1  }
0x8c: {  	s17 =	sshll.u32 s0, $0xA;
	s2 =	sadd.s32 s3, s2  }
0x8d: {  	s2 =	sadd.s32 s2, s17  }
0x8e: {  	[smem:$0x3FBE] =	sst s2  }
0x8f: {  	_ = 	snop  }
0x90: {  	s2 =	sld [smem:$0x3FC9]  }
0x91: {  	s18 =	sld [smem:$0x3FC8];
	(tm) =	ssettm $0x1  }
0x92: {  	s4 =	sld [smem:$0x3FFB];
	_ =	sdelay $0x3  }
0x93: {  	_ =	strace s4  }
0x94: {  	s4 =	sld [smem:$0x3FFC];
	_ =	sdelay $0x3  }
0x95: {  	_ =	strace s4  }
0x96: {  	s4 =	sld [smem:$0x3FFD];
	_ =	sdelay $0x3  }
0x97: {  	_ =	strace s4  }
0x98: {  	_ =	strace $0x8FFFFFFF  }
0x99: {  	s19 =	sld [smem:$0x3FDB];
	_ =	sdelay $0x1  }
0x9a: {  	s5 =	simm.s32 $_scs_section_size  }
0x9b: {  	s6 =	simm.s32 $_size__tile_overlayer_lowered;
	s7 =	simm.s32 $_tile_overlayer_lowered  }
0x9c: {  	s22 =	simm.s32 $0x1BFF;
	s21 =	sshll.u32 s7, $0x1;
	s4 =	sadd.s32 s5, s19  }
0x9d: {  	s8 =	simm.s32 $0x0;
	s20 =	sshll.u32 s6, $0x1;
	s6 =	sadd.s32 s21, s4  }
0x9e: {  	[timem:s8], [sflag:s22] =	dma.local [hbm:s6], s20  }
0x9f: {  	_ =	swait.ge [sflag:s22], s20  }
0xa0: {  	s5 =	ssub.s32 $0x0, s20;
	[sflag:s22] =	ssyncset.done $0x0  }
0xa1: {  	[sflag:s22] =	ssyncadd.s32 s5;
	_ =	sdelay $0x1  }
0xa2: {  	s23 =	simm.s32 $0x1B8B  }
0xa3: {  	_ =	swait.ge [sflag:s23], $0x1  }
0xa4: {  	[sflag:s23] =	ssyncset.done $0x0  }
0xa5: {  	s25 =	simm.s32 $0x1B8E;
	s24 =	sld [smem:$0x3FFE];
	[sflag:s23] =	ssyncadd.s32 $0xFFFFFFFF  }
0xa6: {  	s26 =	simm.s32 $execute0_lowered;
	[smem:$0x3FD2] =	sst s25  }
0xa7: {  	s6 =	sshll.u32 s26, $0x1;
	_ =	strace $0x80000049;
	[dreg:$0x1] =	wrdreg $0xFFFFFFFF  }
0xa8: {  	s28 =	simm.s32 $_size_execute0_lowered;
	s4 =	sadd.s32 s4, s6;
	[dreg:$0x0] =	wrdreg $0x0  }
0xa9: {  	s6 =	sshll.u32 s28, $0x1;
	[dreg:$0x2] =	wrdreg s4  }
0xaa: {  	[dreg:$0x3] =	wrdreg s6  }
0xab: {  	[dreg:$0x4] =	wrdreg $0xC0  }
0xac: {  	_ =	task [dreg:s8], $0x5FFFF  }
0xad: {  	[dreg:$0x1] =	wrdreg $0xFFFFFFFF  }
0xae: {  	[dreg:$0x0] =	wrdreg $0x60  }
0xaf: {  	[dreg:$0x2] =	wrdreg s2  }
0xb0: {  	[dreg:$0x3] =	wrdreg s18  }
0xb1: {  	[dreg:$0x4] =	wrdreg s24  }
0xb2: {  	[dreg:$0x5] =	wrdreg $0x9  }
0xb3: {  	_ =	task.clear_ibuf [dreg:s8], $0x6FFFF;
	_ =	strace $0x90000049  }
0xb4: {  	s29 =	simm.s32 $0x9;
	_ =	strace $0x8000004B  }
0xb5: {  	_ =	swait.ge [sflag:s29], $0x1  }
0xb6: {  	[sflag:s29] =	ssyncadd.s32 $0xFFFFFFFF  }
0xb7: {  	_ =	strace $0x9000004B  }
0xb8: {  	_ =	sfence  }
0xb9: {  	s30 =	sld [smem:$0x0];
	_ =	sdelay $0x2  }
0xba: {  	s31 =	sshll.u32 s1, $0xD;
	s1 =	sshrl.u32 s1, $0x2  }
0xbb: {  	s3 =	sand.u32 $0x4000, s31;
	s1 =	sadd.s32 s1, s30  }
0xbc: {  	s0 =	sor.u32 s3, s0;
	s1 =	sshll.u32 s1, $0x11  }
0xbd: {  	s0 =	sor.u32 s1, s0  }
0xbe: {  	s0 =	sadd.s32 $0x8F2B, s0  }
0xbf: {  	[sflag:s0] =	ssyncadd.remote.s32 $0x1  }
0xc0: {  	_ =	sfence.sel $0xFFFF  }
0xc1: {  	[dreg:$0x0] =	wrdreg $0xFFFFFFFF;
	(pc) =	sbr.abs _section_cstart, $3  }
0xc2: {  	[dreg:$0x1] =	wrdreg $0xFFFFFFFF  }
0xc3: {  	_ =	task.clear_ibuf [dreg:s8], $0x2FFFF;
	_ =	strace $0x9FFFFFFF  }
0xc4: {  	(tm) =	ssettm $0x7FFFFFFF  }
0xc5: {  	_ =	shalt  }
tec
execute0_lowered:
.L_overlay_start_1:
0x0: {  	(tag) =	ssettag $0x1  }
0x1: {  	s1 =	srdreg.scid  }
0x2: {  	s3 =	rddreg [dreg:$0x0];
	s0 =	stileid.u32;
	s29 =	sand.u32 $0x1, s1  }
0x3: {  	s5 =	rddreg [dreg:$0x1];
	s4 =	sshll.u32 s0, $0xA;
	s6 =	sshll.u32 s29, $0x9  }
0x4: {  	s17 =	rddreg [dreg:$0x2];
	s2 =	simm.s32 $0x0;
	s16 =	sor.u32 s6, s4  }
0x5: {  	[smem:$0x7FF] =	sst s2;
	s6 =	sshrl.u32 s16, $0x3  }
0x6: {  	_ =	strace $0x8000004A;
	s4 =	sadd.s32 s3, s6;
	s3 =	simm.s32 $0x5  }
0x7: {  	[tilespmem:s2], [sflag:$0x5] =	stream.linear.gather [hbm4b:s4+s2], $0x200, $0x38;
	[tilespmem:$0x10400] =	vst v63  }
0x8: {  	_ =	swait.ge [sflag:s3], $0x200  }
0x9: {  	[sflag:s3] =	ssyncset.done $0x0  }
0xa: {  	s5 =	sadd.s32 s5, s6;
	s6 =	simm.s32 $0x200;
	[sflag:s3] =	ssyncadd.s32 $0xFFFFFE00  }
0xb: {  	[tilespmem:s6], [sflag:$0x5] =	stream.linear.gather [hbm4b:s5+s2], $0x200, $0x38;
	[tilespmem:$0x10400] =	vst v63  }
0xc: {  	_ =	swait.ge [sflag:s3], $0x200  }
0xd: {  	s8 =	simm.s32 $0x80;
	[sflag:s3] =	ssyncset.done $0x0  }
0xe: {  	s9 =	simm.s32 $0x400;
	s7 =	sadd.s32 $0x101C00, s17;
	[sflag:s3] =	ssyncadd.s32 $0xFFFFFE00  }
0xf: {  	[tilespmem:s9], [sflag:$0x1] =	stream.indirect.gather [hbm4b:s7+s8], $0x80, s2, s8, $0xb8;
	[tilespmem:$0x10400] =	vst v63  }
0x10: {  	s10 =	simm.s32 $0x8400  }
0x11: {  	[tilespmem:s10], [sflag:$0x3] =	stream.indirect.gather [hbm4b:s7+s8], $0x80, s6, s8, $0xb8;
	[tilespmem:$0x10400] =	vst v63  }
0x12: {  	s11 =	simm.s32 $0x4400  }
0x13: {  	[tilespmem:s11], [sflag:$0x2] =	stream.indirect.gather [hbm4b:s7+s8], $0x80, s8, s8, $0xb8;
	[tilespmem:$0x10400] =	vst v63  }
0x14: {  	s12 =	simm.s32 $0x280;
	s13 =	simm.s32 $0xC400;
	s14 =	simm.s32 $0x1  }
0x15: {  	[tilespmem:s13], [sflag:$0x4] =	stream.indirect.gather [hbm4b:s7+s8], $0x80, s12, s8, $0xb8;
	[tilespmem:$0x10400] =	vst v63  }
0x16: {  	_ =	swait.ge [sflag:s14], $0x4000  }
0x17: {  	[sflag:s14] =	ssyncset.done $0x0  }
0x18: {  	s15 =	simm.s32 $0x3;
	[sflag:s14] =	ssyncadd.s32 $0xFFFFC000  }
0x19: {  	_ =	swait.ge [sflag:s15], $0x4000  }
0x1a: {  	s30 =	sadd.s32 $0x288C00, s17;
	s0 =	sshll.u32 s16, $0x4;
	[sflag:s15] =	ssyncset.done $0x0  }
0x1b: {  	s16 =	sadd.s32 s30, s0;
	[sflag:s15] =	ssyncadd.s32 $0xFFFFC000  }
0x1c: {  	[hbm4b:s16+s2] =	stream.linear.scatter [tilespmem:s9], [sflag:$0x5], $0x4000, $0x38;
	[tilespmem:$0x10400] =	vst v63  }
0x1d: {  	_ =	swait.ge [sflag:s3], $0x4000  }
0x1e: {  	s31 =	sadd.s32 $0x2C8C00, s17;
	[sflag:s3] =	ssyncset.done $0x0  }
0x1f: {  	s17 =	sadd.s32 s31, s0;
	[sflag:s3] =	ssyncadd.s32 $0xFFFFC000  }
0x20: {  	[hbm4b:s17+s2] =	stream.linear.scatter [tilespmem:s10], [sflag:$0x5], $0x4000, $0x38;
	[tilespmem:$0x10400] =	vst v63  }
0x21: {  	_ =	swait.ge [sflag:s3], $0x4000  }
0x22: {  	[sflag:s3] =	ssyncset.done $0x0  }
0x23: {  	s18 =	simm.s32 $0x100;
	[sflag:s3] =	ssyncadd.s32 $0xFFFFC000  }
0x24: {  	[tilespmem:s9], [sflag:$0x1] =	stream.indirect.gather [hbm4b:s7+s8], $0x80, s18, s8, $0xb8;
	[tilespmem:$0x10400] =	vst v63  }
0x25: {  	s19 =	simm.s32 $0x300;
	s20 =	simm.s32 $0x2  }
0x26: {  	[tilespmem:s10], [sflag:$0x3] =	stream.indirect.gather [hbm4b:s7+s8], $0x80, s19, s8, $0xb8;
	[tilespmem:$0x10400] =	vst v63  }
0x27: {  	_ =	swait.ge [sflag:s20], $0x4000  }
0x28: {  	[sflag:s20] =	ssyncset.done $0x0  }
0x29: {  	s21 =	simm.s32 $0x4;
	[sflag:s20] =	ssyncadd.s32 $0xFFFFC000  }
0x2a: {  	_ =	swait.ge [sflag:s21], $0x4000  }
0x2b: {  	s23 =	sor.u32 $0x800, s0;
	[sflag:s21] =	ssyncset.done $0x0  }
0x2c: {  	s22 =	sadd.s32 s30, s23;
	[sflag:s21] =	ssyncadd.s32 $0xFFFFC000  }
0x2d: {  	[hbm4b:s22+s2] =	stream.linear.scatter [tilespmem:s11], [sflag:$0x5], $0x4000, $0x38;
	[tilespmem:$0x10400] =	vst v63  }
0x2e: {  	_ =	swait.ge [sflag:s3], $0x4000  }
0x2f: {  	[sflag:s3] =	ssyncset.done $0x0  }
0x30: {  	s23 =	sadd.s32 s31, s23;
	[sflag:s3] =	ssyncadd.s32 $0xFFFFC000  }
0x31: {  	[hbm4b:s23+s2] =	stream.linear.scatter [tilespmem:s13], [sflag:$0x5], $0x4000, $0x38;
	[tilespmem:$0x10400] =	vst v63  }
0x32: {  	_ =	swait.ge [sflag:s3], $0x4000  }
0x33: {  	[sflag:s3] =	ssyncset.done $0x0  }
0x34: {  	s24 =	simm.s32 $0x180;
	[sflag:s3] =	ssyncadd.s32 $0xFFFFC000  }
0x35: {  	[tilespmem:s11], [sflag:$0x2] =	stream.indirect.gather [hbm4b:s7+s8], $0x80, s24, s8, $0xb8;
	[tilespmem:$0x10400] =	vst v63  }
0x36: {  	s25 =	simm.s32 $0x380  }
0x37: {  	[tilespmem:s13], [sflag:$0x4] =	stream.indirect.gather [hbm4b:s7+s8], $0x80, s25, s8, $0xb8;
	[tilespmem:$0x10400] =	vst v63  }
0x38: {  	_ =	swait.ge [sflag:s14], $0x4000  }
0x39: {  	[sflag:s14] =	ssyncset.done $0x0  }
0x3a: {  	[sflag:s14] =	ssyncadd.s32 $0xFFFFC000  }
0x3b: {  	_ =	swait.ge [sflag:s15], $0x4000  }
0x3c: {  	s28 =	sor.u32 $0x1000, s0;
	[sflag:s15] =	ssyncset.done $0x0  }
0x3d: {  	s26 =	sadd.s32 s30, s28;
	[sflag:s15] =	ssyncadd.s32 $0xFFFFC000  }
0x3e: {  	[hbm4b:s26+s2] =	stream.linear.scatter [tilespmem:s9], [sflag:$0x5], $0x4000, $0x38;
	[tilespmem:$0x10400] =	vst v63  }
0x3f: {  	_ =	swait.ge [sflag:s3], $0x4000  }
0x40: {  	[sflag:s3] =	ssyncset.done $0x0  }
0x41: {  	s28 =	sadd.s32 s31, s28;
	[sflag:s3] =	ssyncadd.s32 $0xFFFFC000  }
0x42: {  	[hbm4b:s28+s2] =	stream.linear.scatter [tilespmem:s10], [sflag:$0x5], $0x4000, $0x38;
	[tilespmem:$0x10400] =	vst v63  }
0x43: {  	_ =	swait.ge [sflag:s3], $0x4000  }
0x44: {  	[sflag:s3] =	ssyncset.done $0x0  }
0x45: {  	[sflag:s3] =	ssyncadd.s32 $0xFFFFC000  }
0x46: {  	_ =	swait.ge [sflag:s20], $0x4000  }
0x47: {  	[sflag:s20] =	ssyncset.done $0x0  }
0x48: {  	s1 =	sor.u32 $0x1800, s0;
	s0 =	ssub.s32 $0x2, s29;
	[sflag:s20] =	ssyncadd.s32 $0xFFFFC000  }
0x49: {  	s29 =	sadd.s32 s30, s1;
	s30 =	sshrl.u32 s0, $0x1;
	_ =	swait.ge [sflag:s21], $0x4000  }
0x4a: {  	s0 =	ssub.s32 s0, s30;
	[sflag:s21] =	ssyncset.done $0x0  }
0x4b: {  	s0 =	smax.u32 s0, $0x1;
	[sflag:s21] =	ssyncadd.s32 $0xFFFFC000  }
0x4c: {  	[hbm4b:s29+s2] =	stream.linear.scatter [tilespmem:s11], [sflag:$0x5], $0x4000, $0x38;
	[tilespmem:$0x10400] =	vst v63  }
0x4d: {  	p0 =	sne.s32 s0, $0x1;
	_ =	swait.ge [sflag:s3], $0x4000  }
.Ltmp0:
0x4e: {  	[sflag:s3] =	ssyncset.done $0x0;
	(pc) =	sbr.rel @!p0 .LBB2_2-.Ltmp0, $4  }
0x4f: {  	s30 =	sadd.s32 s31, s1;
	[sflag:s3] =	ssyncadd.s32 $0xFFFFC000  }
0x50: {  	[hbm4b:s30+s2] =	stream.linear.scatter [tilespmem:s13], [sflag:$0x5], $0x4000, $0x38;
	[tilespmem:$0x10400] =	vst v63  }
0x51: {  	_ =	swait.ge [sflag:s3], $0x4000  }
0x52: {  	s31 =	sadd.s32 $0xFFFFFFFF, s0;
	[sflag:s3] =	ssyncset.done $0x0  }
.LBB2_1:
0x53: {  	p0 =	sne.s32 s31, $0x1;
	s31 =	sadd.s32 $0xFFFFFFFF, s31;
	[sflag:s3] =	ssyncadd.s32 $0xFFFFC000  }
0x54: {  	[tilespmem:s2], [sflag:$0x5] =	stream.linear.gather [hbm4b:s4+s2], $0x200, $0x38;
	[tilespmem:$0x10400] =	vst v63  }
0x55: {  	_ =	swait.ge [sflag:s3], $0x200  }
0x56: {  	[sflag:s3] =	ssyncset.done $0x0  }
0x57: {  	[sflag:s3] =	ssyncadd.s32 $0xFFFFFE00  }
0x58: {  	[tilespmem:s6], [sflag:$0x5] =	stream.linear.gather [hbm4b:s5+s2], $0x200, $0x38;
	[tilespmem:$0x10400] =	vst v63  }
0x59: {  	_ =	swait.ge [sflag:s3], $0x200  }
0x5a: {  	[sflag:s3] =	ssyncset.done $0x0  }
0x5b: {  	[sflag:s3] =	ssyncadd.s32 $0xFFFFFE00  }
0x5c: {  	[tilespmem:s9], [sflag:$0x1] =	stream.indirect.gather [hbm4b:s7+s8], $0x80, s2, s8, $0xb8;
	[tilespmem:$0x10400] =	vst v63  }
0x5d: {  	_ = 	snop  }
0x5e: {  	[tilespmem:s10], [sflag:$0x3] =	stream.indirect.gather [hbm4b:s7+s8], $0x80, s6, s8, $0xb8;
	[tilespmem:$0x10400] =	vst v63  }
0x5f: {  	_ = 	snop  }
0x60: {  	[tilespmem:s11], [sflag:$0x2] =	stream.indirect.gather [hbm4b:s7+s8], $0x80, s8, s8, $0xb8;
	[tilespmem:$0x10400] =	vst v63  }
0x61: {  	_ = 	snop  }
0x62: {  	[tilespmem:s13], [sflag:$0x4] =	stream.indirect.gather [hbm4b:s7+s8], $0x80, s12, s8, $0xb8;
	[tilespmem:$0x10400] =	vst v63  }
0x63: {  	_ =	swait.ge [sflag:s14], $0x4000  }
0x64: {  	[sflag:s14] =	ssyncset.done $0x0  }
0x65: {  	[sflag:s14] =	ssyncadd.s32 $0xFFFFC000  }
0x66: {  	_ =	swait.ge [sflag:s15], $0x4000  }
0x67: {  	[sflag:s15] =	ssyncset.done $0x0  }
0x68: {  	[sflag:s15] =	ssyncadd.s32 $0xFFFFC000  }
0x69: {  	[hbm4b:s16+s2] =	stream.linear.scatter [tilespmem:s9], [sflag:$0x5], $0x4000, $0x38;
	[tilespmem:$0x10400] =	vst v63  }
0x6a: {  	_ =	swait.ge [sflag:s3], $0x4000  }
0x6b: {  	[sflag:s3] =	ssyncset.done $0x0  }
0x6c: {  	[sflag:s3] =	ssyncadd.s32 $0xFFFFC000  }
0x6d: {  	[hbm4b:s17+s2] =	stream.linear.scatter [tilespmem:s10], [sflag:$0x5], $0x4000, $0x38;
	[tilespmem:$0x10400] =	vst v63  }
0x6e: {  	_ =	swait.ge [sflag:s3], $0x4000  }
0x6f: {  	[sflag:s3] =	ssyncset.done $0x0  }
0x70: {  	[sflag:s3] =	ssyncadd.s32 $0xFFFFC000  }
0x71: {  	[tilespmem:s9], [sflag:$0x1] =	stream.indirect.gather [hbm4b:s7+s8], $0x80, s18, s8, $0xb8;
	[tilespmem:$0x10400] =	vst v63  }
0x72: {  	_ = 	snop  }
0x73: {  	[tilespmem:s10], [sflag:$0x3] =	stream.indirect.gather [hbm4b:s7+s8], $0x80, s19, s8, $0xb8;
	[tilespmem:$0x10400] =	vst v63  }
0x74: {  	_ =	swait.ge [sflag:s20], $0x4000  }
0x75: {  	[sflag:s20] =	ssyncset.done $0x0  }
0x76: {  	[sflag:s20] =	ssyncadd.s32 $0xFFFFC000  }
0x77: {  	_ =	swait.ge [sflag:s21], $0x4000  }
0x78: {  	[sflag:s21] =	ssyncset.done $0x0  }
0x79: {  	[sflag:s21] =	ssyncadd.s32 $0xFFFFC000  }
0x7a: {  	[hbm4b:s22+s2] =	stream.linear.scatter [tilespmem:s11], [sflag:$0x5], $0x4000, $0x38;
	[tilespmem:$0x10400] =	vst v63  }
0x7b: {  	_ =	swait.ge [sflag:s3], $0x4000  }
0x7c: {  	[sflag:s3] =	ssyncset.done $0x0  }
0x7d: {  	[sflag:s3] =	ssyncadd.s32 $0xFFFFC000  }
0x7e: {  	[hbm4b:s23+s2] =	stream.linear.scatter [tilespmem:s13], [sflag:$0x5], $0x4000, $0x38;
	[tilespmem:$0x10400] =	vst v63  }
0x7f: {  	_ =	swait.ge [sflag:s3], $0x4000  }
0x80: {  	[sflag:s3] =	ssyncset.done $0x0  }
0x81: {  	[sflag:s3] =	ssyncadd.s32 $0xFFFFC000  }
0x82: {  	[tilespmem:s11], [sflag:$0x2] =	stream.indirect.gather [hbm4b:s7+s8], $0x80, s24, s8, $0xb8;
	[tilespmem:$0x10400] =	vst v63  }
0x83: {  	_ = 	snop  }
0x84: {  	[tilespmem:s13], [sflag:$0x4] =	stream.indirect.gather [hbm4b:s7+s8], $0x80, s25, s8, $0xb8;
	[tilespmem:$0x10400] =	vst v63  }
0x85: {  	_ =	swait.ge [sflag:s14], $0x4000  }
0x86: {  	[sflag:s14] =	ssyncset.done $0x0  }
0x87: {  	[sflag:s14] =	ssyncadd.s32 $0xFFFFC000  }
0x88: {  	_ =	swait.ge [sflag:s15], $0x4000  }
0x89: {  	[sflag:s15] =	ssyncset.done $0x0  }
0x8a: {  	[sflag:s15] =	ssyncadd.s32 $0xFFFFC000  }
0x8b: {  	[hbm4b:s26+s2] =	stream.linear.scatter [tilespmem:s9], [sflag:$0x5], $0x4000, $0x38;
	[tilespmem:$0x10400] =	vst v63  }
0x8c: {  	_ =	swait.ge [sflag:s3], $0x4000  }
0x8d: {  	[sflag:s3] =	ssyncset.done $0x0  }
0x8e: {  	[sflag:s3] =	ssyncadd.s32 $0xFFFFC000  }
0x8f: {  	[hbm4b:s28+s2] =	stream.linear.scatter [tilespmem:s10], [sflag:$0x5], $0x4000, $0x38;
	[tilespmem:$0x10400] =	vst v63  }
0x90: {  	_ =	swait.ge [sflag:s3], $0x4000  }
0x91: {  	[sflag:s3] =	ssyncset.done $0x0  }
0x92: {  	[sflag:s3] =	ssyncadd.s32 $0xFFFFC000  }
0x93: {  	_ =	swait.ge [sflag:s20], $0x4000  }
0x94: {  	[sflag:s20] =	ssyncset.done $0x0  }
0x95: {  	[sflag:s20] =	ssyncadd.s32 $0xFFFFC000  }
0x96: {  	_ =	swait.ge [sflag:s21], $0x4000  }
0x97: {  	[sflag:s21] =	ssyncset.done $0x0  }
0x98: {  	[sflag:s21] =	ssyncadd.s32 $0xFFFFC000  }
0x99: {  	[hbm4b:s29+s2] =	stream.linear.scatter [tilespmem:s11], [sflag:$0x5], $0x4000, $0x38;
	[tilespmem:$0x10400] =	vst v63  }
0x9a: {  	_ =	swait.ge [sflag:s3], $0x4000  }
.Ltmp1:
0x9b: {  	[sflag:s3] =	ssyncset.done $0x0;
	(pc) =	sbr.rel @p0 .LBB2_1-.Ltmp1, $4  }
0x9c: {  	[sflag:s3] =	ssyncadd.s32 $0xFFFFC000  }
0x9d: {  	[hbm4b:s30+s2] =	stream.linear.scatter [tilespmem:s13], [sflag:$0x5], $0x4000, $0x38;
	[tilespmem:$0x10400] =	vst v63  }
0x9e: {  	_ =	swait.ge [sflag:s3], $0x4000  }
0x9f: {  	[sflag:s3] =	ssyncset.done $0x0  }
.LBB2_2:
0xa0: {  	[sflag:s3] =	ssyncadd.s32 $0xFFFFC000  }
0xa1: {  	_ =	sfence.sel $0x180000  }
0xa2: {  	[bflag:$0x0] =	sbarrier.arrive $0xFFFF  }
0xa3: {  	_ =	strace $0x9000004A  }
0xa4: {  	s0 =	stileid.u32;
	[bflag:$0x2] =	sbarrier.arrive $0xFFFF  }
0xa5: {  	p0 =	sne.s32 s0, $0x0;
	s0 =	rddreg [dreg:$0x3]  }
0xa6: {  	s0 =	sadd.s32 @!p0 $0x100000, s0  }
0xa7: {  	[sflag:s0] =	ssyncadd.tile.s32 @!p0 $0x1;
	_ =	shalt  }
.Lfunc_end2:
_tile_overlayer_lowered:
.L_overlay_start_2:
0xa8: {  	(tag) =	ssettag $0x2  }
0xa9: {  	s0 =	rddreg [dreg:$0x0];
	s2 =	stileid.u32  }
0xaa: {  	s1 =	rddreg [dreg:$0x1];
	p0 =	sne.s32 s2, $0x0  }
0xab: {  	s3 =	rddreg [dreg:$0x2];
	[bflag:$0x3] =	sbarrier.arrive $0xFFFF;
	s2 =	simm.s32 @!p0 $0x1C05  }
0xac: {  	[timem:s3], [sflag:s2] =	dma.local @!p0 [hbm:s0], s1  }
0xad: {  	s0 =	simm.s32 @!p0 $0x5  }
0xae: {  	_ =	swait.ge @!p0 [sflag:s0], s1  }
0xaf: {  	s1 =	ssub.s32 @!p0 $0x0, s1;
	[sflag:s0] =	ssyncset.done @!p0 $0x0  }
0xb0: {  	[sflag:s0] =	ssyncadd.s32 @!p0 s1  }
0xb1: {  	[bflag:$0x3] =	sbarrier.arrive $0xFFFF  }
0xb2: {  	_ =	shalt  }

</sc_bundles>
